<compile_context>
chip_gen: v7x
topology: tpu7x:2x2x1
jax: 0.10.2.dev20260603
libtpu: 0.0.44.dev20260713+nightly
codegen_flags: <defaults>
</compile_context>

<pallas_src>
import functools

import jax
import jax.numpy as jnp
from jax import lax
from jax.experimental import pallas as pl
from jax.experimental.pallas import tpu as pltpu
from jax.experimental.pallas import tpu_sc as plsc

N = 10000
N_PAD = 10112
E = 320000
D = 128
K = 4
NC = 2
NS = 16
NW = NC * NS
CH = 64
NCH_T = 160
NCH_TOT = NCH_T * NW
E_PAD = NCH_TOT * CH
ROWS_PER_TILE = N_PAD // NS
NBUF = 5
EPT = E_PAD // NW
DBLK = 1024
DNB = EPT // DBLK


@functools.lru_cache(maxsize=None)
def _sc_mesh():
    return plsc.VectorSubcoreMesh(
        core_axis_name="c", subcore_axis_name="s",
        num_cores=NC, num_subcores=NS)


def _zero_acc_slice(acc, zbuf, zr, sid):
    zero16 = jnp.zeros((16,), jnp.float32)

    def zbody(i, _):
        for j in range(D // 16):
            zbuf[i, pl.ds(j * 16, 16)] = zero16
        return 0
    lax.fori_loop(0, zr, zbody, 0)
    base = sid * ROWS_PER_TILE
    nfull, tail = divmod(ROWS_PER_TILE, zr)
    for p in range(nfull):
        pltpu.sync_copy(zbuf, acc.at[pl.ds(base + p * zr, zr)])
    if tail:
        pltpu.sync_copy(zbuf.at[pl.ds(0, tail)],
                        acc.at[pl.ds(base + nfull * zr, tail)])



def _lane_shift(v, idx):
    dn = lax.GatherDimensionNumbers(offset_dims=(), collapsed_slice_dims=(0,),
                                    start_index_map=(0,))
    return lax.gather(v, idx[:, None], dn, (1,),
                      mode=lax.GatherScatterMode.PROMISE_IN_BOUNDS)


def _deg_body(colf, out, deg_loc, cbuf, i0, i1):
    cid = lax.axis_index("c")
    sid = lax.axis_index("s")
    wid = cid * NS + sid
    isem = (i0, i1)
    ebase = wid * EPT

    zero16 = jnp.zeros((16,), jnp.float32)
    iota = lax.iota(jnp.int32, 16)

    def z(i, _):
        deg_loc[pl.ds(i * 16, 16)] = zero16
        return 0
    lax.fori_loop(0, N_PAD // 16, z, 0)

    pltpu.async_copy(colf.at[pl.ds(ebase, DBLK)], cbuf.at[0], isem[0])

    def blk(h, _):
        for p in range(2):
            @pl.when(lax.rem(h, 2) == p)
            def _run(p=p):
                pltpu.make_async_copy(
                    colf.at[pl.ds(ebase, DBLK)], cbuf.at[p], isem[p]).wait()

                @pl.when(h + 1 < DNB)
                def _pf():
                    pltpu.async_copy(
                        colf.at[pl.ds(ebase + (h + 1) * DBLK, DBLK)],
                        cbuf.at[1 - p], isem[1 - p])

                def step(j, _):
                    idx16 = cbuf[p, pl.ds(j * 16, 16)]
                    sidx = lax.sort(idx16)
                    prev = _lane_shift(sidx, jnp.maximum(iota - 1, 0))
                    nxt = _lane_shift(sidx, jnp.minimum(iota + 1, 15))
                    is_start = jnp.logical_or(iota == 0, sidx != prev)
                    is_end = jnp.logical_or(iota == 15, sidx != nxt)
                    start_pos = plsc.cummax(jnp.where(is_start, iota, 0))
                    cnt = (iota - start_pos + 1).astype(jnp.float32)
                    g = plsc.load_gather(deg_loc, [sidx])
                    plsc.store_scatter(deg_loc, [sidx], g + cnt, mask=is_end)
                    return 0
                lax.fori_loop(0, DBLK // 16, step, 0)
        return 0
    lax.fori_loop(0, DNB, blk, 0)

    pltpu.sync_copy(deg_loc, out.at[wid, 0])


@functools.lru_cache(maxsize=None)
def _deg_call():
  return pl.kernel(
    _deg_body,
    out_type=jax.ShapeDtypeStruct((NW, 1, N_PAD), jnp.float32),
    mesh=_sc_mesh(),
    compiler_params=pltpu.CompilerParams(needs_layout_passes=False),
    scratch_types=[
        pltpu.VMEM((N_PAD,), jnp.float32),
        pltpu.VMEM((2, DBLK), jnp.int32),
        pltpu.SemaphoreType.DMA,
        pltpu.SemaphoreType.DMA,
    ],
  )


GS_NGRP = NCH_T // NBUF
GS_FULL = (NCH_T // NBUF) * NBUF


def _gs_body(xs, row2, col2, out, acc, ribuf, cibuf, gbuf, *sems):
    cid = lax.axis_index("c")
    sid = lax.axis_index("s")
    wid = cid * NS + sid
    gsem = sems[0:NBUF]
    ssem = sems[NBUF:2 * NBUF]
    irsem = sems[2 * NBUF:3 * NBUF]
    icsem = sems[3 * NBUF:4 * NBUF]
    cbase = wid * NCH_T

    _zero_acc_slice(acc, gbuf.at[0], CH, sid)
    plsc.subcore_barrier()

    for b in range(NBUF):
        pltpu.sync_copy(row2.at[cbase + b], ribuf.at[b])
        pltpu.sync_copy(col2.at[cbase + b], cibuf.at[b])
        pltpu.async_copy(xs.at[ribuf.at[b]], gbuf.at[b], gsem[b])

    def grp(g, _):
        base = g * NBUF
        for b in range(NBUF):
            i = base + b
            @pl.when(g > 0)
            def _wc(b=b):
                pltpu.make_async_copy(
                    col2.at[0], cibuf.at[b], icsem[b]).wait()
            pltpu.make_async_copy(
                xs.at[ribuf.at[b]], gbuf.at[b], gsem[b]).wait()
            pltpu.async_copy(gbuf.at[b], acc.at[cibuf.at[b]],
                             ssem[b], add=True)
            @pl.when(g + 1 < GS_NGRP)
            def _pr(b=b, i=i):
                pltpu.async_copy(row2.at[cbase + i + NBUF],
                                 ribuf.at[b], irsem[b])

        @pl.when(g + 1 < GS_NGRP)
        def _prefetch(base=base):
            for b in range(NBUF):
                i = base + b
                pltpu.make_async_copy(
                    gbuf.at[b], acc.at[cibuf.at[b]], ssem[b]).wait()
                pltpu.async_copy(col2.at[cbase + i + NBUF],
                                 cibuf.at[b], icsem[b])
                pltpu.make_async_copy(
                    row2.at[0], ribuf.at[b], irsem[b]).wait()
                pltpu.async_copy(xs.at[ribuf.at[b]], gbuf.at[b], gsem[b])
        return 0
    lax.fori_loop(0, GS_NGRP, grp, 0)
    for b in range(NBUF):
        pltpu.make_async_copy(
            gbuf.at[b], acc.at[cibuf.at[b]], ssem[b]).wait()

    for t in range(GS_FULL, NCH_T):
        b = t - GS_FULL
        pltpu.sync_copy(row2.at[cbase + t], ribuf.at[b])
        pltpu.sync_copy(col2.at[cbase + t], cibuf.at[b])
        pltpu.async_copy(xs.at[ribuf.at[b]], gbuf.at[b], gsem[b])
    for t in range(GS_FULL, NCH_T):
        b = t - GS_FULL
        pltpu.make_async_copy(
            xs.at[ribuf.at[b]], gbuf.at[b], gsem[b]).wait()
        pltpu.async_copy(gbuf.at[b], acc.at[cibuf.at[b]], ssem[b], add=True)
    for t in range(GS_FULL, NCH_T):
        b = t - GS_FULL
        pltpu.make_async_copy(
            gbuf.at[b], acc.at[cibuf.at[b]], ssem[b]).wait()

    plsc.subcore_barrier()
    rows = pl.ds(sid * ROWS_PER_TILE, ROWS_PER_TILE)
    pltpu.sync_copy(acc.at[rows], out.at[cid, rows])


@functools.lru_cache(maxsize=None)
def _gs_call():
  return pl.kernel(
    _gs_body,
    out_type=jax.ShapeDtypeStruct((NC, N_PAD, D), jnp.float32),
    mesh=_sc_mesh(),
    scratch_types=[
        pltpu.VMEM_SHARED((N_PAD, D), jnp.float32),
        pltpu.VMEM((NBUF, CH), jnp.int32),
        pltpu.VMEM((NBUF, CH), jnp.int32),
        pltpu.VMEM((NBUF, CH, D), jnp.float32),
    ] + [pltpu.SemaphoreType.DMA] * (4 * NBUF),
  )


BN = 1024


def _deg_col(dp_ref):
    return lax.dot_general(dp_ref[:, 0, :], jnp.ones((NW, 1), jnp.float32),
                           (((0,), (0,)), ((), ())),
                           preferred_element_type=jnp.float32)


def _xs_body(dp_ref, x_ref, o_ref):
    deg = _deg_col(dp_ref)
    r = jnp.where(deg > 0, lax.rsqrt(deg), 0.0)
    o_ref[...] = jnp.where(deg > 0, r * x_ref[...], 0.0)


_xs_call = pl.pallas_call(
    _xs_body,
    out_shape=jax.ShapeDtypeStruct((N_PAD, D), jnp.float32),
    grid=((N_PAD + BN - 1) // BN,),
    in_specs=[
        pl.BlockSpec((NW, 1, BN), lambda i: (0, 0, i)),
        pl.BlockSpec((BN, D), lambda i: (i, 0)),
    ],
    out_specs=pl.BlockSpec((BN, D), lambda i: (i, 0)),
)


def _comb_body(dp_ref, hp_ref, x_ref, e_ref, w_ref, o_ref):
    deg = _deg_col(dp_ref)
    r = jnp.where(deg > 0, lax.rsqrt(deg), 0.0)
    hi = r * (hp_ref[0] + hp_ref[1])
    xb = x_ref[...]
    hcat = jnp.concatenate([hi, xb], axis=1)
    y = jnp.dot(hcat, w_ref[...], preferred_element_type=jnp.float32)
    acc = xb
    eb = e_ref[...]
    for k in range(K):
        acc = acc + eb[:, k][:, None] * y[:, k * D:(k + 1) * D]
    o_ref[...] = acc


_comb_call = pl.pallas_call(
    _comb_body,
    out_shape=jax.ShapeDtypeStruct((N, D), jnp.float32),
    grid=((N + BN - 1) // BN,),
    in_specs=[
        pl.BlockSpec((NW, 1, BN), lambda i: (0, 0, i)),
        pl.BlockSpec((NC, BN, D), lambda i: (0, i, 0)),
        pl.BlockSpec((BN, D), lambda i: (i, 0)),
        pl.BlockSpec((BN, K), lambda i: (i, 0)),
        pl.BlockSpec((2 * D, K * D), lambda i: (0, 0)),
    ],
    out_specs=pl.BlockSpec((BN, D), lambda i: (i, 0)),
)


def kernel(x, adj, e, W):
    pad_idx = N + (jnp.arange(E_PAD - E, dtype=jnp.int32) % (N_PAD - N))
    colf = jnp.concatenate([adj[1], pad_idx])
    row2 = jnp.concatenate([adj[0], pad_idx]).reshape(NCH_TOT, CH)
    col2 = colf.reshape(NCH_TOT, CH)
    deg_part = _deg_call()(colf)
    xs = _xs_call(deg_part, x)
    hi_part = _gs_call()(xs, row2, col2)
    Wr = jnp.transpose(W, (1, 0, 2)).reshape(2 * D, K * D)
    return _comb_call(deg_part, hi_part, x, e, Wr)

# --- scband reference (transcript-rebuilt; emitter-appended) ---
"""Pipeline reference for scband-ca-net-conv-2602750181782 (READ-ONLY COPY).

The authoritative reference and input builder live on the scoring server;
editing this copy changes nothing except your own understanding.
"""

import jax, jax.numpy as jnp
import numpy as np
import math

N_NODES = 10000
N_EDGES = 320000
D_FEAT = 128
K = 4


def setup_inputs(seed: int = 0) -> dict:
    key = jax.random.key(seed)
    k1, k2, k3, k4 = jax.random.split(key, 4)
    x = jax.random.normal(k1, (N_NODES, D_FEAT), dtype=jnp.float32)
    adj = jax.random.randint(k2, (2, N_EDGES), 0, N_NODES, dtype=jnp.int32)
    e = jax.random.uniform(k3, (N_NODES, K), dtype=jnp.float32)
    stdv = 1.0 / math.sqrt(D_FEAT)
    W = jax.random.uniform(k4, (K, 2 * D_FEAT, D_FEAT), minval=-stdv, maxval=stdv, dtype=jnp.float32)
    return {"x": x, "adj": adj, "e": e, "W": W}


def gcn_conv(x, edge_index):
    N = x.shape[0]
    row = edge_index[0]
    col = edge_index[1]
    # degree of col (destination) nodes
    deg = jnp.bincount(col, length=N).astype(jnp.float32)
    d_norm_in = jnp.sqrt(1.0 / deg[col])
    d_norm_out = jnp.sqrt(1.0 / deg[row])
    value = d_norm_in * d_norm_out
    value = jnp.nan_to_num(value, nan=0.0, posinf=0.0, neginf=0.0)
    # SparseTensor(row=col, col=row, value) @ x  ==  scatter-add x[row]*value into col
    msgs = value[:, None] * x[row]
    return jax.ops.segment_sum(msgs, col, num_segments=N)


def reference(x, adj, e, W):
    # backbone_type='gcn', variant=False, residual=True
    hi = gcn_conv(x, adj)                       # [N, d]
    hi = jnp.concatenate([hi, x], axis=1)       # [N, 2d]
    # hi.unsqueeze(0).repeat(K,1,1) @ W[K,2d,d] -> [K,N,d] -> transpose -> [N,K,d]
    outputs = jnp.einsum('nf,kfo->nko', hi, W)  # [N, K, d]
    es = e[:, :, None]                          # [N, K, 1]
    output = jnp.sum(es * outputs, axis=1)      # [N, d]
    output = output + x                          # residual
    return output

if __name__ == "__main__":
    import jax
    _d = setup_inputs()
    print(jax.jit(kernel)(*tuple(_d.values())))

</pallas_src>

<mosaic_0001>
#map = affine_map<(d0, d1) -> (0)>
#map1 = affine_map<(d0, d1) -> (0, 0, 0)>
module attributes {stable_mosaic.version = 14 : i64} {
  func.func @_deg_body(%arg0: i32, %arg1: i32, %arg2: memref<327680xi32, #tpu.memory_space<hbm>>, %arg3: memref<32x1x10112xf32, #tpu.memory_space<hbm>>, %arg4: memref<10112xf32, #tpu.memory_space<vmem>>, %arg5: memref<2x1024xi32, #tpu.memory_space<vmem>>, %arg6: memref<!tpu.dma_semaphore, #tpu.memory_space<semaphore_mem>>, %arg7: memref<!tpu.dma_semaphore, #tpu.memory_space<semaphore_mem>>) attributes {dimension_semantics = [#tpu.dimension_semantics<core_parallel>, #tpu.dimension_semantics<subcore_parallel>], iteration_bounds = array<i64: 2, 16>, scalar_prefetch = 0 : i64, scratch_operands = 4 : i64, tpu.core_type = #tpu.core_type<sc_vector_subcore>, window_params = [{transform_indices = #map}, {transform_indices = #map1}]} {
    %mul3A = arith.constant 16 : i32
    %mul3A_0 = arith.muli %arg0, %mul3A : i32
    %add3A = arith.addi %mul3A_0, %arg1 : i32
    %mul3A_1 = arith.constant 10240 : i32
    %mul3A_2 = arith.muli %add3A, %mul3A_1 : i32
    %broadcast_in_dim3A = arith.constant 0.000000e+00 : f32
    %broadcast_in_dim3A_3 = vector.broadcast %broadcast_in_dim3A : f32 to vector<16xf32>
    %iota3A = tpu.iota {dimensions = array<i32: 0>} : vector<16xi32>
    %scan3A = arith.constant 0 : i32
    %scan3A_4 = arith.constant 0 : i32
    %scan3A_5 = arith.constant 632 : i32
    %scan3A_6 = arith.addi %scan3A_4, %scan3A_5 : i32
    %scan3A_7 = arith.constant 1 : i32
    %scan3A_8 = scf.for %scan3A_25 = %scan3A_4 to %scan3A_6 step %scan3A_7 iter_args(%scan3A_26 = %scan3A) -> (i32)  : i32 {
      %mul3A_27 = arith.constant 16 : i32
      %mul3A_28 = arith.muli %scan3A_25, %mul3A_27 : i32
      %swap3A = arith.index_cast %mul3A_28 : i32 to index
      %swap3A_29 = tpu.vector_load %arg4[%swap3A] {strides = array<i32>} : memref<10112xf32, #tpu.memory_space<vmem>>, vector<16xf32>,
      tpu.vector_store %arg4[%swap3A], %broadcast_in_dim3A_3 {strides = array<i32>} : memref<10112xf32, #tpu.memory_space<vmem>>, vector<16xf32>,
      %scan3A_30 = arith.constant 0 : i32
      scf.yield %scan3A_30 : i32
    }
    %scan3A_9 = arith.constant 632 : i32
    %dma_start3A = arith.constant 0 : i32
    %dma_start3A_10 = arith.constant 0 : i32
    %dma_start3A_11 = tpu.memref_slice %arg5[%dma_start3A, %dma_start3A_10] : memref<2x1024xi32, #tpu.memory_space<vmem>> -> memref<1x1024xi32, #tpu.memory_space<vmem>>
    %dma_start3A_12 = tpu.memref_squeeze %dma_start3A_11 : memref<1x1024xi32, #tpu.memory_space<vmem>> -> memref<1024xi32, #tpu.memory_space<vmem>>
    %dma_start3A_13 = tpu.memref_slice %arg2[%mul3A_2] : memref<327680xi32, #tpu.memory_space<hbm>> -> memref<1024xi32, #tpu.memory_space<hbm>>
    %dma_start3A_14 = arith.constant 0 : i32
    %dma_start3A_15 = tpu.memref_slice %arg5[%dma_start3A, %dma_start3A_14] : memref<2x1024xi32, #tpu.memory_space<vmem>> -> memref<1x1024xi32, #tpu.memory_space<vmem>>
    %dma_start3A_16 = tpu.memref_squeeze %dma_start3A_15 : memref<1x1024xi32, #tpu.memory_space<vmem>> -> memref<1024xi32, #tpu.memory_space<vmem>>
    %dma_start3A_17 = tpu.memref_slice %arg2[%mul3A_2] : memref<327680xi32, #tpu.memory_space<hbm>> -> memref<1024xi32, #tpu.memory_space<hbm>>
    tpu.enqueue_dma source(%dma_start3A_17 : memref<1024xi32, #tpu.memory_space<hbm>>) target(%dma_start3A_16 : memref<1024xi32, #tpu.memory_space<vmem>>) target_semaphore(%arg6 : memref<!tpu.dma_semaphore, #tpu.memory_space<semaphore_mem>>)
    %scan3A_18 = arith.constant 0 : i32
    %scan3A_19 = arith.constant 0 : i32
    %scan3A_20 = arith.constant 10 : i32
    %scan3A_21 = arith.addi %scan3A_19, %scan3A_20 : i32
    %scan3A_22 = arith.constant 1 : i32
    %scan3A_23 = scf.for %scan3A_25 = %scan3A_19 to %scan3A_21 step %scan3A_22 iter_args(%scan3A_26 = %scan3A_18) -> (i32)  : i32 {
      %rem3A = arith.constant 2 : i32
      %rem3A_27 = arith.remsi %scan3A_25, %rem3A : i32
      %eq3A = arith.constant 0 : i32
      %eq3A_28 = arith.cmpi eq, %rem3A_27, %eq3A : i32
      %convert_element_type3A = arith.extui %eq3A_28 : i1 to i32
      %cond3A = arith.constant 0 : i32
      %cond3A_29 = arith.cmpi ne, %convert_element_type3A, %cond3A : i32
      scf.if %cond3A_29 {
        %dma_wait3A = arith.constant 0 : i32
        %dma_wait3A_38 = arith.constant 0 : i32
        %dma_wait3A_39 = tpu.memref_slice %arg5[%dma_wait3A, %dma_wait3A_38] : memref<2x1024xi32, #tpu.memory_space<vmem>> -> memref<1x1024xi32, #tpu.memory_space<vmem>>
        %dma_wait3A_40 = tpu.memref_squeeze %dma_wait3A_39 : memref<1x1024xi32, #tpu.memory_space<vmem>> -> memref<1024xi32, #tpu.memory_space<vmem>>
        %dma_wait3A_41 = tpu.memref_slice %arg2[%mul3A_2] : memref<327680xi32, #tpu.memory_space<hbm>> -> memref<1024xi32, #tpu.memory_space<hbm>>
        %dma_wait3A_42 = arith.constant 0 : i32
        %dma_wait3A_43 = tpu.memref_slice %arg5[%dma_wait3A, %dma_wait3A_42] : memref<2x1024xi32, #tpu.memory_space<vmem>> -> memref<1x1024xi32, #tpu.memory_space<vmem>>
        %dma_wait3A_44 = tpu.memref_squeeze %dma_wait3A_43 : memref<1x1024xi32, #tpu.memory_space<vmem>> -> memref<1024xi32, #tpu.memory_space<vmem>>
        %dma_wait3A_45 = tpu.memref_slice %arg2[%mul3A_2] : memref<327680xi32, #tpu.memory_space<hbm>> -> memref<1024xi32, #tpu.memory_space<hbm>>
        tpu.wait_dma2 semaphore(%arg6 : memref<!tpu.dma_semaphore, #tpu.memory_space<semaphore_mem>>) src(%dma_wait3A_45 : memref<1024xi32, #tpu.memory_space<hbm>>) dst(%dma_wait3A_44 : memref<1024xi32, #tpu.memory_space<vmem>>)
        %add3A_46 = arith.constant 1 : i32
        %add3A_47 = arith.addi %scan3A_25, %add3A_46 : i32
        %lt3A = arith.constant 10 : i32
        %lt3A_48 = arith.cmpi slt, %add3A_47, %lt3A : i32
        %convert_element_type3A_49 = arith.extui %lt3A_48 : i1 to i32
        %cond3A_50 = arith.constant 0 : i32
        %cond3A_51 = arith.cmpi ne, %convert_element_type3A_49, %cond3A_50 : i32
        scf.if %cond3A_51 {
          %add3A_59 = arith.constant 1 : i32
          %add3A_60 = arith.addi %scan3A_25, %add3A_59 : i32
          %mul3A_61 = arith.constant 1024 : i32
          %mul3A_62 = arith.muli %add3A_60, %mul3A_61 : i32
          %add3A_63 = arith.addi %mul3A_2, %mul3A_62 : i32
          %dma_start3A_64 = arith.constant 1 : i32
          %dma_start3A_65 = arith.constant 0 : i32
          %dma_start3A_66 = tpu.memref_slice %arg5[%dma_start3A_64, %dma_start3A_65] : memref<2x1024xi32, #tpu.memory_space<vmem>> -> memref<1x1024xi32, #tpu.memory_space<vmem>>
          %dma_start3A_67 = tpu.memref_squeeze %dma_start3A_66 : memref<1x1024xi32, #tpu.memory_space<vmem>> -> memref<1024xi32, #tpu.memory_space<vmem>>
          %dma_start3A_68 = tpu.memref_slice %arg2[%add3A_63] : memref<327680xi32, #tpu.memory_space<hbm>> -> memref<1024xi32, #tpu.memory_space<hbm>>
          %dma_start3A_69 = arith.constant 0 : i32
          %dma_start3A_70 = tpu.memref_slice %arg5[%dma_start3A_64, %dma_start3A_69] : memref<2x1024xi32, #tpu.memory_space<vmem>> -> memref<1x1024xi32, #tpu.memory_space<vmem>>
          %dma_start3A_71 = tpu.memref_squeeze %dma_start3A_70 : memref<1x1024xi32, #tpu.memory_space<vmem>> -> memref<1024xi32, #tpu.memory_space<vmem>>
          %dma_start3A_72 = tpu.memref_slice %arg2[%add3A_63] : memref<327680xi32, #tpu.memory_space<hbm>> -> memref<1024xi32, #tpu.memory_space<hbm>>
          tpu.enqueue_dma source(%dma_start3A_72 : memref<1024xi32, #tpu.memory_space<hbm>>) target(%dma_start3A_71 : memref<1024xi32, #tpu.memory_space<vmem>>) target_semaphore(%arg7 : memref<!tpu.dma_semaphore, #tpu.memory_space<semaphore_mem>>)
        } else {
        }
        %scan3A_52 = arith.constant 0 : i32
        %scan3A_53 = arith.constant 0 : i32
        %scan3A_54 = arith.constant 64 : i32
        %scan3A_55 = arith.addi %scan3A_53, %scan3A_54 : i32
        %scan3A_56 = arith.constant 1 : i32
        %scan3A_57 = scf.for %scan3A_59 = %scan3A_53 to %scan3A_55 step %scan3A_56 iter_args(%scan3A_60 = %scan3A_52) -> (i32)  : i32 {
          %mul3A_61 = arith.constant 16 : i32
          %mul3A_62 = arith.muli %scan3A_59, %mul3A_61 : i32
          %get3A = arith.constant 0 : i32
          %get3A_63 = arith.index_cast %get3A : i32 to index
          %get3A_64 = arith.index_cast %mul3A_62 : i32 to index
          %get3A_65 = tpu.vector_load %arg5[%get3A_63, %get3A_64] {strides = array<i32>} : memref<2x1024xi32, #tpu.memory_space<vmem>>, vector<16xi32>,
          %sort3A = arith.constant dense<true> : vector<16xi1>
          %sort3A_66, %sort3A_67, %sort3A_68 = tpu.sort %get3A_65, %get3A_65 masked %sort3A : (vector<16xi32>, vector<16xi32>, vector<16xi1>) -> (vector<16xi1>, vector<16xi32>, vector<16xi32>)
          %sub3A = arith.constant 1 : i32
          %sub3A_69 = vector.broadcast %sub3A : i32 to vector<16xi32>
          %sub3A_70 = arith.subi %iota3A, %sub3A_69 : vector<16xi32>
          %max3A = arith.constant 0 : i32
          %max3A_71 = vector.broadcast %max3A : i32 to vector<16xi32>
          %max3A_72 = arith.maxsi %sub3A_70, %max3A_71 : vector<16xi32>
          %broadcast_in_dim3A_73 = vector.shape_cast %max3A_72 : vector<16xi32> to vector<16x1xi32>
          %gather3A = vector.shape_cast %broadcast_in_dim3A_73 : vector<16x1xi32> to vector<16xi32>
          %gather3A_74 = tpu.dynamic_gather %sort3A_67[%gather3A] in [0] : vector<16xi32>, vector<16xi32> -> vector<16xi32>
          %add3A_75 = arith.constant 1 : i32
          %add3A_76 = vector.broadcast %add3A_75 : i32 to vector<16xi32>
          %add3A_77 = arith.addi %iota3A, %add3A_76 : vector<16xi32>
          %min3A = arith.constant 15 : i32
          %min3A_78 = vector.broadcast %min3A : i32 to vector<16xi32>
          %min3A_79 = arith.minsi %add3A_77, %min3A_78 : vector<16xi32>
          %broadcast_in_dim3A_80 = vector.shape_cast %min3A_79 : vector<16xi32> to vector<16x1xi32>
          %gather3A_81 = vector.shape_cast %broadcast_in_dim3A_80 : vector<16x1xi32> to vector<16xi32>
          %gather3A_82 = tpu.dynamic_gather %sort3A_67[%gather3A_81] in [0] : vector<16xi32>, vector<16xi32> -> vector<16xi32>
          %eq3A_83 = arith.constant 0 : i32
          %eq3A_84 = vector.broadcast %eq3A_83 : i32 to vector<16xi32>
          %eq3A_85 = arith.cmpi eq, %iota3A, %eq3A_84 : vector<16xi32>
          %ne3A = arith.cmpi ne, %sort3A_67, %gather3A_74 : vector<16xi32>
          %or3A = arith.ori %eq3A_85, %ne3A : vector<16xi1>
          %eq3A_86 = arith.constant 15 : i32
          %eq3A_87 = vector.broadcast %eq3A_86 : i32 to vector<16xi32>
          %eq3A_88 = arith.cmpi eq, %iota3A, %eq3A_87 : vector<16xi32>
          %ne3A_89 = arith.cmpi ne, %sort3A_67, %gather3A_82 : vector<16xi32>
          %or3A_90 = arith.ori %eq3A_88, %ne3A_89 : vector<16xi1>
          %jit3A = arith.constant 0 : i32
          %broadcast_in_dim3A_91 = vector.broadcast %jit3A : i32 to vector<16xi32>
          %select_n3A = arith.select %or3A, %iota3A, %broadcast_in_dim3A_91 : vector<16xi1>, vector<16xi32>
          %broadcast_in_dim3A_92 = arith.constant true
          %broadcast_in_dim3A_93 = vector.broadcast %broadcast_in_dim3A_92 : i1 to vector<16xi1>
          %masked_cummax3A = arith.constant -2147483648 : i32
          %masked_cummax3A_94 = vector.broadcast %masked_cummax3A : i32 to vector<16xi32>
          %masked_cummax3A_95 = arith.xori %select_n3A, %masked_cummax3A_94 : vector<16xi32>
          %masked_cummax3A_96 = tpu.scan <max>, %masked_cummax3A_95 masked %broadcast_in_dim3A_93 : vector<16xi32>, vector<16xi1> -> vector<16xi32>
          %masked_cummax3A_97 = arith.xori %masked_cummax3A_96, %masked_cummax3A_94 : vector<16xi32>
          %sub3A_98 = arith.subi %iota3A, %masked_cummax3A_97 : vector<16xi32>
          %add3A_99 = arith.constant 1 : i32
          %add3A_100 = vector.broadcast %add3A_99 : i32 to vector<16xi32>
          %add3A_101 = arith.addi %sub3A_98, %add3A_100 : vector<16xi32>
          %convert_element_type3A_102 = arith.sitofp %add3A_101 : vector<16xi32> to vector<16xf32>
          %gather3A_103 = tpu.vector_load_idx %arg4[%sort3A_67] : memref<10112xf32, #tpu.memory_space<vmem>>[vector<16xi32>], vector<16xf32>,
          %add3A_104 = arith.addf %gather3A_103, %convert_element_type3A_102 : vector<16xf32>
          tpu.vector_store_idx %arg4[%sort3A_67], %add3A_104 masked %or3A_90 : memref<10112xf32, #tpu.memory_space<vmem>>[vector<16xi32>], vector<16xf32>, vector<16xi1>
          %scan3A_105 = arith.constant 0 : i32
          scf.yield %scan3A_105 : i32
        }
        %scan3A_58 = arith.constant 64 : i32
      } else {
      }
      %rem3A_30 = arith.constant 2 : i32
      %rem3A_31 = arith.remsi %scan3A_25, %rem3A_30 : i32
      %eq3A_32 = arith.constant 1 : i32
      %eq3A_33 = arith.cmpi eq, %rem3A_31, %eq3A_32 : i32
      %convert_element_type3A_34 = arith.extui %eq3A_33 : i1 to i32
      %cond3A_35 = arith.constant 0 : i32
      %cond3A_36 = arith.cmpi ne, %convert_element_type3A_34, %cond3A_35 : i32
      scf.if %cond3A_36 {
        %dma_wait3A = arith.constant 1 : i32
        %dma_wait3A_38 = arith.constant 0 : i32
        %dma_wait3A_39 = tpu.memref_slice %arg5[%dma_wait3A, %dma_wait3A_38] : memref<2x1024xi32, #tpu.memory_space<vmem>> -> memref<1x1024xi32, #tpu.memory_space<vmem>>
        %dma_wait3A_40 = tpu.memref_squeeze %dma_wait3A_39 : memref<1x1024xi32, #tpu.memory_space<vmem>> -> memref<1024xi32, #tpu.memory_space<vmem>>
        %dma_wait3A_41 = tpu.memref_slice %arg2[%mul3A_2] : memref<327680xi32, #tpu.memory_space<hbm>> -> memref<1024xi32, #tpu.memory_space<hbm>>
        %dma_wait3A_42 = arith.constant 0 : i32
        %dma_wait3A_43 = tpu.memref_slice %arg5[%dma_wait3A, %dma_wait3A_42] : memref<2x1024xi32, #tpu.memory_space<vmem>> -> memref<1x1024xi32, #tpu.memory_space<vmem>>
        %dma_wait3A_44 = tpu.memref_squeeze %dma_wait3A_43 : memref<1x1024xi32, #tpu.memory_space<vmem>> -> memref<1024xi32, #tpu.memory_space<vmem>>
        %dma_wait3A_45 = tpu.memref_slice %arg2[%mul3A_2] : memref<327680xi32, #tpu.memory_space<hbm>> -> memref<1024xi32, #tpu.memory_space<hbm>>
        tpu.wait_dma2 semaphore(%arg7 : memref<!tpu.dma_semaphore, #tpu.memory_space<semaphore_mem>>) src(%dma_wait3A_45 : memref<1024xi32, #tpu.memory_space<hbm>>) dst(%dma_wait3A_44 : memref<1024xi32, #tpu.memory_space<vmem>>)
        %add3A_46 = arith.constant 1 : i32
        %add3A_47 = arith.addi %scan3A_25, %add3A_46 : i32
        %lt3A = arith.constant 10 : i32
        %lt3A_48 = arith.cmpi slt, %add3A_47, %lt3A : i32
        %convert_element_type3A_49 = arith.extui %lt3A_48 : i1 to i32
        %cond3A_50 = arith.constant 0 : i32
        %cond3A_51 = arith.cmpi ne, %convert_element_type3A_49, %cond3A_50 : i32
        scf.if %cond3A_51 {
          %add3A_59 = arith.constant 1 : i32
          %add3A_60 = arith.addi %scan3A_25, %add3A_59 : i32
          %mul3A_61 = arith.constant 1024 : i32
          %mul3A_62 = arith.muli %add3A_60, %mul3A_61 : i32
          %add3A_63 = arith.addi %mul3A_2, %mul3A_62 : i32
          %dma_start3A_64 = arith.constant 0 : i32
          %dma_start3A_65 = arith.constant 0 : i32
          %dma_start3A_66 = tpu.memref_slice %arg5[%dma_start3A_64, %dma_start3A_65] : memref<2x1024xi32, #tpu.memory_space<vmem>> -> memref<1x1024xi32, #tpu.memory_space<vmem>>
          %dma_start3A_67 = tpu.memref_squeeze %dma_start3A_66 : memref<1x1024xi32, #tpu.memory_space<vmem>> -> memref<1024xi32, #tpu.memory_space<vmem>>
          %dma_start3A_68 = tpu.memref_slice %arg2[%add3A_63] : memref<327680xi32, #tpu.memory_space<hbm>> -> memref<1024xi32, #tpu.memory_space<hbm>>
          %dma_start3A_69 = arith.constant 0 : i32
          %dma_start3A_70 = tpu.memref_slice %arg5[%dma_start3A_64, %dma_start3A_69] : memref<2x1024xi32, #tpu.memory_space<vmem>> -> memref<1x1024xi32, #tpu.memory_space<vmem>>
          %dma_start3A_71 = tpu.memref_squeeze %dma_start3A_70 : memref<1x1024xi32, #tpu.memory_space<vmem>> -> memref<1024xi32, #tpu.memory_space<vmem>>
          %dma_start3A_72 = tpu.memref_slice %arg2[%add3A_63] : memref<327680xi32, #tpu.memory_space<hbm>> -> memref<1024xi32, #tpu.memory_space<hbm>>
          tpu.enqueue_dma source(%dma_start3A_72 : memref<1024xi32, #tpu.memory_space<hbm>>) target(%dma_start3A_71 : memref<1024xi32, #tpu.memory_space<vmem>>) target_semaphore(%arg6 : memref<!tpu.dma_semaphore, #tpu.memory_space<semaphore_mem>>)
        } else {
        }
        %scan3A_52 = arith.constant 0 : i32
        %scan3A_53 = arith.constant 0 : i32
        %scan3A_54 = arith.constant 64 : i32
        %scan3A_55 = arith.addi %scan3A_53, %scan3A_54 : i32
        %scan3A_56 = arith.constant 1 : i32
        %scan3A_57 = scf.for %scan3A_59 = %scan3A_53 to %scan3A_55 step %scan3A_56 iter_args(%scan3A_60 = %scan3A_52) -> (i32)  : i32 {
          %mul3A_61 = arith.constant 16 : i32
          %mul3A_62 = arith.muli %scan3A_59, %mul3A_61 : i32
          %get3A = arith.constant 1 : i32
          %get3A_63 = arith.index_cast %get3A : i32 to index
          %get3A_64 = arith.index_cast %mul3A_62 : i32 to index
          %get3A_65 = tpu.vector_load %arg5[%get3A_63, %get3A_64] {strides = array<i32>} : memref<2x1024xi32, #tpu.memory_space<vmem>>, vector<16xi32>,
          %sort3A = arith.constant dense<true> : vector<16xi1>
          %sort3A_66, %sort3A_67, %sort3A_68 = tpu.sort %get3A_65, %get3A_65 masked %sort3A : (vector<16xi32>, vector<16xi32>, vector<16xi1>) -> (vector<16xi1>, vector<16xi32>, vector<16xi32>)
          %sub3A = arith.constant 1 : i32
          %sub3A_69 = vector.broadcast %sub3A : i32 to vector<16xi32>
          %sub3A_70 = arith.subi %iota3A, %sub3A_69 : vector<16xi32>
          %max3A = arith.constant 0 : i32
          %max3A_71 = vector.broadcast %max3A : i32 to vector<16xi32>
          %max3A_72 = arith.maxsi %sub3A_70, %max3A_71 : vector<16xi32>
          %broadcast_in_dim3A_73 = vector.shape_cast %max3A_72 : vector<16xi32> to vector<16x1xi32>
          %gather3A = vector.shape_cast %broadcast_in_dim3A_73 : vector<16x1xi32> to vector<16xi32>
          %gather3A_74 = tpu.dynamic_gather %sort3A_67[%gather3A] in [0] : vector<16xi32>, vector<16xi32> -> vector<16xi32>
          %add3A_75 = arith.constant 1 : i32
          %add3A_76 = vector.broadcast %add3A_75 : i32 to vector<16xi32>
          %add3A_77 = arith.addi %iota3A, %add3A_76 : vector<16xi32>
          %min3A = arith.constant 15 : i32
          %min3A_78 = vector.broadcast %min3A : i32 to vector<16xi32>
          %min3A_79 = arith.minsi %add3A_77, %min3A_78 : vector<16xi32>
          %broadcast_in_dim3A_80 = vector.shape_cast %min3A_79 : vector<16xi32> to vector<16x1xi32>
          %gather3A_81 = vector.shape_cast %broadcast_in_dim3A_80 : vector<16x1xi32> to vector<16xi32>
          %gather3A_82 = tpu.dynamic_gather %sort3A_67[%gather3A_81] in [0] : vector<16xi32>, vector<16xi32> -> vector<16xi32>
          %eq3A_83 = arith.constant 0 : i32
          %eq3A_84 = vector.broadcast %eq3A_83 : i32 to vector<16xi32>
          %eq3A_85 = arith.cmpi eq, %iota3A, %eq3A_84 : vector<16xi32>
          %ne3A = arith.cmpi ne, %sort3A_67, %gather3A_74 : vector<16xi32>
          %or3A = arith.ori %eq3A_85, %ne3A : vector<16xi1>
          %eq3A_86 = arith.constant 15 : i32
          %eq3A_87 = vector.broadcast %eq3A_86 : i32 to vector<16xi32>
          %eq3A_88 = arith.cmpi eq, %iota3A, %eq3A_87 : vector<16xi32>
          %ne3A_89 = arith.cmpi ne, %sort3A_67, %gather3A_82 : vector<16xi32>
          %or3A_90 = arith.ori %eq3A_88, %ne3A_89 : vector<16xi1>
          %jit3A = arith.constant 0 : i32
          %broadcast_in_dim3A_91 = vector.broadcast %jit3A : i32 to vector<16xi32>
          %select_n3A = arith.select %or3A, %iota3A, %broadcast_in_dim3A_91 : vector<16xi1>, vector<16xi32>
          %broadcast_in_dim3A_92 = arith.constant true
          %broadcast_in_dim3A_93 = vector.broadcast %broadcast_in_dim3A_92 : i1 to vector<16xi1>
          %masked_cummax3A = arith.constant -2147483648 : i32
          %masked_cummax3A_94 = vector.broadcast %masked_cummax3A : i32 to vector<16xi32>
          %masked_cummax3A_95 = arith.xori %select_n3A, %masked_cummax3A_94 : vector<16xi32>
          %masked_cummax3A_96 = tpu.scan <max>, %masked_cummax3A_95 masked %broadcast_in_dim3A_93 : vector<16xi32>, vector<16xi1> -> vector<16xi32>
          %masked_cummax3A_97 = arith.xori %masked_cummax3A_96, %masked_cummax3A_94 : vector<16xi32>
          %sub3A_98 = arith.subi %iota3A, %masked_cummax3A_97 : vector<16xi32>
          %add3A_99 = arith.constant 1 : i32
          %add3A_100 = vector.broadcast %add3A_99 : i32 to vector<16xi32>
          %add3A_101 = arith.addi %sub3A_98, %add3A_100 : vector<16xi32>
          %convert_element_type3A_102 = arith.sitofp %add3A_101 : vector<16xi32> to vector<16xf32>
          %gather3A_103 = tpu.vector_load_idx %arg4[%sort3A_67] : memref<10112xf32, #tpu.memory_space<vmem>>[vector<16xi32>], vector<16xf32>,
          %add3A_104 = arith.addf %gather3A_103, %convert_element_type3A_102 : vector<16xf32>
          tpu.vector_store_idx %arg4[%sort3A_67], %add3A_104 masked %or3A_90 : memref<10112xf32, #tpu.memory_space<vmem>>[vector<16xi32>], vector<16xf32>, vector<16xi1>
          %scan3A_105 = arith.constant 0 : i32
          scf.yield %scan3A_105 : i32
        }
        %scan3A_58 = arith.constant 64 : i32
      } else {
      }
      %scan3A_37 = arith.constant 0 : i32
      scf.yield %scan3A_37 : i32
    }
    %scan3A_24 = arith.constant 10 : i32
    %run_scoped3A = arith.constant 0 : i32
    "tpu.region"() ({
      %run_scoped3A_25 = tpu.sem_alloc : memref<!tpu.dma_semaphore, #tpu.memory_space<semaphore_mem>>
      %dma_start3A_26 = arith.constant 0 : i32
      %dma_start3A_27 = tpu.memref_slice %arg3[%add3A, %run_scoped3A, %dma_start3A_26] : memref<32x1x10112xf32, #tpu.memory_space<hbm>> -> memref<1x1x10112xf32, #tpu.memory_space<hbm>>
      %dma_start3A_28 = tpu.memref_squeeze %dma_start3A_27 : memref<1x1x10112xf32, #tpu.memory_space<hbm>> -> memref<10112xf32, #tpu.memory_space<hbm>>
      %dma_start3A_29 = arith.constant 0 : i32
      %dma_start3A_30 = tpu.memref_slice %arg3[%add3A, %run_scoped3A, %dma_start3A_29] : memref<32x1x10112xf32, #tpu.memory_space<hbm>> -> memref<1x1x10112xf32, #tpu.memory_space<hbm>>
      %dma_start3A_31 = tpu.memref_squeeze %dma_start3A_30 : memref<1x1x10112xf32, #tpu.memory_space<hbm>> -> memref<10112xf32, #tpu.memory_space<hbm>>
      tpu.enqueue_dma source(%arg4 : memref<10112xf32, #tpu.memory_space<vmem>>) target(%dma_start3A_31 : memref<10112xf32, #tpu.memory_space<hbm>>) target_semaphore(%run_scoped3A_25 : memref<!tpu.dma_semaphore, #tpu.memory_space<semaphore_mem>>)
      %dma_wait3A = arith.constant 0 : i32
      %dma_wait3A_32 = tpu.memref_slice %arg3[%add3A, %run_scoped3A, %dma_wait3A] : memref<32x1x10112xf32, #tpu.memory_space<hbm>> -> memref<1x1x10112xf32, #tpu.memory_space<hbm>>
      %dma_wait3A_33 = tpu.memref_squeeze %dma_wait3A_32 : memref<1x1x10112xf32, #tpu.memory_space<hbm>> -> memref<10112xf32, #tpu.memory_space<hbm>>
      %dma_wait3A_34 = arith.constant 0 : i32
      %dma_wait3A_35 = tpu.memref_slice %arg3[%add3A, %run_scoped3A, %dma_wait3A_34] : memref<32x1x10112xf32, #tpu.memory_space<hbm>> -> memref<1x1x10112xf32, #tpu.memory_space<hbm>>
      %dma_wait3A_36 = tpu.memref_squeeze %dma_wait3A_35 : memref<1x1x10112xf32, #tpu.memory_space<hbm>> -> memref<10112xf32, #tpu.memory_space<hbm>>
      tpu.wait_dma2 semaphore(%run_scoped3A_25 : memref<!tpu.dma_semaphore, #tpu.memory_space<semaphore_mem>>) src(%arg4 : memref<10112xf32, #tpu.memory_space<vmem>>) dst(%dma_wait3A_36 : memref<10112xf32, #tpu.memory_space<hbm>>)
      tpu.yield
    }) : () -> ()
    return
  }
}

#map = affine_map<(d0, d1) -> (0, 0)>
#map1 = affine_map<(d0, d1) -> (0, 0, 0)>
module attributes {stable_mosaic.version = 14 : i64} {
  func.func @_gs_body(%arg0: i32, %arg1: i32, %arg2: memref<10112x128xf32, #tpu.memory_space<hbm>>, %arg3: memref<5120x64xi32, #tpu.memory_space<hbm>>, %arg4: memref<5120x64xi32, #tpu.memory_space<hbm>>, %arg5: memref<2x10112x128xf32, #tpu.memory_space<hbm>>, %arg6: memref<10112x128xf32, #tpu.memory_space<vmem_shared>>, %arg7: memref<5x64xi32, #tpu.memory_space<vmem>>, %arg8: memref<5x64xi32, #tpu.memory_space<vmem>>, %arg9: memref<5x64x128xf32, #tpu.memory_space<vmem>>, %arg10: memref<!tpu.dma_semaphore, #tpu.memory_space<semaphore_mem>>, %arg11: memref<!tpu.dma_semaphore, #tpu.memory_space<semaphore_mem>>, %arg12: memref<!tpu.dma_semaphore, #tpu.memory_space<semaphore_mem>>, %arg13: memref<!tpu.dma_semaphore, #tpu.memory_space<semaphore_mem>>, %arg14: memref<!tpu.dma_semaphore, #tpu.memory_space<semaphore_mem>>, %arg15: memref<!tpu.dma_semaphore, #tpu.memory_space<semaphore_mem>>, %arg16: memref<!tpu.dma_semaphore, #tpu.memory_space<semaphore_mem>>, %arg17: memref<!tpu.dma_semaphore, #tpu.memory_space<semaphore_mem>>, %arg18: memref<!tpu.dma_semaphore, #tpu.memory_space<semaphore_mem>>, %arg19: memref<!tpu.dma_semaphore, #tpu.memory_space<semaphore_mem>>, %arg20: memref<!tpu.dma_semaphore, #tpu.memory_space<semaphore_mem>>, %arg21: memref<!tpu.dma_semaphore, #tpu.memory_space<semaphore_mem>>, %arg22: memref<!tpu.dma_semaphore, #tpu.memory_space<semaphore_mem>>, %arg23: memref<!tpu.dma_semaphore, #tpu.memory_space<semaphore_mem>>, %arg24: memref<!tpu.dma_semaphore, #tpu.memory_space<semaphore_mem>>, %arg25: memref<!tpu.dma_semaphore, #tpu.memory_space<semaphore_mem>>, %arg26: memref<!tpu.dma_semaphore, #tpu.memory_space<semaphore_mem>>, %arg27: memref<!tpu.dma_semaphore, #tpu.memory_space<semaphore_mem>>, %arg28: memref<!tpu.dma_semaphore, #tpu.memory_space<semaphore_mem>>, %arg29: memref<!tpu.dma_semaphore, #tpu.memory_space<semaphore_mem>>) attributes {dimension_semantics = [#tpu.dimension_semantics<core_parallel>, #tpu.dimension_semantics<subcore_parallel>], iteration_bounds = array<i64: 2, 16>, scalar_prefetch = 0 : i64, scratch_operands = 24 : i64, tpu.core_type = #tpu.core_type<sc_vector_subcore>, window_params = [{transform_indices = #map}, {transform_indices = #map}, {transform_indices = #map}, {transform_indices = #map1}]} {
    %mul3A = arith.constant 16 : i32
    %mul3A_0 = arith.muli %arg0, %mul3A : i32
    %add3A = arith.addi %mul3A_0, %arg1 : i32
    %mul3A_1 = arith.constant 160 : i32
    %mul3A_2 = arith.muli %add3A, %mul3A_1 : i32
    %broadcast_in_dim3A = arith.constant 0.000000e+00 : f32
    %broadcast_in_dim3A_3 = vector.broadcast %broadcast_in_dim3A : f32 to vector<16xf32>
    %scan3A = arith.constant 0 : i32
    %scan3A_4 = arith.constant 0 : i32
    %scan3A_5 = arith.constant 0 : i32
    %scan3A_6 = arith.constant 64 : i32
    %scan3A_7 = arith.addi %scan3A_5, %scan3A_6 : i32
    %scan3A_8 = arith.constant 1 : i32
    %scan3A_9 = scf.for %scan3A_200 = %scan3A_5 to %scan3A_7 step %scan3A_8 iter_args(%scan3A_201 = %scan3A_4) -> (i32)  : i32 {
      %swap3A = arith.constant 0 : i32
      %swap3A_202 = arith.constant 0 : i32
      %swap3A_203 = tpu.memref_slice %arg9[%scan3A, %swap3A, %swap3A_202] : memref<5x64x128xf32, #tpu.memory_space<vmem>> -> memref<1x64x128xf32, #tpu.memory_space<vmem>>
      %swap3A_204 = tpu.memref_squeeze %swap3A_203 : memref<1x64x128xf32, #tpu.memory_space<vmem>> -> memref<64x128xf32, #tpu.memory_space<vmem>>
      %swap3A_205 = arith.index_cast %scan3A_200 : i32 to index
      %swap3A_206 = arith.constant 0 : index
      %swap3A_207 = tpu.vector_load %swap3A_204[%swap3A_205, %swap3A_206] {strides = array<i32>} : memref<64x128xf32, #tpu.memory_space<vmem>>, vector<1x16xf32>,
      %swap3A_208 = vector.shape_cast %swap3A_207 : vector<1x16xf32> to vector<16xf32>
      %swap3A_209 = vector.shape_cast %broadcast_in_dim3A_3 : vector<16xf32> to vector<1x16xf32>
      tpu.vector_store %swap3A_204[%swap3A_205, %swap3A_206], %swap3A_209 {strides = array<i32>} : memref<64x128xf32, #tpu.memory_space<vmem>>, vector<1x16xf32>,
      %swap3A_210 = arith.constant 0 : i32
      %swap3A_211 = arith.constant 0 : i32
      %swap3A_212 = tpu.memref_slice %arg9[%scan3A, %swap3A_210, %swap3A_211] : memref<5x64x128xf32, #tpu.memory_space<vmem>> -> memref<1x64x128xf32, #tpu.memory_space<vmem>>
      %swap3A_213 = tpu.memref_squeeze %swap3A_212 : memref<1x64x128xf32, #tpu.memory_space<vmem>> -> memref<64x128xf32, #tpu.memory_space<vmem>>
      %swap3A_214 = arith.index_cast %scan3A_200 : i32 to index
      %swap3A_215 = arith.constant 16 : index
      %swap3A_216 = tpu.vector_load %swap3A_213[%swap3A_214, %swap3A_215] {strides = array<i32>} : memref<64x128xf32, #tpu.memory_space<vmem>>, vector<1x16xf32>,
      %swap3A_217 = vector.shape_cast %swap3A_216 : vector<1x16xf32> to vector<16xf32>
      %swap3A_218 = vector.shape_cast %broadcast_in_dim3A_3 : vector<16xf32> to vector<1x16xf32>
      tpu.vector_store %swap3A_213[%swap3A_214, %swap3A_215], %swap3A_218 {strides = array<i32>} : memref<64x128xf32, #tpu.memory_space<vmem>>, vector<1x16xf32>,
      %swap3A_219 = arith.constant 0 : i32
      %swap3A_220 = arith.constant 0 : i32
      %swap3A_221 = tpu.memref_slice %arg9[%scan3A, %swap3A_219, %swap3A_220] : memref<5x64x128xf32, #tpu.memory_space<vmem>> -> memref<1x64x128xf32, #tpu.memory_space<vmem>>
      %swap3A_222 = tpu.memref_squeeze %swap3A_221 : memref<1x64x128xf32, #tpu.memory_space<vmem>> -> memref<64x128xf32, #tpu.memory_space<vmem>>
      %swap3A_223 = arith.index_cast %scan3A_200 : i32 to index
      %swap3A_224 = arith.constant 32 : index
      %swap3A_225 = tpu.vector_load %swap3A_222[%swap3A_223, %swap3A_224] {strides = array<i32>} : memref<64x128xf32, #tpu.memory_space<vmem>>, vector<1x16xf32>,
      %swap3A_226 = vector.shape_cast %swap3A_225 : vector<1x16xf32> to vector<16xf32>
      %swap3A_227 = vector.shape_cast %broadcast_in_dim3A_3 : vector<16xf32> to vector<1x16xf32>
      tpu.vector_store %swap3A_222[%swap3A_223, %swap3A_224], %swap3A_227 {strides = array<i32>} : memref<64x128xf32, #tpu.memory_space<vmem>>, vector<1x16xf32>,
      %swap3A_228 = arith.constant 0 : i32
      %swap3A_229 = arith.constant 0 : i32
      %swap3A_230 = tpu.memref_slice %arg9[%scan3A, %swap3A_228, %swap3A_229] : memref<5x64x128xf32, #tpu.memory_space<vmem>> -> memref<1x64x128xf32, #tpu.memory_space<vmem>>
      %swap3A_231 = tpu.memref_squeeze %swap3A_230 : memref<1x64x128xf32, #tpu.memory_space<vmem>> -> memref<64x128xf32, #tpu.memory_space<vmem>>
      %swap3A_232 = arith.index_cast %scan3A_200 : i32 to index
      %swap3A_233 = arith.constant 48 : index
      %swap3A_234 = tpu.vector_load %swap3A_231[%swap3A_232, %swap3A_233] {strides = array<i32>} : memref<64x128xf32, #tpu.memory_space<vmem>>, vector<1x16xf32>,
      %swap3A_235 = vector.shape_cast %swap3A_234 : vector<1x16xf32> to vector<16xf32>
      %swap3A_236 = vector.shape_cast %broadcast_in_dim3A_3 : vector<16xf32> to vector<1x16xf32>
      tpu.vector_store %swap3A_231[%swap3A_232, %swap3A_233], %swap3A_236 {strides = array<i32>} : memref<64x128xf32, #tpu.memory_space<vmem>>, vector<1x16xf32>,
      %swap3A_237 = arith.constant 0 : i32
      %swap3A_238 = arith.constant 0 : i32
      %swap3A_239 = tpu.memref_slice %arg9[%scan3A, %swap3A_237, %swap3A_238] : memref<5x64x128xf32, #tpu.memory_space<vmem>> -> memref<1x64x128xf32, #tpu.memory_space<vmem>>
      %swap3A_240 = tpu.memref_squeeze %swap3A_239 : memref<1x64x128xf32, #tpu.memory_space<vmem>> -> memref<64x128xf32, #tpu.memory_space<vmem>>
      %swap3A_241 = arith.index_cast %scan3A_200 : i32 to index
      %swap3A_242 = arith.constant 64 : index
      %swap3A_243 = tpu.vector_load %swap3A_240[%swap3A_241, %swap3A_242] {strides = array<i32>} : memref<64x128xf32, #tpu.memory_space<vmem>>, vector<1x16xf32>,
      %swap3A_244 = vector.shape_cast %swap3A_243 : vector<1x16xf32> to vector<16xf32>
      %swap3A_245 = vector.shape_cast %broadcast_in_dim3A_3 : vector<16xf32> to vector<1x16xf32>
      tpu.vector_store %swap3A_240[%swap3A_241, %swap3A_242], %swap3A_245 {strides = array<i32>} : memref<64x128xf32, #tpu.memory_space<vmem>>, vector<1x16xf32>,
      %swap3A_246 = arith.constant 0 : i32
      %swap3A_247 = arith.constant 0 : i32
      %swap3A_248 = tpu.memref_slice %arg9[%scan3A, %swap3A_246, %swap3A_247] : memref<5x64x128xf32, #tpu.memory_space<vmem>> -> memref<1x64x128xf32, #tpu.memory_space<vmem>>
      %swap3A_249 = tpu.memref_squeeze %swap3A_248 : memref<1x64x128xf32, #tpu.memory_space<vmem>> -> memref<64x128xf32, #tpu.memory_space<vmem>>
      %swap3A_250 = arith.index_cast %scan3A_200 : i32 to index
      %swap3A_251 = arith.constant 80 : index
      %swap3A_252 = tpu.vector_load %swap3A_249[%swap3A_250, %swap3A_251] {strides = array<i32>} : memref<64x128xf32, #tpu.memory_space<vmem>>, vector<1x16xf32>,
      %swap3A_253 = vector.shape_cast %swap3A_252 : vector<1x16xf32> to vector<16xf32>
      %swap3A_254 = vector.shape_cast %broadcast_in_dim3A_3 : vector<16xf32> to vector<1x16xf32>
      tpu.vector_store %swap3A_249[%swap3A_250, %swap3A_251], %swap3A_254 {strides = array<i32>} : memref<64x128xf32, #tpu.memory_space<vmem>>, vector<1x16xf32>,
      %swap3A_255 = arith.constant 0 : i32
      %swap3A_256 = arith.constant 0 : i32
      %swap3A_257 = tpu.memref_slice %arg9[%scan3A, %swap3A_255, %swap3A_256] : memref<5x64x128xf32, #tpu.memory_space<vmem>> -> memref<1x64x128xf32, #tpu.memory_space<vmem>>
      %swap3A_258 = tpu.memref_squeeze %swap3A_257 : memref<1x64x128xf32, #tpu.memory_space<vmem>> -> memref<64x128xf32, #tpu.memory_space<vmem>>
      %swap3A_259 = arith.index_cast %scan3A_200 : i32 to index
      %swap3A_260 = arith.constant 96 : index
      %swap3A_261 = tpu.vector_load %swap3A_258[%swap3A_259, %swap3A_260] {strides = array<i32>} : memref<64x128xf32, #tpu.memory_space<vmem>>, vector<1x16xf32>,
      %swap3A_262 = vector.shape_cast %swap3A_261 : vector<1x16xf32> to vector<16xf32>
      %swap3A_263 = vector.shape_cast %broadcast_in_dim3A_3 : vector<16xf32> to vector<1x16xf32>
      tpu.vector_store %swap3A_258[%swap3A_259, %swap3A_260], %swap3A_263 {strides = array<i32>} : memref<64x128xf32, #tpu.memory_space<vmem>>, vector<1x16xf32>,
      %swap3A_264 = arith.constant 0 : i32
      %swap3A_265 = arith.constant 0 : i32
      %swap3A_266 = tpu.memref_slice %arg9[%scan3A, %swap3A_264, %swap3A_265] : memref<5x64x128xf32, #tpu.memory_space<vmem>> -> memref<1x64x128xf32, #tpu.memory_space<vmem>>
      %swap3A_267 = tpu.memref_squeeze %swap3A_266 : memref<1x64x128xf32, #tpu.memory_space<vmem>> -> memref<64x128xf32, #tpu.memory_space<vmem>>
      %swap3A_268 = arith.index_cast %scan3A_200 : i32 to index
      %swap3A_269 = arith.constant 112 : index
      %swap3A_270 = tpu.vector_load %swap3A_267[%swap3A_268, %swap3A_269] {strides = array<i32>} : memref<64x128xf32, #tpu.memory_space<vmem>>, vector<1x16xf32>,
      %swap3A_271 = vector.shape_cast %swap3A_270 : vector<1x16xf32> to vector<16xf32>
      %swap3A_272 = vector.shape_cast %broadcast_in_dim3A_3 : vector<16xf32> to vector<1x16xf32>
      tpu.vector_store %swap3A_267[%swap3A_268, %swap3A_269], %swap3A_272 {strides = array<i32>} : memref<64x128xf32, #tpu.memory_space<vmem>>, vector<1x16xf32>,
      %scan3A_273 = arith.constant 0 : i32
      scf.yield %scan3A_273 : i32
    }
    %scan3A_10 = arith.constant 64 : i32
    %mul3A_11 = arith.constant 632 : i32
    %mul3A_12 = arith.muli %arg1, %mul3A_11 : i32
    %add3A_13 = arith.constant 0 : i32
    %add3A_14 = arith.addi %mul3A_12, %add3A_13 : i32
    %run_scoped3A = arith.constant 0 : i32
    "tpu.region"() ({
      %run_scoped3A_200 = tpu.sem_alloc : memref<!tpu.dma_semaphore, #tpu.memory_space<semaphore_mem>>
      %dma_start3A_201 = arith.constant 0 : i32
      %dma_start3A_202 = arith.constant 0 : i32
      %dma_start3A_203 = tpu.memref_slice %arg9[%run_scoped3A, %dma_start3A_201, %dma_start3A_202] : memref<5x64x128xf32, #tpu.memory_space<vmem>> -> memref<1x64x128xf32, #tpu.memory_space<vmem>>
      %dma_start3A_204 = tpu.memref_squeeze %dma_start3A_203 : memref<1x64x128xf32, #tpu.memory_space<vmem>> -> memref<64x128xf32, #tpu.memory_space<vmem>>
      %dma_start3A_205 = arith.constant 0 : i32
      %dma_start3A_206 = tpu.memref_slice %arg6[%add3A_14, %dma_start3A_205] : memref<10112x128xf32, #tpu.memory_space<vmem_shared>> -> memref<64x128xf32, #tpu.memory_space<vmem_shared>>
      %dma_start3A_207 = arith.constant 0 : i32
      %dma_start3A_208 = tpu.memref_slice %arg6[%add3A_14, %dma_start3A_207] : memref<10112x128xf32, #tpu.memory_space<vmem_shared>> -> memref<64x128xf32, #tpu.memory_space<vmem_shared>>
      %dma_start3A_209 = arith.constant 0 : i32
      %dma_start3A_210 = arith.constant 0 : i32
      %dma_start3A_211 = tpu.memref_slice %arg9[%run_scoped3A, %dma_start3A_209, %dma_start3A_210] : memref<5x64x128xf32, #tpu.memory_space<vmem>> -> memref<1x64x128xf32, #tpu.memory_space<vmem>>
      %dma_start3A_212 = tpu.memref_squeeze %dma_start3A_211 : memref<1x64x128xf32, #tpu.memory_space<vmem>> -> memref<64x128xf32, #tpu.memory_space<vmem>>
      tpu.enqueue_dma source(%dma_start3A_212 : memref<64x128xf32, #tpu.memory_space<vmem>>) target(%dma_start3A_208 : memref<64x128xf32, #tpu.memory_space<vmem_shared>>) target_semaphore(%run_scoped3A_200 : memref<!tpu.dma_semaphore, #tpu.memory_space<semaphore_mem>>)
      %dma_wait3A_213 = arith.constant 0 : i32
      %dma_wait3A_214 = arith.constant 0 : i32
      %dma_wait3A_215 = tpu.memref_slice %arg9[%run_scoped3A, %dma_wait3A_213, %dma_wait3A_214] : memref<5x64x128xf32, #tpu.memory_space<vmem>> -> memref<1x64x128xf32, #tpu.memory_space<vmem>>
      %dma_wait3A_216 = tpu.memref_squeeze %dma_wait3A_215 : memref<1x64x128xf32, #tpu.memory_space<vmem>> -> memref<64x128xf32, #tpu.memory_space<vmem>>
      %dma_wait3A_217 = arith.constant 0 : i32
      %dma_wait3A_218 = tpu.memref_slice %arg6[%add3A_14, %dma_wait3A_217] : memref<10112x128xf32, #tpu.memory_space<vmem_shared>> -> memref<64x128xf32, #tpu.memory_space<vmem_shared>>
      %dma_wait3A_219 = arith.constant 0 : i32
      %dma_wait3A_220 = tpu.memref_slice %arg6[%add3A_14, %dma_wait3A_219] : memref<10112x128xf32, #tpu.memory_space<vmem_shared>> -> memref<64x128xf32, #tpu.memory_space<vmem_shared>>
      %dma_wait3A_221 = arith.constant 0 : i32
      %dma_wait3A_222 = arith.constant 0 : i32
      %dma_wait3A_223 = tpu.memref_slice %arg9[%run_scoped3A, %dma_wait3A_221, %dma_wait3A_222] : memref<5x64x128xf32, #tpu.memory_space<vmem>> -> memref<1x64x128xf32, #tpu.memory_space<vmem>>
      %dma_wait3A_224 = tpu.memref_squeeze %dma_wait3A_223 : memref<1x64x128xf32, #tpu.memory_space<vmem>> -> memref<64x128xf32, #tpu.memory_space<vmem>>
      tpu.wait_dma2 semaphore(%run_scoped3A_200 : memref<!tpu.dma_semaphore, #tpu.memory_space<semaphore_mem>>) src(%dma_wait3A_224 : memref<64x128xf32, #tpu.memory_space<vmem>>) dst(%dma_wait3A_220 : memref<64x128xf32, #tpu.memory_space<vmem_shared>>)
      tpu.yield
    }) : () -> ()
    %add3A_15 = arith.constant 64 : i32
    %add3A_16 = arith.addi %mul3A_12, %add3A_15 : i32
    %run_scoped3A_17 = arith.constant 0 : i32
    "tpu.region"() ({
      %run_scoped3A_200 = tpu.sem_alloc : memref<!tpu.dma_semaphore, #tpu.memory_space<semaphore_mem>>
      %dma_start3A_201 = arith.constant 0 : i32
      %dma_start3A_202 = arith.constant 0 : i32
      %dma_start3A_203 = tpu.memref_slice %arg9[%run_scoped3A_17, %dma_start3A_201, %dma_start3A_202] : memref<5x64x128xf32, #tpu.memory_space<vmem>> -> memref<1x64x128xf32, #tpu.memory_space<vmem>>
      %dma_start3A_204 = tpu.memref_squeeze %dma_start3A_203 : memref<1x64x128xf32, #tpu.memory_space<vmem>> -> memref<64x128xf32, #tpu.memory_space<vmem>>
      %dma_start3A_205 = arith.constant 0 : i32
      %dma_start3A_206 = tpu.memref_slice %arg6[%add3A_16, %dma_start3A_205] : memref<10112x128xf32, #tpu.memory_space<vmem_shared>> -> memref<64x128xf32, #tpu.memory_space<vmem_shared>>
      %dma_start3A_207 = arith.constant 0 : i32
      %dma_start3A_208 = tpu.memref_slice %arg6[%add3A_16, %dma_start3A_207] : memref<10112x128xf32, #tpu.memory_space<vmem_shared>> -> memref<64x128xf32, #tpu.memory_space<vmem_shared>>
      %dma_start3A_209 = arith.constant 0 : i32
      %dma_start3A_210 = arith.constant 0 : i32
      %dma_start3A_211 = tpu.memref_slice %arg9[%run_scoped3A_17, %dma_start3A_209, %dma_start3A_210] : memref<5x64x128xf32, #tpu.memory_space<vmem>> -> memref<1x64x128xf32, #tpu.memory_space<vmem>>
      %dma_start3A_212 = tpu.memref_squeeze %dma_start3A_211 : memref<1x64x128xf32, #tpu.memory_space<vmem>> -> memref<64x128xf32, #tpu.memory_space<vmem>>
      tpu.enqueue_dma source(%dma_start3A_212 : memref<64x128xf32, #tpu.memory_space<vmem>>) target(%dma_start3A_208 : memref<64x128xf32, #tpu.memory_space<vmem_shared>>) target_semaphore(%run_scoped3A_200 : memref<!tpu.dma_semaphore, #tpu.memory_space<semaphore_mem>>)
      %dma_wait3A_213 = arith.constant 0 : i32
      %dma_wait3A_214 = arith.constant 0 : i32
      %dma_wait3A_215 = tpu.memref_slice %arg9[%run_scoped3A_17, %dma_wait3A_213, %dma_wait3A_214] : memref<5x64x128xf32, #tpu.memory_space<vmem>> -> memref<1x64x128xf32, #tpu.memory_space<vmem>>
      %dma_wait3A_216 = tpu.memref_squeeze %dma_wait3A_215 : memref<1x64x128xf32, #tpu.memory_space<vmem>> -> memref<64x128xf32, #tpu.memory_space<vmem>>
      %dma_wait3A_217 = arith.constant 0 : i32
      %dma_wait3A_218 = tpu.memref_slice %arg6[%add3A_16, %dma_wait3A_217] : memref<10112x128xf32, #tpu.memory_space<vmem_shared>> -> memref<64x128xf32, #tpu.memory_space<vmem_shared>>
      %dma_wait3A_219 = arith.constant 0 : i32
      %dma_wait3A_220 = tpu.memref_slice %arg6[%add3A_16, %dma_wait3A_219] : memref<10112x128xf32, #tpu.memory_space<vmem_shared>> -> memref<64x128xf32, #tpu.memory_space<vmem_shared>>
      %dma_wait3A_221 = arith.constant 0 : i32
      %dma_wait3A_222 = arith.constant 0 : i32
      %dma_wait3A_223 = tpu.memref_slice %arg9[%run_scoped3A_17, %dma_wait3A_221, %dma_wait3A_222] : memref<5x64x128xf32, #tpu.memory_space<vmem>> -> memref<1x64x128xf32, #tpu.memory_space<vmem>>
      %dma_wait3A_224 = tpu.memref_squeeze %dma_wait3A_223 : memref<1x64x128xf32, #tpu.memory_space<vmem>> -> memref<64x128xf32, #tpu.memory_space<vmem>>
      tpu.wait_dma2 semaphore(%run_scoped3A_200 : memref<!tpu.dma_semaphore, #tpu.memory_space<semaphore_mem>>) src(%dma_wait3A_224 : memref<64x128xf32, #tpu.memory_space<vmem>>) dst(%dma_wait3A_220 : memref<64x128xf32, #tpu.memory_space<vmem_shared>>)
      tpu.yield
    }) : () -> ()
    %add3A_18 = arith.constant 128 : i32
    %add3A_19 = arith.addi %mul3A_12, %add3A_18 : i32
    %run_scoped3A_20 = arith.constant 0 : i32
    "tpu.region"() ({
      %run_scoped3A_200 = tpu.sem_alloc : memref<!tpu.dma_semaphore, #tpu.memory_space<semaphore_mem>>
      %dma_start3A_201 = arith.constant 0 : i32
      %dma_start3A_202 = arith.constant 0 : i32
      %dma_start3A_203 = tpu.memref_slice %arg9[%run_scoped3A_20, %dma_start3A_201, %dma_start3A_202] : memref<5x64x128xf32, #tpu.memory_space<vmem>> -> memref<1x64x128xf32, #tpu.memory_space<vmem>>
      %dma_start3A_204 = tpu.memref_squeeze %dma_start3A_203 : memref<1x64x128xf32, #tpu.memory_space<vmem>> -> memref<64x128xf32, #tpu.memory_space<vmem>>
      %dma_start3A_205 = arith.constant 0 : i32
      %dma_start3A_206 = tpu.memref_slice %arg6[%add3A_19, %dma_start3A_205] : memref<10112x128xf32, #tpu.memory_space<vmem_shared>> -> memref<64x128xf32, #tpu.memory_space<vmem_shared>>
      %dma_start3A_207 = arith.constant 0 : i32
      %dma_start3A_208 = tpu.memref_slice %arg6[%add3A_19, %dma_start3A_207] : memref<10112x128xf32, #tpu.memory_space<vmem_shared>> -> memref<64x128xf32, #tpu.memory_space<vmem_shared>>
      %dma_start3A_209 = arith.constant 0 : i32
      %dma_start3A_210 = arith.constant 0 : i32
      %dma_start3A_211 = tpu.memref_slice %arg9[%run_scoped3A_20, %dma_start3A_209, %dma_start3A_210] : memref<5x64x128xf32, #tpu.memory_space<vmem>> -> memref<1x64x128xf32, #tpu.memory_space<vmem>>
      %dma_start3A_212 = tpu.memref_squeeze %dma_start3A_211 : memref<1x64x128xf32, #tpu.memory_space<vmem>> -> memref<64x128xf32, #tpu.memory_space<vmem>>
      tpu.enqueue_dma source(%dma_start3A_212 : memref<64x128xf32, #tpu.memory_space<vmem>>) target(%dma_start3A_208 : memref<64x128xf32, #tpu.memory_space<vmem_shared>>) target_semaphore(%run_scoped3A_200 : memref<!tpu.dma_semaphore, #tpu.memory_space<semaphore_mem>>)
      %dma_wait3A_213 = arith.constant 0 : i32
      %dma_wait3A_214 = arith.constant 0 : i32
      %dma_wait3A_215 = tpu.memref_slice %arg9[%run_scoped3A_20, %dma_wait3A_213, %dma_wait3A_214] : memref<5x64x128xf32, #tpu.memory_space<vmem>> -> memref<1x64x128xf32, #tpu.memory_space<vmem>>
      %dma_wait3A_216 = tpu.memref_squeeze %dma_wait3A_215 : memref<1x64x128xf32, #tpu.memory_space<vmem>> -> memref<64x128xf32, #tpu.memory_space<vmem>>
      %dma_wait3A_217 = arith.constant 0 : i32
      %dma_wait3A_218 = tpu.memref_slice %arg6[%add3A_19, %dma_wait3A_217] : memref<10112x128xf32, #tpu.memory_space<vmem_shared>> -> memref<64x128xf32, #tpu.memory_space<vmem_shared>>
      %dma_wait3A_219 = arith.constant 0 : i32
      %dma_wait3A_220 = tpu.memref_slice %arg6[%add3A_19, %dma_wait3A_219] : memref<10112x128xf32, #tpu.memory_space<vmem_shared>> -> memref<64x128xf32, #tpu.memory_space<vmem_shared>>
      %dma_wait3A_221 = arith.constant 0 : i32
      %dma_wait3A_222 = arith.constant 0 : i32
      %dma_wait3A_223 = tpu.memref_slice %arg9[%run_scoped3A_20, %dma_wait3A_221, %dma_wait3A_222] : memref<5x64x128xf32, #tpu.memory_space<vmem>> -> memref<1x64x128xf32, #tpu.memory_space<vmem>>
      %dma_wait3A_224 = tpu.memref_squeeze %dma_wait3A_223 : memref<1x64x128xf32, #tpu.memory_space<vmem>> -> memref<64x128xf32, #tpu.memory_space<vmem>>
      tpu.wait_dma2 semaphore(%run_scoped3A_200 : memref<!tpu.dma_semaphore, #tpu.memory_space<semaphore_mem>>) src(%dma_wait3A_224 : memref<64x128xf32, #tpu.memory_space<vmem>>) dst(%dma_wait3A_220 : memref<64x128xf32, #tpu.memory_space<vmem_shared>>)
      tpu.yield
    }) : () -> ()
    %add3A_21 = arith.constant 192 : i32
    %add3A_22 = arith.addi %mul3A_12, %add3A_21 : i32
    %run_scoped3A_23 = arith.constant 0 : i32
    "tpu.region"() ({
      %run_scoped3A_200 = tpu.sem_alloc : memref<!tpu.dma_semaphore, #tpu.memory_space<semaphore_mem>>
      %dma_start3A_201 = arith.constant 0 : i32
      %dma_start3A_202 = arith.constant 0 : i32
      %dma_start3A_203 = tpu.memref_slice %arg9[%run_scoped3A_23, %dma_start3A_201, %dma_start3A_202] : memref<5x64x128xf32, #tpu.memory_space<vmem>> -> memref<1x64x128xf32, #tpu.memory_space<vmem>>
      %dma_start3A_204 = tpu.memref_squeeze %dma_start3A_203 : memref<1x64x128xf32, #tpu.memory_space<vmem>> -> memref<64x128xf32, #tpu.memory_space<vmem>>
      %dma_start3A_205 = arith.constant 0 : i32
      %dma_start3A_206 = tpu.memref_slice %arg6[%add3A_22, %dma_start3A_205] : memref<10112x128xf32, #tpu.memory_space<vmem_shared>> -> memref<64x128xf32, #tpu.memory_space<vmem_shared>>
      %dma_start3A_207 = arith.constant 0 : i32
      %dma_start3A_208 = tpu.memref_slice %arg6[%add3A_22, %dma_start3A_207] : memref<10112x128xf32, #tpu.memory_space<vmem_shared>> -> memref<64x128xf32, #tpu.memory_space<vmem_shared>>
      %dma_start3A_209 = arith.constant 0 : i32
      %dma_start3A_210 = arith.constant 0 : i32
      %dma_start3A_211 = tpu.memref_slice %arg9[%run_scoped3A_23, %dma_start3A_209, %dma_start3A_210] : memref<5x64x128xf32, #tpu.memory_space<vmem>> -> memref<1x64x128xf32, #tpu.memory_space<vmem>>
      %dma_start3A_212 = tpu.memref_squeeze %dma_start3A_211 : memref<1x64x128xf32, #tpu.memory_space<vmem>> -> memref<64x128xf32, #tpu.memory_space<vmem>>
      tpu.enqueue_dma source(%dma_start3A_212 : memref<64x128xf32, #tpu.memory_space<vmem>>) target(%dma_start3A_208 : memref<64x128xf32, #tpu.memory_space<vmem_shared>>) target_semaphore(%run_scoped3A_200 : memref<!tpu.dma_semaphore, #tpu.memory_space<semaphore_mem>>)
      %dma_wait3A_213 = arith.constant 0 : i32
      %dma_wait3A_214 = arith.constant 0 : i32
      %dma_wait3A_215 = tpu.memref_slice %arg9[%run_scoped3A_23, %dma_wait3A_213, %dma_wait3A_214] : memref<5x64x128xf32, #tpu.memory_space<vmem>> -> memref<1x64x128xf32, #tpu.memory_space<vmem>>
      %dma_wait3A_216 = tpu.memref_squeeze %dma_wait3A_215 : memref<1x64x128xf32, #tpu.memory_space<vmem>> -> memref<64x128xf32, #tpu.memory_space<vmem>>
      %dma_wait3A_217 = arith.constant 0 : i32
      %dma_wait3A_218 = tpu.memref_slice %arg6[%add3A_22, %dma_wait3A_217] : memref<10112x128xf32, #tpu.memory_space<vmem_shared>> -> memref<64x128xf32, #tpu.memory_space<vmem_shared>>
      %dma_wait3A_219 = arith.constant 0 : i32
      %dma_wait3A_220 = tpu.memref_slice %arg6[%add3A_22, %dma_wait3A_219] : memref<10112x128xf32, #tpu.memory_space<vmem_shared>> -> memref<64x128xf32, #tpu.memory_space<vmem_shared>>
      %dma_wait3A_221 = arith.constant 0 : i32
      %dma_wait3A_222 = arith.constant 0 : i32
      %dma_wait3A_223 = tpu.memref_slice %arg9[%run_scoped3A_23, %dma_wait3A_221, %dma_wait3A_222] : memref<5x64x128xf32, #tpu.memory_space<vmem>> -> memref<1x64x128xf32, #tpu.memory_space<vmem>>
      %dma_wait3A_224 = tpu.memref_squeeze %dma_wait3A_223 : memref<1x64x128xf32, #tpu.memory_space<vmem>> -> memref<64x128xf32, #tpu.memory_space<vmem>>
      tpu.wait_dma2 semaphore(%run_scoped3A_200 : memref<!tpu.dma_semaphore, #tpu.memory_space<semaphore_mem>>) src(%dma_wait3A_224 : memref<64x128xf32, #tpu.memory_space<vmem>>) dst(%dma_wait3A_220 : memref<64x128xf32, #tpu.memory_space<vmem_shared>>)
      tpu.yield
    }) : () -> ()
    %add3A_24 = arith.constant 256 : i32
    %add3A_25 = arith.addi %mul3A_12, %add3A_24 : i32
    %run_scoped3A_26 = arith.constant 0 : i32
    "tpu.region"() ({
      %run_scoped3A_200 = tpu.sem_alloc : memref<!tpu.dma_semaphore, #tpu.memory_space<semaphore_mem>>
      %dma_start3A_201 = arith.constant 0 : i32
      %dma_start3A_202 = arith.constant 0 : i32
      %dma_start3A_203 = tpu.memref_slice %arg9[%run_scoped3A_26, %dma_start3A_201, %dma_start3A_202] : memref<5x64x128xf32, #tpu.memory_space<vmem>> -> memref<1x64x128xf32, #tpu.memory_space<vmem>>
      %dma_start3A_204 = tpu.memref_squeeze %dma_start3A_203 : memref<1x64x128xf32, #tpu.memory_space<vmem>> -> memref<64x128xf32, #tpu.memory_space<vmem>>
      %dma_start3A_205 = arith.constant 0 : i32
      %dma_start3A_206 = tpu.memref_slice %arg6[%add3A_25, %dma_start3A_205] : memref<10112x128xf32, #tpu.memory_space<vmem_shared>> -> memref<64x128xf32, #tpu.memory_space<vmem_shared>>
      %dma_start3A_207 = arith.constant 0 : i32
      %dma_start3A_208 = tpu.memref_slice %arg6[%add3A_25, %dma_start3A_207] : memref<10112x128xf32, #tpu.memory_space<vmem_shared>> -> memref<64x128xf32, #tpu.memory_space<vmem_shared>>
      %dma_start3A_209 = arith.constant 0 : i32
      %dma_start3A_210 = arith.constant 0 : i32
      %dma_start3A_211 = tpu.memref_slice %arg9[%run_scoped3A_26, %dma_start3A_209, %dma_start3A_210] : memref<5x64x128xf32, #tpu.memory_space<vmem>> -> memref<1x64x128xf32, #tpu.memory_space<vmem>>
      %dma_start3A_212 = tpu.memref_squeeze %dma_start3A_211 : memref<1x64x128xf32, #tpu.memory_space<vmem>> -> memref<64x128xf32, #tpu.memory_space<vmem>>
      tpu.enqueue_dma source(%dma_start3A_212 : memref<64x128xf32, #tpu.memory_space<vmem>>) target(%dma_start3A_208 : memref<64x128xf32, #tpu.memory_space<vmem_shared>>) target_semaphore(%run_scoped3A_200 : memref<!tpu.dma_semaphore, #tpu.memory_space<semaphore_mem>>)
      %dma_wait3A_213 = arith.constant 0 : i32
      %dma_wait3A_214 = arith.constant 0 : i32
      %dma_wait3A_215 = tpu.memref_slice %arg9[%run_scoped3A_26, %dma_wait3A_213, %dma_wait3A_214] : memref<5x64x128xf32, #tpu.memory_space<vmem>> -> memref<1x64x128xf32, #tpu.memory_space<vmem>>
      %dma_wait3A_216 = tpu.memref_squeeze %dma_wait3A_215 : memref<1x64x128xf32, #tpu.memory_space<vmem>> -> memref<64x128xf32, #tpu.memory_space<vmem>>
      %dma_wait3A_217 = arith.constant 0 : i32
      %dma_wait3A_218 = tpu.memref_slice %arg6[%add3A_25, %dma_wait3A_217] : memref<10112x128xf32, #tpu.memory_space<vmem_shared>> -> memref<64x128xf32, #tpu.memory_space<vmem_shared>>
      %dma_wait3A_219 = arith.constant 0 : i32
      %dma_wait3A_220 = tpu.memref_slice %arg6[%add3A_25, %dma_wait3A_219] : memref<10112x128xf32, #tpu.memory_space<vmem_shared>> -> memref<64x128xf32, #tpu.memory_space<vmem_shared>>
      %dma_wait3A_221 = arith.constant 0 : i32
      %dma_wait3A_222 = arith.constant 0 : i32
      %dma_wait3A_223 = tpu.memref_slice %arg9[%run_scoped3A_26, %dma_wait3A_221, %dma_wait3A_222] : memref<5x64x128xf32, #tpu.memory_space<vmem>> -> memref<1x64x128xf32, #tpu.memory_space<vmem>>
      %dma_wait3A_224 = tpu.memref_squeeze %dma_wait3A_223 : memref<1x64x128xf32, #tpu.memory_space<vmem>> -> memref<64x128xf32, #tpu.memory_space<vmem>>
      tpu.wait_dma2 semaphore(%run_scoped3A_200 : memref<!tpu.dma_semaphore, #tpu.memory_space<semaphore_mem>>) src(%dma_wait3A_224 : memref<64x128xf32, #tpu.memory_space<vmem>>) dst(%dma_wait3A_220 : memref<64x128xf32, #tpu.memory_space<vmem_shared>>)
      tpu.yield
    }) : () -> ()
    %add3A_27 = arith.constant 320 : i32
    %add3A_28 = arith.addi %mul3A_12, %add3A_27 : i32
    %run_scoped3A_29 = arith.constant 0 : i32
    "tpu.region"() ({
      %run_scoped3A_200 = tpu.sem_alloc : memref<!tpu.dma_semaphore, #tpu.memory_space<semaphore_mem>>
      %dma_start3A_201 = arith.constant 0 : i32
      %dma_start3A_202 = arith.constant 0 : i32
      %dma_start3A_203 = tpu.memref_slice %arg9[%run_scoped3A_29, %dma_start3A_201, %dma_start3A_202] : memref<5x64x128xf32, #tpu.memory_space<vmem>> -> memref<1x64x128xf32, #tpu.memory_space<vmem>>
      %dma_start3A_204 = tpu.memref_squeeze %dma_start3A_203 : memref<1x64x128xf32, #tpu.memory_space<vmem>> -> memref<64x128xf32, #tpu.memory_space<vmem>>
      %dma_start3A_205 = arith.constant 0 : i32
      %dma_start3A_206 = tpu.memref_slice %arg6[%add3A_28, %dma_start3A_205] : memref<10112x128xf32, #tpu.memory_space<vmem_shared>> -> memref<64x128xf32, #tpu.memory_space<vmem_shared>>
      %dma_start3A_207 = arith.constant 0 : i32
      %dma_start3A_208 = tpu.memref_slice %arg6[%add3A_28, %dma_start3A_207] : memref<10112x128xf32, #tpu.memory_space<vmem_shared>> -> memref<64x128xf32, #tpu.memory_space<vmem_shared>>
      %dma_start3A_209 = arith.constant 0 : i32
      %dma_start3A_210 = arith.constant 0 : i32
      %dma_start3A_211 = tpu.memref_slice %arg9[%run_scoped3A_29, %dma_start3A_209, %dma_start3A_210] : memref<5x64x128xf32, #tpu.memory_space<vmem>> -> memref<1x64x128xf32, #tpu.memory_space<vmem>>
      %dma_start3A_212 = tpu.memref_squeeze %dma_start3A_211 : memref<1x64x128xf32, #tpu.memory_space<vmem>> -> memref<64x128xf32, #tpu.memory_space<vmem>>
      tpu.enqueue_dma source(%dma_start3A_212 : memref<64x128xf32, #tpu.memory_space<vmem>>) target(%dma_start3A_208 : memref<64x128xf32, #tpu.memory_space<vmem_shared>>) target_semaphore(%run_scoped3A_200 : memref<!tpu.dma_semaphore, #tpu.memory_space<semaphore_mem>>)
      %dma_wait3A_213 = arith.constant 0 : i32
      %dma_wait3A_214 = arith.constant 0 : i32
      %dma_wait3A_215 = tpu.memref_slice %arg9[%run_scoped3A_29, %dma_wait3A_213, %dma_wait3A_214] : memref<5x64x128xf32, #tpu.memory_space<vmem>> -> memref<1x64x128xf32, #tpu.memory_space<vmem>>
      %dma_wait3A_216 = tpu.memref_squeeze %dma_wait3A_215 : memref<1x64x128xf32, #tpu.memory_space<vmem>> -> memref<64x128xf32, #tpu.memory_space<vmem>>
      %dma_wait3A_217 = arith.constant 0 : i32
      %dma_wait3A_218 = tpu.memref_slice %arg6[%add3A_28, %dma_wait3A_217] : memref<10112x128xf32, #tpu.memory_space<vmem_shared>> -> memref<64x128xf32, #tpu.memory_space<vmem_shared>>
      %dma_wait3A_219 = arith.constant 0 : i32
      %dma_wait3A_220 = tpu.memref_slice %arg6[%add3A_28, %dma_wait3A_219] : memref<10112x128xf32, #tpu.memory_space<vmem_shared>> -> memref<64x128xf32, #tpu.memory_space<vmem_shared>>
      %dma_wait3A_221 = arith.constant 0 : i32
      %dma_wait3A_222 = arith.constant 0 : i32
      %dma_wait3A_223 = tpu.memref_slice %arg9[%run_scoped3A_29, %dma_wait3A_221, %dma_wait3A_222] : memref<5x64x128xf32, #tpu.memory_space<vmem>> -> memref<1x64x128xf32, #tpu.memory_space<vmem>>
      %dma_wait3A_224 = tpu.memref_squeeze %dma_wait3A_223 : memref<1x64x128xf32, #tpu.memory_space<vmem>> -> memref<64x128xf32, #tpu.memory_space<vmem>>
      tpu.wait_dma2 semaphore(%run_scoped3A_200 : memref<!tpu.dma_semaphore, #tpu.memory_space<semaphore_mem>>) src(%dma_wait3A_224 : memref<64x128xf32, #tpu.memory_space<vmem>>) dst(%dma_wait3A_220 : memref<64x128xf32, #tpu.memory_space<vmem_shared>>)
      tpu.yield
    }) : () -> ()
    %add3A_30 = arith.constant 384 : i32
    %add3A_31 = arith.addi %mul3A_12, %add3A_30 : i32
    %run_scoped3A_32 = arith.constant 0 : i32
    "tpu.region"() ({
      %run_scoped3A_200 = tpu.sem_alloc : memref<!tpu.dma_semaphore, #tpu.memory_space<semaphore_mem>>
      %dma_start3A_201 = arith.constant 0 : i32
      %dma_start3A_202 = arith.constant 0 : i32
      %dma_start3A_203 = tpu.memref_slice %arg9[%run_scoped3A_32, %dma_start3A_201, %dma_start3A_202] : memref<5x64x128xf32, #tpu.memory_space<vmem>> -> memref<1x64x128xf32, #tpu.memory_space<vmem>>
      %dma_start3A_204 = tpu.memref_squeeze %dma_start3A_203 : memref<1x64x128xf32, #tpu.memory_space<vmem>> -> memref<64x128xf32, #tpu.memory_space<vmem>>
      %dma_start3A_205 = arith.constant 0 : i32
      %dma_start3A_206 = tpu.memref_slice %arg6[%add3A_31, %dma_start3A_205] : memref<10112x128xf32, #tpu.memory_space<vmem_shared>> -> memref<64x128xf32, #tpu.memory_space<vmem_shared>>
      %dma_start3A_207 = arith.constant 0 : i32
      %dma_start3A_208 = tpu.memref_slice %arg6[%add3A_31, %dma_start3A_207] : memref<10112x128xf32, #tpu.memory_space<vmem_shared>> -> memref<64x128xf32, #tpu.memory_space<vmem_shared>>
      %dma_start3A_209 = arith.constant 0 : i32
      %dma_start3A_210 = arith.constant 0 : i32
      %dma_start3A_211 = tpu.memref_slice %arg9[%run_scoped3A_32, %dma_start3A_209, %dma_start3A_210] : memref<5x64x128xf32, #tpu.memory_space<vmem>> -> memref<1x64x128xf32, #tpu.memory_space<vmem>>
      %dma_start3A_212 = tpu.memref_squeeze %dma_start3A_211 : memref<1x64x128xf32, #tpu.memory_space<vmem>> -> memref<64x128xf32, #tpu.memory_space<vmem>>
      tpu.enqueue_dma source(%dma_start3A_212 : memref<64x128xf32, #tpu.memory_space<vmem>>) target(%dma_start3A_208 : memref<64x128xf32, #tpu.memory_space<vmem_shared>>) target_semaphore(%run_scoped3A_200 : memref<!tpu.dma_semaphore, #tpu.memory_space<semaphore_mem>>)
      %dma_wait3A_213 = arith.constant 0 : i32
      %dma_wait3A_214 = arith.constant 0 : i32
      %dma_wait3A_215 = tpu.memref_slice %arg9[%run_scoped3A_32, %dma_wait3A_213, %dma_wait3A_214] : memref<5x64x128xf32, #tpu.memory_space<vmem>> -> memref<1x64x128xf32, #tpu.memory_space<vmem>>
      %dma_wait3A_216 = tpu.memref_squeeze %dma_wait3A_215 : memref<1x64x128xf32, #tpu.memory_space<vmem>> -> memref<64x128xf32, #tpu.memory_space<vmem>>
      %dma_wait3A_217 = arith.constant 0 : i32
      %dma_wait3A_218 = tpu.memref_slice %arg6[%add3A_31, %dma_wait3A_217] : memref<10112x128xf32, #tpu.memory_space<vmem_shared>> -> memref<64x128xf32, #tpu.memory_space<vmem_shared>>
      %dma_wait3A_219 = arith.constant 0 : i32
      %dma_wait3A_220 = tpu.memref_slice %arg6[%add3A_31, %dma_wait3A_219] : memref<10112x128xf32, #tpu.memory_space<vmem_shared>> -> memref<64x128xf32, #tpu.memory_space<vmem_shared>>
      %dma_wait3A_221 = arith.constant 0 : i32
      %dma_wait3A_222 = arith.constant 0 : i32
      %dma_wait3A_223 = tpu.memref_slice %arg9[%run_scoped3A_32, %dma_wait3A_221, %dma_wait3A_222] : memref<5x64x128xf32, #tpu.memory_space<vmem>> -> memref<1x64x128xf32, #tpu.memory_space<vmem>>
      %dma_wait3A_224 = tpu.memref_squeeze %dma_wait3A_223 : memref<1x64x128xf32, #tpu.memory_space<vmem>> -> memref<64x128xf32, #tpu.memory_space<vmem>>
      tpu.wait_dma2 semaphore(%run_scoped3A_200 : memref<!tpu.dma_semaphore, #tpu.memory_space<semaphore_mem>>) src(%dma_wait3A_224 : memref<64x128xf32, #tpu.memory_space<vmem>>) dst(%dma_wait3A_220 : memref<64x128xf32, #tpu.memory_space<vmem_shared>>)
      tpu.yield
    }) : () -> ()
    %add3A_33 = arith.constant 448 : i32
    %add3A_34 = arith.addi %mul3A_12, %add3A_33 : i32
    %run_scoped3A_35 = arith.constant 0 : i32
    "tpu.region"() ({
      %run_scoped3A_200 = tpu.sem_alloc : memref<!tpu.dma_semaphore, #tpu.memory_space<semaphore_mem>>
      %dma_start3A_201 = arith.constant 0 : i32
      %dma_start3A_202 = arith.constant 0 : i32
      %dma_start3A_203 = tpu.memref_slice %arg9[%run_scoped3A_35, %dma_start3A_201, %dma_start3A_202] : memref<5x64x128xf32, #tpu.memory_space<vmem>> -> memref<1x64x128xf32, #tpu.memory_space<vmem>>
      %dma_start3A_204 = tpu.memref_squeeze %dma_start3A_203 : memref<1x64x128xf32, #tpu.memory_space<vmem>> -> memref<64x128xf32, #tpu.memory_space<vmem>>
      %dma_start3A_205 = arith.constant 0 : i32
      %dma_start3A_206 = tpu.memref_slice %arg6[%add3A_34, %dma_start3A_205] : memref<10112x128xf32, #tpu.memory_space<vmem_shared>> -> memref<64x128xf32, #tpu.memory_space<vmem_shared>>
      %dma_start3A_207 = arith.constant 0 : i32
      %dma_start3A_208 = tpu.memref_slice %arg6[%add3A_34, %dma_start3A_207] : memref<10112x128xf32, #tpu.memory_space<vmem_shared>> -> memref<64x128xf32, #tpu.memory_space<vmem_shared>>
      %dma_start3A_209 = arith.constant 0 : i32
      %dma_start3A_210 = arith.constant 0 : i32
      %dma_start3A_211 = tpu.memref_slice %arg9[%run_scoped3A_35, %dma_start3A_209, %dma_start3A_210] : memref<5x64x128xf32, #tpu.memory_space<vmem>> -> memref<1x64x128xf32, #tpu.memory_space<vmem>>
      %dma_start3A_212 = tpu.memref_squeeze %dma_start3A_211 : memref<1x64x128xf32, #tpu.memory_space<vmem>> -> memref<64x128xf32, #tpu.memory_space<vmem>>
      tpu.enqueue_dma source(%dma_start3A_212 : memref<64x128xf32, #tpu.memory_space<vmem>>) target(%dma_start3A_208 : memref<64x128xf32, #tpu.memory_space<vmem_shared>>) target_semaphore(%run_scoped3A_200 : memref<!tpu.dma_semaphore, #tpu.memory_space<semaphore_mem>>)
      %dma_wait3A_213 = arith.constant 0 : i32
      %dma_wait3A_214 = arith.constant 0 : i32
      %dma_wait3A_215 = tpu.memref_slice %arg9[%run_scoped3A_35, %dma_wait3A_213, %dma_wait3A_214] : memref<5x64x128xf32, #tpu.memory_space<vmem>> -> memref<1x64x128xf32, #tpu.memory_space<vmem>>
      %dma_wait3A_216 = tpu.memref_squeeze %dma_wait3A_215 : memref<1x64x128xf32, #tpu.memory_space<vmem>> -> memref<64x128xf32, #tpu.memory_space<vmem>>
      %dma_wait3A_217 = arith.constant 0 : i32
      %dma_wait3A_218 = tpu.memref_slice %arg6[%add3A_34, %dma_wait3A_217] : memref<10112x128xf32, #tpu.memory_space<vmem_shared>> -> memref<64x128xf32, #tpu.memory_space<vmem_shared>>
      %dma_wait3A_219 = arith.constant 0 : i32
      %dma_wait3A_220 = tpu.memref_slice %arg6[%add3A_34, %dma_wait3A_219] : memref<10112x128xf32, #tpu.memory_space<vmem_shared>> -> memref<64x128xf32, #tpu.memory_space<vmem_shared>>
      %dma_wait3A_221 = arith.constant 0 : i32
      %dma_wait3A_222 = arith.constant 0 : i32
      %dma_wait3A_223 = tpu.memref_slice %arg9[%run_scoped3A_35, %dma_wait3A_221, %dma_wait3A_222] : memref<5x64x128xf32, #tpu.memory_space<vmem>> -> memref<1x64x128xf32, #tpu.memory_space<vmem>>
      %dma_wait3A_224 = tpu.memref_squeeze %dma_wait3A_223 : memref<1x64x128xf32, #tpu.memory_space<vmem>> -> memref<64x128xf32, #tpu.memory_space<vmem>>
      tpu.wait_dma2 semaphore(%run_scoped3A_200 : memref<!tpu.dma_semaphore, #tpu.memory_space<semaphore_mem>>) src(%dma_wait3A_224 : memref<64x128xf32, #tpu.memory_space<vmem>>) dst(%dma_wait3A_220 : memref<64x128xf32, #tpu.memory_space<vmem_shared>>)
      tpu.yield
    }) : () -> ()
    %add3A_36 = arith.constant 512 : i32
    %add3A_37 = arith.addi %mul3A_12, %add3A_36 : i32
    %run_scoped3A_38 = arith.constant 0 : i32
    "tpu.region"() ({
      %run_scoped3A_200 = tpu.sem_alloc : memref<!tpu.dma_semaphore, #tpu.memory_space<semaphore_mem>>
      %dma_start3A_201 = arith.constant 0 : i32
      %dma_start3A_202 = arith.constant 0 : i32
      %dma_start3A_203 = tpu.memref_slice %arg9[%run_scoped3A_38, %dma_start3A_201, %dma_start3A_202] : memref<5x64x128xf32, #tpu.memory_space<vmem>> -> memref<1x64x128xf32, #tpu.memory_space<vmem>>
      %dma_start3A_204 = tpu.memref_squeeze %dma_start3A_203 : memref<1x64x128xf32, #tpu.memory_space<vmem>> -> memref<64x128xf32, #tpu.memory_space<vmem>>
      %dma_start3A_205 = arith.constant 0 : i32
      %dma_start3A_206 = tpu.memref_slice %arg6[%add3A_37, %dma_start3A_205] : memref<10112x128xf32, #tpu.memory_space<vmem_shared>> -> memref<64x128xf32, #tpu.memory_space<vmem_shared>>
      %dma_start3A_207 = arith.constant 0 : i32
      %dma_start3A_208 = tpu.memref_slice %arg6[%add3A_37, %dma_start3A_207] : memref<10112x128xf32, #tpu.memory_space<vmem_shared>> -> memref<64x128xf32, #tpu.memory_space<vmem_shared>>
      %dma_start3A_209 = arith.constant 0 : i32
      %dma_start3A_210 = arith.constant 0 : i32
      %dma_start3A_211 = tpu.memref_slice %arg9[%run_scoped3A_38, %dma_start3A_209, %dma_start3A_210] : memref<5x64x128xf32, #tpu.memory_space<vmem>> -> memref<1x64x128xf32, #tpu.memory_space<vmem>>
      %dma_start3A_212 = tpu.memref_squeeze %dma_start3A_211 : memref<1x64x128xf32, #tpu.memory_space<vmem>> -> memref<64x128xf32, #tpu.memory_space<vmem>>
      tpu.enqueue_dma source(%dma_start3A_212 : memref<64x128xf32, #tpu.memory_space<vmem>>) target(%dma_start3A_208 : memref<64x128xf32, #tpu.memory_space<vmem_shared>>) target_semaphore(%run_scoped3A_200 : memref<!tpu.dma_semaphore, #tpu.memory_space<semaphore_mem>>)
      %dma_wait3A_213 = arith.constant 0 : i32
      %dma_wait3A_214 = arith.constant 0 : i32
      %dma_wait3A_215 = tpu.memref_slice %arg9[%run_scoped3A_38, %dma_wait3A_213, %dma_wait3A_214] : memref<5x64x128xf32, #tpu.memory_space<vmem>> -> memref<1x64x128xf32, #tpu.memory_space<vmem>>
      %dma_wait3A_216 = tpu.memref_squeeze %dma_wait3A_215 : memref<1x64x128xf32, #tpu.memory_space<vmem>> -> memref<64x128xf32, #tpu.memory_space<vmem>>
      %dma_wait3A_217 = arith.constant 0 : i32
      %dma_wait3A_218 = tpu.memref_slice %arg6[%add3A_37, %dma_wait3A_217] : memref<10112x128xf32, #tpu.memory_space<vmem_shared>> -> memref<64x128xf32, #tpu.memory_space<vmem_shared>>
      %dma_wait3A_219 = arith.constant 0 : i32
      %dma_wait3A_220 = tpu.memref_slice %arg6[%add3A_37, %dma_wait3A_219] : memref<10112x128xf32, #tpu.memory_space<vmem_shared>> -> memref<64x128xf32, #tpu.memory_space<vmem_shared>>
      %dma_wait3A_221 = arith.constant 0 : i32
      %dma_wait3A_222 = arith.constant 0 : i32
      %dma_wait3A_223 = tpu.memref_slice %arg9[%run_scoped3A_38, %dma_wait3A_221, %dma_wait3A_222] : memref<5x64x128xf32, #tpu.memory_space<vmem>> -> memref<1x64x128xf32, #tpu.memory_space<vmem>>
      %dma_wait3A_224 = tpu.memref_squeeze %dma_wait3A_223 : memref<1x64x128xf32, #tpu.memory_space<vmem>> -> memref<64x128xf32, #tpu.memory_space<vmem>>
      tpu.wait_dma2 semaphore(%run_scoped3A_200 : memref<!tpu.dma_semaphore, #tpu.memory_space<semaphore_mem>>) src(%dma_wait3A_224 : memref<64x128xf32, #tpu.memory_space<vmem>>) dst(%dma_wait3A_220 : memref<64x128xf32, #tpu.memory_space<vmem_shared>>)
      tpu.yield
    }) : () -> ()
    %add3A_39 = arith.constant 576 : i32
    %add3A_40 = arith.addi %mul3A_12, %add3A_39 : i32
    %run_scoped3A_41 = arith.constant 0 : i32
    "tpu.region"() ({
      %run_scoped3A_200 = tpu.sem_alloc : memref<!tpu.dma_semaphore, #tpu.memory_space<semaphore_mem>>
      %dma_start3A_201 = arith.constant 0 : i32
      %dma_start3A_202 = arith.constant 0 : i32
      %dma_start3A_203 = tpu.memref_slice %arg9[%run_scoped3A_41, %dma_start3A_201, %dma_start3A_202] : memref<5x64x128xf32, #tpu.memory_space<vmem>> -> memref<1x64x128xf32, #tpu.memory_space<vmem>>
      %dma_start3A_204 = tpu.memref_squeeze %dma_start3A_203 : memref<1x64x128xf32, #tpu.memory_space<vmem>> -> memref<64x128xf32, #tpu.memory_space<vmem>>
      %dma_start3A_205 = arith.constant 0 : i32
      %dma_start3A_206 = arith.constant 0 : i32
      %dma_start3A_207 = tpu.memref_slice %dma_start3A_204[%dma_start3A_205, %dma_start3A_206] : memref<64x128xf32, #tpu.memory_space<vmem>> -> memref<56x128xf32, #tpu.memory_space<vmem>>
      %dma_start3A_208 = arith.constant 0 : i32
      %dma_start3A_209 = tpu.memref_slice %arg6[%add3A_40, %dma_start3A_208] : memref<10112x128xf32, #tpu.memory_space<vmem_shared>> -> memref<56x128xf32, #tpu.memory_space<vmem_shared>>
      %dma_start3A_210 = arith.constant 0 : i32
      %dma_start3A_211 = tpu.memref_slice %arg6[%add3A_40, %dma_start3A_210] : memref<10112x128xf32, #tpu.memory_space<vmem_shared>> -> memref<56x128xf32, #tpu.memory_space<vmem_shared>>
      %dma_start3A_212 = arith.constant 0 : i32
      %dma_start3A_213 = arith.constant 0 : i32
      %dma_start3A_214 = tpu.memref_slice %arg9[%run_scoped3A_41, %dma_start3A_212, %dma_start3A_213] : memref<5x64x128xf32, #tpu.memory_space<vmem>> -> memref<1x64x128xf32, #tpu.memory_space<vmem>>
      %dma_start3A_215 = tpu.memref_squeeze %dma_start3A_214 : memref<1x64x128xf32, #tpu.memory_space<vmem>> -> memref<64x128xf32, #tpu.memory_space<vmem>>
      %dma_start3A_216 = arith.constant 0 : i32
      %dma_start3A_217 = arith.constant 0 : i32
      %dma_start3A_218 = tpu.memref_slice %dma_start3A_215[%dma_start3A_216, %dma_start3A_217] : memref<64x128xf32, #tpu.memory_space<vmem>> -> memref<56x128xf32, #tpu.memory_space<vmem>>
      tpu.enqueue_dma source(%dma_start3A_218 : memref<56x128xf32, #tpu.memory_space<vmem>>) target(%dma_start3A_211 : memref<56x128xf32, #tpu.memory_space<vmem_shared>>) target_semaphore(%run_scoped3A_200 : memref<!tpu.dma_semaphore, #tpu.memory_space<semaphore_mem>>)
      %dma_wait3A_219 = arith.constant 0 : i32
      %dma_wait3A_220 = arith.constant 0 : i32
      %dma_wait3A_221 = tpu.memref_slice %arg9[%run_scoped3A_41, %dma_wait3A_219, %dma_wait3A_220] : memref<5x64x128xf32, #tpu.memory_space<vmem>> -> memref<1x64x128xf32, #tpu.memory_space<vmem>>
      %dma_wait3A_222 = tpu.memref_squeeze %dma_wait3A_221 : memref<1x64x128xf32, #tpu.memory_space<vmem>> -> memref<64x128xf32, #tpu.memory_space<vmem>>
      %dma_wait3A_223 = arith.constant 0 : i32
      %dma_wait3A_224 = arith.constant 0 : i32
      %dma_wait3A_225 = tpu.memref_slice %dma_wait3A_222[%dma_wait3A_223, %dma_wait3A_224] : memref<64x128xf32, #tpu.memory_space<vmem>> -> memref<56x128xf32, #tpu.memory_space<vmem>>
      %dma_wait3A_226 = arith.constant 0 : i32
      %dma_wait3A_227 = tpu.memref_slice %arg6[%add3A_40, %dma_wait3A_226] : memref<10112x128xf32, #tpu.memory_space<vmem_shared>> -> memref<56x128xf32, #tpu.memory_space<vmem_shared>>
      %dma_wait3A_228 = arith.constant 0 : i32
      %dma_wait3A_229 = tpu.memref_slice %arg6[%add3A_40, %dma_wait3A_228] : memref<10112x128xf32, #tpu.memory_space<vmem_shared>> -> memref<56x128xf32, #tpu.memory_space<vmem_shared>>
      %dma_wait3A_230 = arith.constant 0 : i32
      %dma_wait3A_231 = arith.constant 0 : i32
      %dma_wait3A_232 = tpu.memref_slice %arg9[%run_scoped3A_41, %dma_wait3A_230, %dma_wait3A_231] : memref<5x64x128xf32, #tpu.memory_space<vmem>> -> memref<1x64x128xf32, #tpu.memory_space<vmem>>
      %dma_wait3A_233 = tpu.memref_squeeze %dma_wait3A_232 : memref<1x64x128xf32, #tpu.memory_space<vmem>> -> memref<64x128xf32, #tpu.memory_space<vmem>>
      %dma_wait3A_234 = arith.constant 0 : i32
      %dma_wait3A_235 = arith.constant 0 : i32
      %dma_wait3A_236 = tpu.memref_slice %dma_wait3A_233[%dma_wait3A_234, %dma_wait3A_235] : memref<64x128xf32, #tpu.memory_space<vmem>> -> memref<56x128xf32, #tpu.memory_space<vmem>>
      tpu.wait_dma2 semaphore(%run_scoped3A_200 : memref<!tpu.dma_semaphore, #tpu.memory_space<semaphore_mem>>) src(%dma_wait3A_236 : memref<56x128xf32, #tpu.memory_space<vmem>>) dst(%dma_wait3A_229 : memref<56x128xf32, #tpu.memory_space<vmem_shared>>)
      tpu.yield
    }) : () -> ()
    %barrier3A = arith.constant 0 : index
    tpu.barrier barrier_id(%barrier3A)
    %add3A_42 = arith.constant 0 : i32
    %add3A_43 = arith.addi %mul3A_2, %add3A_42 : i32
    %run_scoped3A_44 = arith.constant 0 : i32
    "tpu.region"() ({
      %run_scoped3A_200 = tpu.sem_alloc : memref<!tpu.dma_semaphore, #tpu.memory_space<semaphore_mem>>
      %dma_start3A_201 = arith.constant 0 : i32
      %dma_start3A_202 = tpu.memref_slice %arg7[%run_scoped3A_44, %dma_start3A_201] : memref<5x64xi32, #tpu.memory_space<vmem>> -> memref<1x64xi32, #tpu.memory_space<vmem>>
      %dma_start3A_203 = tpu.memref_squeeze %dma_start3A_202 : memref<1x64xi32, #tpu.memory_space<vmem>> -> memref<64xi32, #tpu.memory_space<vmem>>
      %dma_start3A_204 = arith.constant 0 : i32
      %dma_start3A_205 = tpu.memref_slice %arg3[%add3A_43, %dma_start3A_204] : memref<5120x64xi32, #tpu.memory_space<hbm>> -> memref<1x64xi32, #tpu.memory_space<hbm>>
      %dma_start3A_206 = tpu.memref_squeeze %dma_start3A_205 : memref<1x64xi32, #tpu.memory_space<hbm>> -> memref<64xi32, #tpu.memory_space<hbm>>
      %dma_start3A_207 = arith.constant 0 : i32
      %dma_start3A_208 = tpu.memref_slice %arg7[%run_scoped3A_44, %dma_start3A_207] : memref<5x64xi32, #tpu.memory_space<vmem>> -> memref<1x64xi32, #tpu.memory_space<vmem>>
      %dma_start3A_209 = tpu.memref_squeeze %dma_start3A_208 : memref<1x64xi32, #tpu.memory_space<vmem>> -> memref<64xi32, #tpu.memory_space<vmem>>
      %dma_start3A_210 = arith.constant 0 : i32
      %dma_start3A_211 = tpu.memref_slice %arg3[%add3A_43, %dma_start3A_210] : memref<5120x64xi32, #tpu.memory_space<hbm>> -> memref<1x64xi32, #tpu.memory_space<hbm>>
      %dma_start3A_212 = tpu.memref_squeeze %dma_start3A_211 : memref<1x64xi32, #tpu.memory_space<hbm>> -> memref<64xi32, #tpu.memory_space<hbm>>
      tpu.enqueue_dma source(%dma_start3A_212 : memref<64xi32, #tpu.memory_space<hbm>>) target(%dma_start3A_209 : memref<64xi32, #tpu.memory_space<vmem>>) target_semaphore(%run_scoped3A_200 : memref<!tpu.dma_semaphore, #tpu.memory_space<semaphore_mem>>)
      %dma_wait3A_213 = arith.constant 0 : i32
      %dma_wait3A_214 = tpu.memref_slice %arg7[%run_scoped3A_44, %dma_wait3A_213] : memref<5x64xi32, #tpu.memory_space<vmem>> -> memref<1x64xi32, #tpu.memory_space<vmem>>
      %dma_wait3A_215 = tpu.memref_squeeze %dma_wait3A_214 : memref<1x64xi32, #tpu.memory_space<vmem>> -> memref<64xi32, #tpu.memory_space<vmem>>
      %dma_wait3A_216 = arith.constant 0 : i32
      %dma_wait3A_217 = tpu.memref_slice %arg3[%add3A_43, %dma_wait3A_216] : memref<5120x64xi32, #tpu.memory_space<hbm>> -> memref<1x64xi32, #tpu.memory_space<hbm>>
      %dma_wait3A_218 = tpu.memref_squeeze %dma_wait3A_217 : memref<1x64xi32, #tpu.memory_space<hbm>> -> memref<64xi32, #tpu.memory_space<hbm>>
      %dma_wait3A_219 = arith.constant 0 : i32
      %dma_wait3A_220 = tpu.memref_slice %arg7[%run_scoped3A_44, %dma_wait3A_219] : memref<5x64xi32, #tpu.memory_space<vmem>> -> memref<1x64xi32, #tpu.memory_space<vmem>>
      %dma_wait3A_221 = tpu.memref_squeeze %dma_wait3A_220 : memref<1x64xi32, #tpu.memory_space<vmem>> -> memref<64xi32, #tpu.memory_space<vmem>>
      %dma_wait3A_222 = arith.constant 0 : i32
      %dma_wait3A_223 = tpu.memref_slice %arg3[%add3A_43, %dma_wait3A_222] : memref<5120x64xi32, #tpu.memory_space<hbm>> -> memref<1x64xi32, #tpu.memory_space<hbm>>
      %dma_wait3A_224 = tpu.memref_squeeze %dma_wait3A_223 : memref<1x64xi32, #tpu.memory_space<hbm>> -> memref<64xi32, #tpu.memory_space<hbm>>
      tpu.wait_dma2 semaphore(%run_scoped3A_200 : memref<!tpu.dma_semaphore, #tpu.memory_space<semaphore_mem>>) src(%dma_wait3A_224 : memref<64xi32, #tpu.memory_space<hbm>>) dst(%dma_wait3A_221 : memref<64xi32, #tpu.memory_space<vmem>>)
      tpu.yield
    }) : () -> ()
    %add3A_45 = arith.constant 0 : i32
    %add3A_46 = arith.addi %mul3A_2, %add3A_45 : i32
    %run_scoped3A_47 = arith.constant 0 : i32
    "tpu.region"() ({
      %run_scoped3A_200 = tpu.sem_alloc : memref<!tpu.dma_semaphore, #tpu.memory_space<semaphore_mem>>
      %dma_start3A_201 = arith.constant 0 : i32
      %dma_start3A_202 = tpu.memref_slice %arg8[%run_scoped3A_47, %dma_start3A_201] : memref<5x64xi32, #tpu.memory_space<vmem>> -> memref<1x64xi32, #tpu.memory_space<vmem>>
      %dma_start3A_203 = tpu.memref_squeeze %dma_start3A_202 : memref<1x64xi32, #tpu.memory_space<vmem>> -> memref<64xi32, #tpu.memory_space<vmem>>
      %dma_start3A_204 = arith.constant 0 : i32
      %dma_start3A_205 = tpu.memref_slice %arg4[%add3A_46, %dma_start3A_204] : memref<5120x64xi32, #tpu.memory_space<hbm>> -> memref<1x64xi32, #tpu.memory_space<hbm>>
      %dma_start3A_206 = tpu.memref_squeeze %dma_start3A_205 : memref<1x64xi32, #tpu.memory_space<hbm>> -> memref<64xi32, #tpu.memory_space<hbm>>
      %dma_start3A_207 = arith.constant 0 : i32
      %dma_start3A_208 = tpu.memref_slice %arg8[%run_scoped3A_47, %dma_start3A_207] : memref<5x64xi32, #tpu.memory_space<vmem>> -> memref<1x64xi32, #tpu.memory_space<vmem>>
      %dma_start3A_209 = tpu.memref_squeeze %dma_start3A_208 : memref<1x64xi32, #tpu.memory_space<vmem>> -> memref<64xi32, #tpu.memory_space<vmem>>
      %dma_start3A_210 = arith.constant 0 : i32
      %dma_start3A_211 = tpu.memref_slice %arg4[%add3A_46, %dma_start3A_210] : memref<5120x64xi32, #tpu.memory_space<hbm>> -> memref<1x64xi32, #tpu.memory_space<hbm>>
      %dma_start3A_212 = tpu.memref_squeeze %dma_start3A_211 : memref<1x64xi32, #tpu.memory_space<hbm>> -> memref<64xi32, #tpu.memory_space<hbm>>
      tpu.enqueue_dma source(%dma_start3A_212 : memref<64xi32, #tpu.memory_space<hbm>>) target(%dma_start3A_209 : memref<64xi32, #tpu.memory_space<vmem>>) target_semaphore(%run_scoped3A_200 : memref<!tpu.dma_semaphore, #tpu.memory_space<semaphore_mem>>)
      %dma_wait3A_213 = arith.constant 0 : i32
      %dma_wait3A_214 = tpu.memref_slice %arg8[%run_scoped3A_47, %dma_wait3A_213] : memref<5x64xi32, #tpu.memory_space<vmem>> -> memref<1x64xi32, #tpu.memory_space<vmem>>
      %dma_wait3A_215 = tpu.memref_squeeze %dma_wait3A_214 : memref<1x64xi32, #tpu.memory_space<vmem>> -> memref<64xi32, #tpu.memory_space<vmem>>
      %dma_wait3A_216 = arith.constant 0 : i32
      %dma_wait3A_217 = tpu.memref_slice %arg4[%add3A_46, %dma_wait3A_216] : memref<5120x64xi32, #tpu.memory_space<hbm>> -> memref<1x64xi32, #tpu.memory_space<hbm>>
      %dma_wait3A_218 = tpu.memref_squeeze %dma_wait3A_217 : memref<1x64xi32, #tpu.memory_space<hbm>> -> memref<64xi32, #tpu.memory_space<hbm>>
      %dma_wait3A_219 = arith.constant 0 : i32
      %dma_wait3A_220 = tpu.memref_slice %arg8[%run_scoped3A_47, %dma_wait3A_219] : memref<5x64xi32, #tpu.memory_space<vmem>> -> memref<1x64xi32, #tpu.memory_space<vmem>>
      %dma_wait3A_221 = tpu.memref_squeeze %dma_wait3A_220 : memref<1x64xi32, #tpu.memory_space<vmem>> -> memref<64xi32, #tpu.memory_space<vmem>>
      %dma_wait3A_222 = arith.constant 0 : i32
      %dma_wait3A_223 = tpu.memref_slice %arg4[%add3A_46, %dma_wait3A_222] : memref<5120x64xi32, #tpu.memory_space<hbm>> -> memref<1x64xi32, #tpu.memory_space<hbm>>
      %dma_wait3A_224 = tpu.memref_squeeze %dma_wait3A_223 : memref<1x64xi32, #tpu.memory_space<hbm>> -> memref<64xi32, #tpu.memory_space<hbm>>
      tpu.wait_dma2 semaphore(%run_scoped3A_200 : memref<!tpu.dma_semaphore, #tpu.memory_space<semaphore_mem>>) src(%dma_wait3A_224 : memref<64xi32, #tpu.memory_space<hbm>>) dst(%dma_wait3A_221 : memref<64xi32, #tpu.memory_space<vmem>>)
      tpu.yield
    }) : () -> ()
    %dma_start3A = arith.constant 0 : i32
    %dma_start3A_48 = arith.constant 0 : i32
    %dma_start3A_49 = arith.constant 0 : i32
    %dma_start3A_50 = arith.constant 0 : i32
    %dma_start3A_51 = tpu.memref_slice %arg9[%dma_start3A_48, %dma_start3A_49, %dma_start3A_50] : memref<5x64x128xf32, #tpu.memory_space<vmem>> -> memref<1x64x128xf32, #tpu.memory_space<vmem>>
    %dma_start3A_52 = tpu.memref_squeeze %dma_start3A_51 : memref<1x64x128xf32, #tpu.memory_space<vmem>> -> memref<64x128xf32, #tpu.memory_space<vmem>>
    %dma_start3A_53 = arith.constant 0 : i32
    %dma_start3A_54 = tpu.memref_slice %arg7[%dma_start3A, %dma_start3A_53] : memref<5x64xi32, #tpu.memory_space<vmem>> -> memref<1x64xi32, #tpu.memory_space<vmem>>
    %dma_start3A_55 = tpu.memref_squeeze %dma_start3A_54 : memref<1x64xi32, #tpu.memory_space<vmem>> -> memref<64xi32, #tpu.memory_space<vmem>>
    %dma_start3A_56 = arith.constant 0 : i32
    %dma_start3A_57 = arith.constant 0 : i32
    %dma_start3A_58 = tpu.memref_slice %arg2[%dma_start3A_56, %dma_start3A_57] : memref<10112x128xf32, #tpu.memory_space<hbm>> -> memref<10112x128xf32, #tpu.memory_space<hbm>>
    tpu.enqueue_indirect_dma source(%dma_start3A_58 : memref<10112x128xf32, #tpu.memory_space<hbm>>) target(%dma_start3A_52 : memref<64x128xf32, #tpu.memory_space<vmem>>) offsets(%dma_start3A_55 : memref<64xi32, #tpu.memory_space<vmem>>) semaphore(%arg10 : memref<!tpu.dma_semaphore, #tpu.memory_space<semaphore_mem>>)
    %add3A_59 = arith.constant 1 : i32
    %add3A_60 = arith.addi %mul3A_2, %add3A_59 : i32
    %run_scoped3A_61 = arith.constant 1 : i32
    "tpu.region"() ({
      %run_scoped3A_200 = tpu.sem_alloc : memref<!tpu.dma_semaphore, #tpu.memory_space<semaphore_mem>>
      %dma_start3A_201 = arith.constant 0 : i32
      %dma_start3A_202 = tpu.memref_slice %arg7[%run_scoped3A_61, %dma_start3A_201] : memref<5x64xi32, #tpu.memory_space<vmem>> -> memref<1x64xi32, #tpu.memory_space<vmem>>
      %dma_start3A_203 = tpu.memref_squeeze %dma_start3A_202 : memref<1x64xi32, #tpu.memory_space<vmem>> -> memref<64xi32, #tpu.memory_space<vmem>>
      %dma_start3A_204 = arith.constant 0 : i32
      %dma_start3A_205 = tpu.memref_slice %arg3[%add3A_60, %dma_start3A_204] : memref<5120x64xi32, #tpu.memory_space<hbm>> -> memref<1x64xi32, #tpu.memory_space<hbm>>
      %dma_start3A_206 = tpu.memref_squeeze %dma_start3A_205 : memref<1x64xi32, #tpu.memory_space<hbm>> -> memref<64xi32, #tpu.memory_space<hbm>>
      %dma_start3A_207 = arith.constant 0 : i32
      %dma_start3A_208 = tpu.memref_slice %arg7[%run_scoped3A_61, %dma_start3A_207] : memref<5x64xi32, #tpu.memory_space<vmem>> -> memref<1x64xi32, #tpu.memory_space<vmem>>
      %dma_start3A_209 = tpu.memref_squeeze %dma_start3A_208 : memref<1x64xi32, #tpu.memory_space<vmem>> -> memref<64xi32, #tpu.memory_space<vmem>>
      %dma_start3A_210 = arith.constant 0 : i32
      %dma_start3A_211 = tpu.memref_slice %arg3[%add3A_60, %dma_start3A_210] : memref<5120x64xi32, #tpu.memory_space<hbm>> -> memref<1x64xi32, #tpu.memory_space<hbm>>
      %dma_start3A_212 = tpu.memref_squeeze %dma_start3A_211 : memref<1x64xi32, #tpu.memory_space<hbm>> -> memref<64xi32, #tpu.memory_space<hbm>>
      tpu.enqueue_dma source(%dma_start3A_212 : memref<64xi32, #tpu.memory_space<hbm>>) target(%dma_start3A_209 : memref<64xi32, #tpu.memory_space<vmem>>) target_semaphore(%run_scoped3A_200 : memref<!tpu.dma_semaphore, #tpu.memory_space<semaphore_mem>>)
      %dma_wait3A_213 = arith.constant 0 : i32
      %dma_wait3A_214 = tpu.memref_slice %arg7[%run_scoped3A_61, %dma_wait3A_213] : memref<5x64xi32, #tpu.memory_space<vmem>> -> memref<1x64xi32, #tpu.memory_space<vmem>>
      %dma_wait3A_215 = tpu.memref_squeeze %dma_wait3A_214 : memref<1x64xi32, #tpu.memory_space<vmem>> -> memref<64xi32, #tpu.memory_space<vmem>>
      %dma_wait3A_216 = arith.constant 0 : i32
      %dma_wait3A_217 = tpu.memref_slice %arg3[%add3A_60, %dma_wait3A_216] : memref<5120x64xi32, #tpu.memory_space<hbm>> -> memref<1x64xi32, #tpu.memory_space<hbm>>
      %dma_wait3A_218 = tpu.memref_squeeze %dma_wait3A_217 : memref<1x64xi32, #tpu.memory_space<hbm>> -> memref<64xi32, #tpu.memory_space<hbm>>
      %dma_wait3A_219 = arith.constant 0 : i32
      %dma_wait3A_220 = tpu.memref_slice %arg7[%run_scoped3A_61, %dma_wait3A_219] : memref<5x64xi32, #tpu.memory_space<vmem>> -> memref<1x64xi32, #tpu.memory_space<vmem>>
      %dma_wait3A_221 = tpu.memref_squeeze %dma_wait3A_220 : memref<1x64xi32, #tpu.memory_space<vmem>> -> memref<64xi32, #tpu.memory_space<vmem>>
      %dma_wait3A_222 = arith.constant 0 : i32
      %dma_wait3A_223 = tpu.memref_slice %arg3[%add3A_60, %dma_wait3A_222] : memref<5120x64xi32, #tpu.memory_space<hbm>> -> memref<1x64xi32, #tpu.memory_space<hbm>>
      %dma_wait3A_224 = tpu.memref_squeeze %dma_wait3A_223 : memref<1x64xi32, #tpu.memory_space<hbm>> -> memref<64xi32, #tpu.memory_space<hbm>>
      tpu.wait_dma2 semaphore(%run_scoped3A_200 : memref<!tpu.dma_semaphore, #tpu.memory_space<semaphore_mem>>) src(%dma_wait3A_224 : memref<64xi32, #tpu.memory_space<hbm>>) dst(%dma_wait3A_221 : memref<64xi32, #tpu.memory_space<vmem>>)
      tpu.yield
    }) : () -> ()
    %add3A_62 = arith.constant 1 : i32
    %add3A_63 = arith.addi %mul3A_2, %add3A_62 : i32
    %run_scoped3A_64 = arith.constant 1 : i32
    "tpu.region"() ({
      %run_scoped3A_200 = tpu.sem_alloc : memref<!tpu.dma_semaphore, #tpu.memory_space<semaphore_mem>>
      %dma_start3A_201 = arith.constant 0 : i32
      %dma_start3A_202 = tpu.memref_slice %arg8[%run_scoped3A_64, %dma_start3A_201] : memref<5x64xi32, #tpu.memory_space<vmem>> -> memref<1x64xi32, #tpu.memory_space<vmem>>
      %dma_start3A_203 = tpu.memref_squeeze %dma_start3A_202 : memref<1x64xi32, #tpu.memory_space<vmem>> -> memref<64xi32, #tpu.memory_space<vmem>>
      %dma_start3A_204 = arith.constant 0 : i32
      %dma_start3A_205 = tpu.memref_slice %arg4[%add3A_63, %dma_start3A_204] : memref<5120x64xi32, #tpu.memory_space<hbm>> -> memref<1x64xi32, #tpu.memory_space<hbm>>
      %dma_start3A_206 = tpu.memref_squeeze %dma_start3A_205 : memref<1x64xi32, #tpu.memory_space<hbm>> -> memref<64xi32, #tpu.memory_space<hbm>>
      %dma_start3A_207 = arith.constant 0 : i32
      %dma_start3A_208 = tpu.memref_slice %arg8[%run_scoped3A_64, %dma_start3A_207] : memref<5x64xi32, #tpu.memory_space<vmem>> -> memref<1x64xi32, #tpu.memory_space<vmem>>
      %dma_start3A_209 = tpu.memref_squeeze %dma_start3A_208 : memref<1x64xi32, #tpu.memory_space<vmem>> -> memref<64xi32, #tpu.memory_space<vmem>>
      %dma_start3A_210 = arith.constant 0 : i32
      %dma_start3A_211 = tpu.memref_slice %arg4[%add3A_63, %dma_start3A_210] : memref<5120x64xi32, #tpu.memory_space<hbm>> -> memref<1x64xi32, #tpu.memory_space<hbm>>
      %dma_start3A_212 = tpu.memref_squeeze %dma_start3A_211 : memref<1x64xi32, #tpu.memory_space<hbm>> -> memref<64xi32, #tpu.memory_space<hbm>>
      tpu.enqueue_dma source(%dma_start3A_212 : memref<64xi32, #tpu.memory_space<hbm>>) target(%dma_start3A_209 : memref<64xi32, #tpu.memory_space<vmem>>) target_semaphore(%run_scoped3A_200 : memref<!tpu.dma_semaphore, #tpu.memory_space<semaphore_mem>>)
      %dma_wait3A_213 = arith.constant 0 : i32
      %dma_wait3A_214 = tpu.memref_slice %arg8[%run_scoped3A_64, %dma_wait3A_213] : memref<5x64xi32, #tpu.memory_space<vmem>> -> memref<1x64xi32, #tpu.memory_space<vmem>>
      %dma_wait3A_215 = tpu.memref_squeeze %dma_wait3A_214 : memref<1x64xi32, #tpu.memory_space<vmem>> -> memref<64xi32, #tpu.memory_space<vmem>>
      %dma_wait3A_216 = arith.constant 0 : i32
      %dma_wait3A_217 = tpu.memref_slice %arg4[%add3A_63, %dma_wait3A_216] : memref<5120x64xi32, #tpu.memory_space<hbm>> -> memref<1x64xi32, #tpu.memory_space<hbm>>
      %dma_wait3A_218 = tpu.memref_squeeze %dma_wait3A_217 : memref<1x64xi32, #tpu.memory_space<hbm>> -> memref<64xi32, #tpu.memory_space<hbm>>
      %dma_wait3A_219 = arith.constant 0 : i32
      %dma_wait3A_220 = tpu.memref_slice %arg8[%run_scoped3A_64, %dma_wait3A_219] : memref<5x64xi32, #tpu.memory_space<vmem>> -> memref<1x64xi32, #tpu.memory_space<vmem>>
      %dma_wait3A_221 = tpu.memref_squeeze %dma_wait3A_220 : memref<1x64xi32, #tpu.memory_space<vmem>> -> memref<64xi32, #tpu.memory_space<vmem>>
      %dma_wait3A_222 = arith.constant 0 : i32
      %dma_wait3A_223 = tpu.memref_slice %arg4[%add3A_63, %dma_wait3A_222] : memref<5120x64xi32, #tpu.memory_space<hbm>> -> memref<1x64xi32, #tpu.memory_space<hbm>>
      %dma_wait3A_224 = tpu.memref_squeeze %dma_wait3A_223 : memref<1x64xi32, #tpu.memory_space<hbm>> -> memref<64xi32, #tpu.memory_space<hbm>>
      tpu.wait_dma2 semaphore(%run_scoped3A_200 : memref<!tpu.dma_semaphore, #tpu.memory_space<semaphore_mem>>) src(%dma_wait3A_224 : memref<64xi32, #tpu.memory_space<hbm>>) dst(%dma_wait3A_221 : memref<64xi32, #tpu.memory_space<vmem>>)
      tpu.yield
    }) : () -> ()
    %dma_start3A_65 = arith.constant 1 : i32
    %dma_start3A_66 = arith.constant 1 : i32
    %dma_start3A_67 = arith.constant 0 : i32
    %dma_start3A_68 = arith.constant 0 : i32
    %dma_start3A_69 = tpu.memref_slice %arg9[%dma_start3A_66, %dma_start3A_67, %dma_start3A_68] : memref<5x64x128xf32, #tpu.memory_space<vmem>> -> memref<1x64x128xf32, #tpu.memory_space<vmem>>
    %dma_start3A_70 = tpu.memref_squeeze %dma_start3A_69 : memref<1x64x128xf32, #tpu.memory_space<vmem>> -> memref<64x128xf32, #tpu.memory_space<vmem>>
    %dma_start3A_71 = arith.constant 0 : i32
    %dma_start3A_72 = tpu.memref_slice %arg7[%dma_start3A_65, %dma_start3A_71] : memref<5x64xi32, #tpu.memory_space<vmem>> -> memref<1x64xi32, #tpu.memory_space<vmem>>
    %dma_start3A_73 = tpu.memref_squeeze %dma_start3A_72 : memref<1x64xi32, #tpu.memory_space<vmem>> -> memref<64xi32, #tpu.memory_space<vmem>>
    %dma_start3A_74 = arith.constant 0 : i32
    %dma_start3A_75 = arith.constant 0 : i32
    %dma_start3A_76 = tpu.memref_slice %arg2[%dma_start3A_74, %dma_start3A_75] : memref<10112x128xf32, #tpu.memory_space<hbm>> -> memref<10112x128xf32, #tpu.memory_space<hbm>>
    tpu.enqueue_indirect_dma source(%dma_start3A_76 : memref<10112x128xf32, #tpu.memory_space<hbm>>) target(%dma_start3A_70 : memref<64x128xf32, #tpu.memory_space<vmem>>) offsets(%dma_start3A_73 : memref<64xi32, #tpu.memory_space<vmem>>) semaphore(%arg11 : memref<!tpu.dma_semaphore, #tpu.memory_space<semaphore_mem>>)
    %add3A_77 = arith.constant 2 : i32
    %add3A_78 = arith.addi %mul3A_2, %add3A_77 : i32
    %run_scoped3A_79 = arith.constant 2 : i32
    "tpu.region"() ({
      %run_scoped3A_200 = tpu.sem_alloc : memref<!tpu.dma_semaphore, #tpu.memory_space<semaphore_mem>>
      %dma_start3A_201 = arith.constant 0 : i32
      %dma_start3A_202 = tpu.memref_slice %arg7[%run_scoped3A_79, %dma_start3A_201] : memref<5x64xi32, #tpu.memory_space<vmem>> -> memref<1x64xi32, #tpu.memory_space<vmem>>
      %dma_start3A_203 = tpu.memref_squeeze %dma_start3A_202 : memref<1x64xi32, #tpu.memory_space<vmem>> -> memref<64xi32, #tpu.memory_space<vmem>>
      %dma_start3A_204 = arith.constant 0 : i32
      %dma_start3A_205 = tpu.memref_slice %arg3[%add3A_78, %dma_start3A_204] : memref<5120x64xi32, #tpu.memory_space<hbm>> -> memref<1x64xi32, #tpu.memory_space<hbm>>
      %dma_start3A_206 = tpu.memref_squeeze %dma_start3A_205 : memref<1x64xi32, #tpu.memory_space<hbm>> -> memref<64xi32, #tpu.memory_space<hbm>>
      %dma_start3A_207 = arith.constant 0 : i32
      %dma_start3A_208 = tpu.memref_slice %arg7[%run_scoped3A_79, %dma_start3A_207] : memref<5x64xi32, #tpu.memory_space<vmem>> -> memref<1x64xi32, #tpu.memory_space<vmem>>
      %dma_start3A_209 = tpu.memref_squeeze %dma_start3A_208 : memref<1x64xi32, #tpu.memory_space<vmem>> -> memref<64xi32, #tpu.memory_space<vmem>>
      %dma_start3A_210 = arith.constant 0 : i32
      %dma_start3A_211 = tpu.memref_slice %arg3[%add3A_78, %dma_start3A_210] : memref<5120x64xi32, #tpu.memory_space<hbm>> -> memref<1x64xi32, #tpu.memory_space<hbm>>
      %dma_start3A_212 = tpu.memref_squeeze %dma_start3A_211 : memref<1x64xi32, #tpu.memory_space<hbm>> -> memref<64xi32, #tpu.memory_space<hbm>>
      tpu.enqueue_dma source(%dma_start3A_212 : memref<64xi32, #tpu.memory_space<hbm>>) target(%dma_start3A_209 : memref<64xi32, #tpu.memory_space<vmem>>) target_semaphore(%run_scoped3A_200 : memref<!tpu.dma_semaphore, #tpu.memory_space<semaphore_mem>>)
      %dma_wait3A_213 = arith.constant 0 : i32
      %dma_wait3A_214 = tpu.memref_slice %arg7[%run_scoped3A_79, %dma_wait3A_213] : memref<5x64xi32, #tpu.memory_space<vmem>> -> memref<1x64xi32, #tpu.memory_space<vmem>>
      %dma_wait3A_215 = tpu.memref_squeeze %dma_wait3A_214 : memref<1x64xi32, #tpu.memory_space<vmem>> -> memref<64xi32, #tpu.memory_space<vmem>>
      %dma_wait3A_216 = arith.constant 0 : i32
      %dma_wait3A_217 = tpu.memref_slice %arg3[%add3A_78, %dma_wait3A_216] : memref<5120x64xi32, #tpu.memory_space<hbm>> -> memref<1x64xi32, #tpu.memory_space<hbm>>
      %dma_wait3A_218 = tpu.memref_squeeze %dma_wait3A_217 : memref<1x64xi32, #tpu.memory_space<hbm>> -> memref<64xi32, #tpu.memory_space<hbm>>
      %dma_wait3A_219 = arith.constant 0 : i32
      %dma_wait3A_220 = tpu.memref_slice %arg7[%run_scoped3A_79, %dma_wait3A_219] : memref<5x64xi32, #tpu.memory_space<vmem>> -> memref<1x64xi32, #tpu.memory_space<vmem>>
      %dma_wait3A_221 = tpu.memref_squeeze %dma_wait3A_220 : memref<1x64xi32, #tpu.memory_space<vmem>> -> memref<64xi32, #tpu.memory_space<vmem>>
      %dma_wait3A_222 = arith.constant 0 : i32
      %dma_wait3A_223 = tpu.memref_slice %arg3[%add3A_78, %dma_wait3A_222] : memref<5120x64xi32, #tpu.memory_space<hbm>> -> memref<1x64xi32, #tpu.memory_space<hbm>>
      %dma_wait3A_224 = tpu.memref_squeeze %dma_wait3A_223 : memref<1x64xi32, #tpu.memory_space<hbm>> -> memref<64xi32, #tpu.memory_space<hbm>>
      tpu.wait_dma2 semaphore(%run_scoped3A_200 : memref<!tpu.dma_semaphore, #tpu.memory_space<semaphore_mem>>) src(%dma_wait3A_224 : memref<64xi32, #tpu.memory_space<hbm>>) dst(%dma_wait3A_221 : memref<64xi32, #tpu.memory_space<vmem>>)
      tpu.yield
    }) : () -> ()
    %add3A_80 = arith.constant 2 : i32
    %add3A_81 = arith.addi %mul3A_2, %add3A_80 : i32
    %run_scoped3A_82 = arith.constant 2 : i32
    "tpu.region"() ({
      %run_scoped3A_200 = tpu.sem_alloc : memref<!tpu.dma_semaphore, #tpu.memory_space<semaphore_mem>>
      %dma_start3A_201 = arith.constant 0 : i32
      %dma_start3A_202 = tpu.memref_slice %arg8[%run_scoped3A_82, %dma_start3A_201] : memref<5x64xi32, #tpu.memory_space<vmem>> -> memref<1x64xi32, #tpu.memory_space<vmem>>
      %dma_start3A_203 = tpu.memref_squeeze %dma_start3A_202 : memref<1x64xi32, #tpu.memory_space<vmem>> -> memref<64xi32, #tpu.memory_space<vmem>>
      %dma_start3A_204 = arith.constant 0 : i32
      %dma_start3A_205 = tpu.memref_slice %arg4[%add3A_81, %dma_start3A_204] : memref<5120x64xi32, #tpu.memory_space<hbm>> -> memref<1x64xi32, #tpu.memory_space<hbm>>
      %dma_start3A_206 = tpu.memref_squeeze %dma_start3A_205 : memref<1x64xi32, #tpu.memory_space<hbm>> -> memref<64xi32, #tpu.memory_space<hbm>>
      %dma_start3A_207 = arith.constant 0 : i32
      %dma_start3A_208 = tpu.memref_slice %arg8[%run_scoped3A_82, %dma_start3A_207] : memref<5x64xi32, #tpu.memory_space<vmem>> -> memref<1x64xi32, #tpu.memory_space<vmem>>
      %dma_start3A_209 = tpu.memref_squeeze %dma_start3A_208 : memref<1x64xi32, #tpu.memory_space<vmem>> -> memref<64xi32, #tpu.memory_space<vmem>>
      %dma_start3A_210 = arith.constant 0 : i32
      %dma_start3A_211 = tpu.memref_slice %arg4[%add3A_81, %dma_start3A_210] : memref<5120x64xi32, #tpu.memory_space<hbm>> -> memref<1x64xi32, #tpu.memory_space<hbm>>
      %dma_start3A_212 = tpu.memref_squeeze %dma_start3A_211 : memref<1x64xi32, #tpu.memory_space<hbm>> -> memref<64xi32, #tpu.memory_space<hbm>>
      tpu.enqueue_dma source(%dma_start3A_212 : memref<64xi32, #tpu.memory_space<hbm>>) target(%dma_start3A_209 : memref<64xi32, #tpu.memory_space<vmem>>) target_semaphore(%run_scoped3A_200 : memref<!tpu.dma_semaphore, #tpu.memory_space<semaphore_mem>>)
      %dma_wait3A_213 = arith.constant 0 : i32
      %dma_wait3A_214 = tpu.memref_slice %arg8[%run_scoped3A_82, %dma_wait3A_213] : memref<5x64xi32, #tpu.memory_space<vmem>> -> memref<1x64xi32, #tpu.memory_space<vmem>>
      %dma_wait3A_215 = tpu.memref_squeeze %dma_wait3A_214 : memref<1x64xi32, #tpu.memory_space<vmem>> -> memref<64xi32, #tpu.memory_space<vmem>>
      %dma_wait3A_216 = arith.constant 0 : i32
      %dma_wait3A_217 = tpu.memref_slice %arg4[%add3A_81, %dma_wait3A_216] : memref<5120x64xi32, #tpu.memory_space<hbm>> -> memref<1x64xi32, #tpu.memory_space<hbm>>
      %dma_wait3A_218 = tpu.memref_squeeze %dma_wait3A_217 : memref<1x64xi32, #tpu.memory_space<hbm>> -> memref<64xi32, #tpu.memory_space<hbm>>
      %dma_wait3A_219 = arith.constant 0 : i32
      %dma_wait3A_220 = tpu.memref_slice %arg8[%run_scoped3A_82, %dma_wait3A_219] : memref<5x64xi32, #tpu.memory_space<vmem>> -> memref<1x64xi32, #tpu.memory_space<vmem>>
      %dma_wait3A_221 = tpu.memref_squeeze %dma_wait3A_220 : memref<1x64xi32, #tpu.memory_space<vmem>> -> memref<64xi32, #tpu.memory_space<vmem>>
      %dma_wait3A_222 = arith.constant 0 : i32
      %dma_wait3A_223 = tpu.memref_slice %arg4[%add3A_81, %dma_wait3A_222] : memref<5120x64xi32, #tpu.memory_space<hbm>> -> memref<1x64xi32, #tpu.memory_space<hbm>>
      %dma_wait3A_224 = tpu.memref_squeeze %dma_wait3A_223 : memref<1x64xi32, #tpu.memory_space<hbm>> -> memref<64xi32, #tpu.memory_space<hbm>>
      tpu.wait_dma2 semaphore(%run_scoped3A_200 : memref<!tpu.dma_semaphore, #tpu.memory_space<semaphore_mem>>) src(%dma_wait3A_224 : memref<64xi32, #tpu.memory_space<hbm>>) dst(%dma_wait3A_221 : memref<64xi32, #tpu.memory_space<vmem>>)
      tpu.yield
    }) : () -> ()
    %dma_start3A_83 = arith.constant 2 : i32
    %dma_start3A_84 = arith.constant 2 : i32
    %dma_start3A_85 = arith.constant 0 : i32
    %dma_start3A_86 = arith.constant 0 : i32
    %dma_start3A_87 = tpu.memref_slice %arg9[%dma_start3A_84, %dma_start3A_85, %dma_start3A_86] : memref<5x64x128xf32, #tpu.memory_space<vmem>> -> memref<1x64x128xf32, #tpu.memory_space<vmem>>
    %dma_start3A_88 = tpu.memref_squeeze %dma_start3A_87 : memref<1x64x128xf32, #tpu.memory_space<vmem>> -> memref<64x128xf32, #tpu.memory_space<vmem>>
    %dma_start3A_89 = arith.constant 0 : i32
    %dma_start3A_90 = tpu.memref_slice %arg7[%dma_start3A_83, %dma_start3A_89] : memref<5x64xi32, #tpu.memory_space<vmem>> -> memref<1x64xi32, #tpu.memory_space<vmem>>
    %dma_start3A_91 = tpu.memref_squeeze %dma_start3A_90 : memref<1x64xi32, #tpu.memory_space<vmem>> -> memref<64xi32, #tpu.memory_space<vmem>>
    %dma_start3A_92 = arith.constant 0 : i32
    %dma_start3A_93 = arith.constant 0 : i32
    %dma_start3A_94 = tpu.memref_slice %arg2[%dma_start3A_92, %dma_start3A_93] : memref<10112x128xf32, #tpu.memory_space<hbm>> -> memref<10112x128xf32, #tpu.memory_space<hbm>>
    tpu.enqueue_indirect_dma source(%dma_start3A_94 : memref<10112x128xf32, #tpu.memory_space<hbm>>) target(%dma_start3A_88 : memref<64x128xf32, #tpu.memory_space<vmem>>) offsets(%dma_start3A_91 : memref<64xi32, #tpu.memory_space<vmem>>) semaphore(%arg12 : memref<!tpu.dma_semaphore, #tpu.memory_space<semaphore_mem>>)
    %add3A_95 = arith.constant 3 : i32
    %add3A_96 = arith.addi %mul3A_2, %add3A_95 : i32
    %run_scoped3A_97 = arith.constant 3 : i32
    "tpu.region"() ({
      %run_scoped3A_200 = tpu.sem_alloc : memref<!tpu.dma_semaphore, #tpu.memory_space<semaphore_mem>>
      %dma_start3A_201 = arith.constant 0 : i32
      %dma_start3A_202 = tpu.memref_slice %arg7[%run_scoped3A_97, %dma_start3A_201] : memref<5x64xi32, #tpu.memory_space<vmem>> -> memref<1x64xi32, #tpu.memory_space<vmem>>
      %dma_start3A_203 = tpu.memref_squeeze %dma_start3A_202 : memref<1x64xi32, #tpu.memory_space<vmem>> -> memref<64xi32, #tpu.memory_space<vmem>>
      %dma_start3A_204 = arith.constant 0 : i32
      %dma_start3A_205 = tpu.memref_slice %arg3[%add3A_96, %dma_start3A_204] : memref<5120x64xi32, #tpu.memory_space<hbm>> -> memref<1x64xi32, #tpu.memory_space<hbm>>
      %dma_start3A_206 = tpu.memref_squeeze %dma_start3A_205 : memref<1x64xi32, #tpu.memory_space<hbm>> -> memref<64xi32, #tpu.memory_space<hbm>>
      %dma_start3A_207 = arith.constant 0 : i32
      %dma_start3A_208 = tpu.memref_slice %arg7[%run_scoped3A_97, %dma_start3A_207] : memref<5x64xi32, #tpu.memory_space<vmem>> -> memref<1x64xi32, #tpu.memory_space<vmem>>
      %dma_start3A_209 = tpu.memref_squeeze %dma_start3A_208 : memref<1x64xi32, #tpu.memory_space<vmem>> -> memref<64xi32, #tpu.memory_space<vmem>>
      %dma_start3A_210 = arith.constant 0 : i32
      %dma_start3A_211 = tpu.memref_slice %arg3[%add3A_96, %dma_start3A_210] : memref<5120x64xi32, #tpu.memory_space<hbm>> -> memref<1x64xi32, #tpu.memory_space<hbm>>
      %dma_start3A_212 = tpu.memref_squeeze %dma_start3A_211 : memref<1x64xi32, #tpu.memory_space<hbm>> -> memref<64xi32, #tpu.memory_space<hbm>>
      tpu.enqueue_dma source(%dma_start3A_212 : memref<64xi32, #tpu.memory_space<hbm>>) target(%dma_start3A_209 : memref<64xi32, #tpu.memory_space<vmem>>) target_semaphore(%run_scoped3A_200 : memref<!tpu.dma_semaphore, #tpu.memory_space<semaphore_mem>>)
      %dma_wait3A_213 = arith.constant 0 : i32
      %dma_wait3A_214 = tpu.memref_slice %arg7[%run_scoped3A_97, %dma_wait3A_213] : memref<5x64xi32, #tpu.memory_space<vmem>> -> memref<1x64xi32, #tpu.memory_space<vmem>>
      %dma_wait3A_215 = tpu.memref_squeeze %dma_wait3A_214 : memref<1x64xi32, #tpu.memory_space<vmem>> -> memref<64xi32, #tpu.memory_space<vmem>>
      %dma_wait3A_216 = arith.constant 0 : i32
      %dma_wait3A_217 = tpu.memref_slice %arg3[%add3A_96, %dma_wait3A_216] : memref<5120x64xi32, #tpu.memory_space<hbm>> -> memref<1x64xi32, #tpu.memory_space<hbm>>
      %dma_wait3A_218 = tpu.memref_squeeze %dma_wait3A_217 : memref<1x64xi32, #tpu.memory_space<hbm>> -> memref<64xi32, #tpu.memory_space<hbm>>
      %dma_wait3A_219 = arith.constant 0 : i32
      %dma_wait3A_220 = tpu.memref_slice %arg7[%run_scoped3A_97, %dma_wait3A_219] : memref<5x64xi32, #tpu.memory_space<vmem>> -> memref<1x64xi32, #tpu.memory_space<vmem>>
      %dma_wait3A_221 = tpu.memref_squeeze %dma_wait3A_220 : memref<1x64xi32, #tpu.memory_space<vmem>> -> memref<64xi32, #tpu.memory_space<vmem>>
      %dma_wait3A_222 = arith.constant 0 : i32
      %dma_wait3A_223 = tpu.memref_slice %arg3[%add3A_96, %dma_wait3A_222] : memref<5120x64xi32, #tpu.memory_space<hbm>> -> memref<1x64xi32, #tpu.memory_space<hbm>>
      %dma_wait3A_224 = tpu.memref_squeeze %dma_wait3A_223 : memref<1x64xi32, #tpu.memory_space<hbm>> -> memref<64xi32, #tpu.memory_space<hbm>>
      tpu.wait_dma2 semaphore(%run_scoped3A_200 : memref<!tpu.dma_semaphore, #tpu.memory_space<semaphore_mem>>) src(%dma_wait3A_224 : memref<64xi32, #tpu.memory_space<hbm>>) dst(%dma_wait3A_221 : memref<64xi32, #tpu.memory_space<vmem>>)
      tpu.yield
    }) : () -> ()
    %add3A_98 = arith.constant 3 : i32
    %add3A_99 = arith.addi %mul3A_2, %add3A_98 : i32
    %run_scoped3A_100 = arith.constant 3 : i32
    "tpu.region"() ({
      %run_scoped3A_200 = tpu.sem_alloc : memref<!tpu.dma_semaphore, #tpu.memory_space<semaphore_mem>>
      %dma_start3A_201 = arith.constant 0 : i32
      %dma_start3A_202 = tpu.memref_slice %arg8[%run_scoped3A_100, %dma_start3A_201] : memref<5x64xi32, #tpu.memory_space<vmem>> -> memref<1x64xi32, #tpu.memory_space<vmem>>
      %dma_start3A_203 = tpu.memref_squeeze %dma_start3A_202 : memref<1x64xi32, #tpu.memory_space<vmem>> -> memref<64xi32, #tpu.memory_space<vmem>>
      %dma_start3A_204 = arith.constant 0 : i32
      %dma_start3A_205 = tpu.memref_slice %arg4[%add3A_99, %dma_start3A_204] : memref<5120x64xi32, #tpu.memory_space<hbm>> -> memref<1x64xi32, #tpu.memory_space<hbm>>
      %dma_start3A_206 = tpu.memref_squeeze %dma_start3A_205 : memref<1x64xi32, #tpu.memory_space<hbm>> -> memref<64xi32, #tpu.memory_space<hbm>>
      %dma_start3A_207 = arith.constant 0 : i32
      %dma_start3A_208 = tpu.memref_slice %arg8[%run_scoped3A_100, %dma_start3A_207] : memref<5x64xi32, #tpu.memory_space<vmem>> -> memref<1x64xi32, #tpu.memory_space<vmem>>
      %dma_start3A_209 = tpu.memref_squeeze %dma_start3A_208 : memref<1x64xi32, #tpu.memory_space<vmem>> -> memref<64xi32, #tpu.memory_space<vmem>>
      %dma_start3A_210 = arith.constant 0 : i32
      %dma_start3A_211 = tpu.memref_slice %arg4[%add3A_99, %dma_start3A_210] : memref<5120x64xi32, #tpu.memory_space<hbm>> -> memref<1x64xi32, #tpu.memory_space<hbm>>
      %dma_start3A_212 = tpu.memref_squeeze %dma_start3A_211 : memref<1x64xi32, #tpu.memory_space<hbm>> -> memref<64xi32, #tpu.memory_space<hbm>>
      tpu.enqueue_dma source(%dma_start3A_212 : memref<64xi32, #tpu.memory_space<hbm>>) target(%dma_start3A_209 : memref<64xi32, #tpu.memory_space<vmem>>) target_semaphore(%run_scoped3A_200 : memref<!tpu.dma_semaphore, #tpu.memory_space<semaphore_mem>>)
      %dma_wait3A_213 = arith.constant 0 : i32
      %dma_wait3A_214 = tpu.memref_slice %arg8[%run_scoped3A_100, %dma_wait3A_213] : memref<5x64xi32, #tpu.memory_space<vmem>> -> memref<1x64xi32, #tpu.memory_space<vmem>>
      %dma_wait3A_215 = tpu.memref_squeeze %dma_wait3A_214 : memref<1x64xi32, #tpu.memory_space<vmem>> -> memref<64xi32, #tpu.memory_space<vmem>>
      %dma_wait3A_216 = arith.constant 0 : i32
      %dma_wait3A_217 = tpu.memref_slice %arg4[%add3A_99, %dma_wait3A_216] : memref<5120x64xi32, #tpu.memory_space<hbm>> -> memref<1x64xi32, #tpu.memory_space<hbm>>
      %dma_wait3A_218 = tpu.memref_squeeze %dma_wait3A_217 : memref<1x64xi32, #tpu.memory_space<hbm>> -> memref<64xi32, #tpu.memory_space<hbm>>
      %dma_wait3A_219 = arith.constant 0 : i32
      %dma_wait3A_220 = tpu.memref_slice %arg8[%run_scoped3A_100, %dma_wait3A_219] : memref<5x64xi32, #tpu.memory_space<vmem>> -> memref<1x64xi32, #tpu.memory_space<vmem>>
      %dma_wait3A_221 = tpu.memref_squeeze %dma_wait3A_220 : memref<1x64xi32, #tpu.memory_space<vmem>> -> memref<64xi32, #tpu.memory_space<vmem>>
      %dma_wait3A_222 = arith.constant 0 : i32
      %dma_wait3A_223 = tpu.memref_slice %arg4[%add3A_99, %dma_wait3A_222] : memref<5120x64xi32, #tpu.memory_space<hbm>> -> memref<1x64xi32, #tpu.memory_space<hbm>>
      %dma_wait3A_224 = tpu.memref_squeeze %dma_wait3A_223 : memref<1x64xi32, #tpu.memory_space<hbm>> -> memref<64xi32, #tpu.memory_space<hbm>>
      tpu.wait_dma2 semaphore(%run_scoped3A_200 : memref<!tpu.dma_semaphore, #tpu.memory_space<semaphore_mem>>) src(%dma_wait3A_224 : memref<64xi32, #tpu.memory_space<hbm>>) dst(%dma_wait3A_221 : memref<64xi32, #tpu.memory_space<vmem>>)
      tpu.yield
    }) : () -> ()
    %dma_start3A_101 = arith.constant 3 : i32
    %dma_start3A_102 = arith.constant 3 : i32
    %dma_start3A_103 = arith.constant 0 : i32
    %dma_start3A_104 = arith.constant 0 : i32
    %dma_start3A_105 = tpu.memref_slice %arg9[%dma_start3A_102, %dma_start3A_103, %dma_start3A_104] : memref<5x64x128xf32, #tpu.memory_space<vmem>> -> memref<1x64x128xf32, #tpu.memory_space<vmem>>
    %dma_start3A_106 = tpu.memref_squeeze %dma_start3A_105 : memref<1x64x128xf32, #tpu.memory_space<vmem>> -> memref<64x128xf32, #tpu.memory_space<vmem>>
    %dma_start3A_107 = arith.constant 0 : i32
    %dma_start3A_108 = tpu.memref_slice %arg7[%dma_start3A_101, %dma_start3A_107] : memref<5x64xi32, #tpu.memory_space<vmem>> -> memref<1x64xi32, #tpu.memory_space<vmem>>
    %dma_start3A_109 = tpu.memref_squeeze %dma_start3A_108 : memref<1x64xi32, #tpu.memory_space<vmem>> -> memref<64xi32, #tpu.memory_space<vmem>>
    %dma_start3A_110 = arith.constant 0 : i32
    %dma_start3A_111 = arith.constant 0 : i32
    %dma_start3A_112 = tpu.memref_slice %arg2[%dma_start3A_110, %dma_start3A_111] : memref<10112x128xf32, #tpu.memory_space<hbm>> -> memref<10112x128xf32, #tpu.memory_space<hbm>>
    tpu.enqueue_indirect_dma source(%dma_start3A_112 : memref<10112x128xf32, #tpu.memory_space<hbm>>) target(%dma_start3A_106 : memref<64x128xf32, #tpu.memory_space<vmem>>) offsets(%dma_start3A_109 : memref<64xi32, #tpu.memory_space<vmem>>) semaphore(%arg13 : memref<!tpu.dma_semaphore, #tpu.memory_space<semaphore_mem>>)
    %add3A_113 = arith.constant 4 : i32
    %add3A_114 = arith.addi %mul3A_2, %add3A_113 : i32
    %run_scoped3A_115 = arith.constant 4 : i32
    "tpu.region"() ({
      %run_scoped3A_200 = tpu.sem_alloc : memref<!tpu.dma_semaphore, #tpu.memory_space<semaphore_mem>>
      %dma_start3A_201 = arith.constant 0 : i32
      %dma_start3A_202 = tpu.memref_slice %arg7[%run_scoped3A_115, %dma_start3A_201] : memref<5x64xi32, #tpu.memory_space<vmem>> -> memref<1x64xi32, #tpu.memory_space<vmem>>
      %dma_start3A_203 = tpu.memref_squeeze %dma_start3A_202 : memref<1x64xi32, #tpu.memory_space<vmem>> -> memref<64xi32, #tpu.memory_space<vmem>>
      %dma_start3A_204 = arith.constant 0 : i32
      %dma_start3A_205 = tpu.memref_slice %arg3[%add3A_114, %dma_start3A_204] : memref<5120x64xi32, #tpu.memory_space<hbm>> -> memref<1x64xi32, #tpu.memory_space<hbm>>
      %dma_start3A_206 = tpu.memref_squeeze %dma_start3A_205 : memref<1x64xi32, #tpu.memory_space<hbm>> -> memref<64xi32, #tpu.memory_space<hbm>>
      %dma_start3A_207 = arith.constant 0 : i32
      %dma_start3A_208 = tpu.memref_slice %arg7[%run_scoped3A_115, %dma_start3A_207] : memref<5x64xi32, #tpu.memory_space<vmem>> -> memref<1x64xi32, #tpu.memory_space<vmem>>
      %dma_start3A_209 = tpu.memref_squeeze %dma_start3A_208 : memref<1x64xi32, #tpu.memory_space<vmem>> -> memref<64xi32, #tpu.memory_space<vmem>>
      %dma_start3A_210 = arith.constant 0 : i32
      %dma_start3A_211 = tpu.memref_slice %arg3[%add3A_114, %dma_start3A_210] : memref<5120x64xi32, #tpu.memory_space<hbm>> -> memref<1x64xi32, #tpu.memory_space<hbm>>
      %dma_start3A_212 = tpu.memref_squeeze %dma_start3A_211 : memref<1x64xi32, #tpu.memory_space<hbm>> -> memref<64xi32, #tpu.memory_space<hbm>>
      tpu.enqueue_dma source(%dma_start3A_212 : memref<64xi32, #tpu.memory_space<hbm>>) target(%dma_start3A_209 : memref<64xi32, #tpu.memory_space<vmem>>) target_semaphore(%run_scoped3A_200 : memref<!tpu.dma_semaphore, #tpu.memory_space<semaphore_mem>>)
      %dma_wait3A_213 = arith.constant 0 : i32
      %dma_wait3A_214 = tpu.memref_slice %arg7[%run_scoped3A_115, %dma_wait3A_213] : memref<5x64xi32, #tpu.memory_space<vmem>> -> memref<1x64xi32, #tpu.memory_space<vmem>>
      %dma_wait3A_215 = tpu.memref_squeeze %dma_wait3A_214 : memref<1x64xi32, #tpu.memory_space<vmem>> -> memref<64xi32, #tpu.memory_space<vmem>>
      %dma_wait3A_216 = arith.constant 0 : i32
      %dma_wait3A_217 = tpu.memref_slice %arg3[%add3A_114, %dma_wait3A_216] : memref<5120x64xi32, #tpu.memory_space<hbm>> -> memref<1x64xi32, #tpu.memory_space<hbm>>
      %dma_wait3A_218 = tpu.memref_squeeze %dma_wait3A_217 : memref<1x64xi32, #tpu.memory_space<hbm>> -> memref<64xi32, #tpu.memory_space<hbm>>
      %dma_wait3A_219 = arith.constant 0 : i32
      %dma_wait3A_220 = tpu.memref_slice %arg7[%run_scoped3A_115, %dma_wait3A_219] : memref<5x64xi32, #tpu.memory_space<vmem>> -> memref<1x64xi32, #tpu.memory_space<vmem>>
      %dma_wait3A_221 = tpu.memref_squeeze %dma_wait3A_220 : memref<1x64xi32, #tpu.memory_space<vmem>> -> memref<64xi32, #tpu.memory_space<vmem>>
      %dma_wait3A_222 = arith.constant 0 : i32
      %dma_wait3A_223 = tpu.memref_slice %arg3[%add3A_114, %dma_wait3A_222] : memref<5120x64xi32, #tpu.memory_space<hbm>> -> memref<1x64xi32, #tpu.memory_space<hbm>>
      %dma_wait3A_224 = tpu.memref_squeeze %dma_wait3A_223 : memref<1x64xi32, #tpu.memory_space<hbm>> -> memref<64xi32, #tpu.memory_space<hbm>>
      tpu.wait_dma2 semaphore(%run_scoped3A_200 : memref<!tpu.dma_semaphore, #tpu.memory_space<semaphore_mem>>) src(%dma_wait3A_224 : memref<64xi32, #tpu.memory_space<hbm>>) dst(%dma_wait3A_221 : memref<64xi32, #tpu.memory_space<vmem>>)
      tpu.yield
    }) : () -> ()
    %add3A_116 = arith.constant 4 : i32
    %add3A_117 = arith.addi %mul3A_2, %add3A_116 : i32
    %run_scoped3A_118 = arith.constant 4 : i32
    "tpu.region"() ({
      %run_scoped3A_200 = tpu.sem_alloc : memref<!tpu.dma_semaphore, #tpu.memory_space<semaphore_mem>>
      %dma_start3A_201 = arith.constant 0 : i32
      %dma_start3A_202 = tpu.memref_slice %arg8[%run_scoped3A_118, %dma_start3A_201] : memref<5x64xi32, #tpu.memory_space<vmem>> -> memref<1x64xi32, #tpu.memory_space<vmem>>
      %dma_start3A_203 = tpu.memref_squeeze %dma_start3A_202 : memref<1x64xi32, #tpu.memory_space<vmem>> -> memref<64xi32, #tpu.memory_space<vmem>>
      %dma_start3A_204 = arith.constant 0 : i32
      %dma_start3A_205 = tpu.memref_slice %arg4[%add3A_117, %dma_start3A_204] : memref<5120x64xi32, #tpu.memory_space<hbm>> -> memref<1x64xi32, #tpu.memory_space<hbm>>
      %dma_start3A_206 = tpu.memref_squeeze %dma_start3A_205 : memref<1x64xi32, #tpu.memory_space<hbm>> -> memref<64xi32, #tpu.memory_space<hbm>>
      %dma_start3A_207 = arith.constant 0 : i32
      %dma_start3A_208 = tpu.memref_slice %arg8[%run_scoped3A_118, %dma_start3A_207] : memref<5x64xi32, #tpu.memory_space<vmem>> -> memref<1x64xi32, #tpu.memory_space<vmem>>
      %dma_start3A_209 = tpu.memref_squeeze %dma_start3A_208 : memref<1x64xi32, #tpu.memory_space<vmem>> -> memref<64xi32, #tpu.memory_space<vmem>>
      %dma_start3A_210 = arith.constant 0 : i32
      %dma_start3A_211 = tpu.memref_slice %arg4[%add3A_117, %dma_start3A_210] : memref<5120x64xi32, #tpu.memory_space<hbm>> -> memref<1x64xi32, #tpu.memory_space<hbm>>
      %dma_start3A_212 = tpu.memref_squeeze %dma_start3A_211 : memref<1x64xi32, #tpu.memory_space<hbm>> -> memref<64xi32, #tpu.memory_space<hbm>>
      tpu.enqueue_dma source(%dma_start3A_212 : memref<64xi32, #tpu.memory_space<hbm>>) target(%dma_start3A_209 : memref<64xi32, #tpu.memory_space<vmem>>) target_semaphore(%run_scoped3A_200 : memref<!tpu.dma_semaphore, #tpu.memory_space<semaphore_mem>>)
      %dma_wait3A_213 = arith.constant 0 : i32
      %dma_wait3A_214 = tpu.memref_slice %arg8[%run_scoped3A_118, %dma_wait3A_213] : memref<5x64xi32, #tpu.memory_space<vmem>> -> memref<1x64xi32, #tpu.memory_space<vmem>>
      %dma_wait3A_215 = tpu.memref_squeeze %dma_wait3A_214 : memref<1x64xi32, #tpu.memory_space<vmem>> -> memref<64xi32, #tpu.memory_space<vmem>>
      %dma_wait3A_216 = arith.constant 0 : i32
      %dma_wait3A_217 = tpu.memref_slice %arg4[%add3A_117, %dma_wait3A_216] : memref<5120x64xi32, #tpu.memory_space<hbm>> -> memref<1x64xi32, #tpu.memory_space<hbm>>
      %dma_wait3A_218 = tpu.memref_squeeze %dma_wait3A_217 : memref<1x64xi32, #tpu.memory_space<hbm>> -> memref<64xi32, #tpu.memory_space<hbm>>
      %dma_wait3A_219 = arith.constant 0 : i32
      %dma_wait3A_220 = tpu.memref_slice %arg8[%run_scoped3A_118, %dma_wait3A_219] : memref<5x64xi32, #tpu.memory_space<vmem>> -> memref<1x64xi32, #tpu.memory_space<vmem>>
      %dma_wait3A_221 = tpu.memref_squeeze %dma_wait3A_220 : memref<1x64xi32, #tpu.memory_space<vmem>> -> memref<64xi32, #tpu.memory_space<vmem>>
      %dma_wait3A_222 = arith.constant 0 : i32
      %dma_wait3A_223 = tpu.memref_slice %arg4[%add3A_117, %dma_wait3A_222] : memref<5120x64xi32, #tpu.memory_space<hbm>> -> memref<1x64xi32, #tpu.memory_space<hbm>>
      %dma_wait3A_224 = tpu.memref_squeeze %dma_wait3A_223 : memref<1x64xi32, #tpu.memory_space<hbm>> -> memref<64xi32, #tpu.memory_space<hbm>>
      tpu.wait_dma2 semaphore(%run_scoped3A_200 : memref<!tpu.dma_semaphore, #tpu.memory_space<semaphore_mem>>) src(%dma_wait3A_224 : memref<64xi32, #tpu.memory_space<hbm>>) dst(%dma_wait3A_221 : memref<64xi32, #tpu.memory_space<vmem>>)
      tpu.yield
    }) : () -> ()
    %dma_start3A_119 = arith.constant 4 : i32
    %dma_start3A_120 = arith.constant 4 : i32
    %dma_start3A_121 = arith.constant 0 : i32
    %dma_start3A_122 = arith.constant 0 : i32
    %dma_start3A_123 = tpu.memref_slice %arg9[%dma_start3A_120, %dma_start3A_121, %dma_start3A_122] : memref<5x64x128xf32, #tpu.memory_space<vmem>> -> memref<1x64x128xf32, #tpu.memory_space<vmem>>
    %dma_start3A_124 = tpu.memref_squeeze %dma_start3A_123 : memref<1x64x128xf32, #tpu.memory_space<vmem>> -> memref<64x128xf32, #tpu.memory_space<vmem>>
    %dma_start3A_125 = arith.constant 0 : i32
    %dma_start3A_126 = tpu.memref_slice %arg7[%dma_start3A_119, %dma_start3A_125] : memref<5x64xi32, #tpu.memory_space<vmem>> -> memref<1x64xi32, #tpu.memory_space<vmem>>
    %dma_start3A_127 = tpu.memref_squeeze %dma_start3A_126 : memref<1x64xi32, #tpu.memory_space<vmem>> -> memref<64xi32, #tpu.memory_space<vmem>>
    %dma_start3A_128 = arith.constant 0 : i32
    %dma_start3A_129 = arith.constant 0 : i32
    %dma_start3A_130 = tpu.memref_slice %arg2[%dma_start3A_128, %dma_start3A_129] : memref<10112x128xf32, #tpu.memory_space<hbm>> -> memref<10112x128xf32, #tpu.memory_space<hbm>>
    tpu.enqueue_indirect_dma source(%dma_start3A_130 : memref<10112x128xf32, #tpu.memory_space<hbm>>) target(%dma_start3A_124 : memref<64x128xf32, #tpu.memory_space<vmem>>) offsets(%dma_start3A_127 : memref<64xi32, #tpu.memory_space<vmem>>) semaphore(%arg14 : memref<!tpu.dma_semaphore, #tpu.memory_space<semaphore_mem>>)
    %scan3A_131 = arith.constant 0 : i32
    %scan3A_132 = arith.constant 0 : i32
    %scan3A_133 = arith.constant 32 : i32
    %scan3A_134 = arith.addi %scan3A_132, %scan3A_133 : i32
    %scan3A_135 = arith.constant 1 : i32
    %scan3A_136 = scf.for %scan3A_200 = %scan3A_132 to %scan3A_134 step %scan3A_135 iter_args(%scan3A_201 = %scan3A_131) -> (i32)  : i32 {
      %mul3A_202 = arith.constant 5 : i32
      %mul3A_203 = arith.muli %scan3A_200, %mul3A_202 : i32
      %add3A_204 = arith.constant 0 : i32
      %add3A_205 = arith.addi %mul3A_203, %add3A_204 : i32
      %gt3A = arith.constant 0 : i32
      %gt3A_206 = arith.cmpi sgt, %scan3A_200, %gt3A : i32
      %convert_element_type3A = arith.extui %gt3A_206 : i1 to i32
      %cond3A = arith.constant 0 : i32
      %cond3A_207 = arith.cmpi ne, %convert_element_type3A, %cond3A : i32
      scf.if %cond3A_207 {
        %dma_wait3A_398 = arith.constant 0 : i32
        %dma_wait3A_399 = arith.constant 0 : i32
        %dma_wait3A_400 = arith.constant 0 : i32
        %dma_wait3A_401 = tpu.memref_slice %arg8[%dma_wait3A_399, %dma_wait3A_400] : memref<5x64xi32, #tpu.memory_space<vmem>> -> memref<1x64xi32, #tpu.memory_space<vmem>>
        %dma_wait3A_402 = tpu.memref_squeeze %dma_wait3A_401 : memref<1x64xi32, #tpu.memory_space<vmem>> -> memref<64xi32, #tpu.memory_space<vmem>>
        %dma_wait3A_403 = arith.constant 0 : i32
        %dma_wait3A_404 = tpu.memref_slice %arg4[%dma_wait3A_398, %dma_wait3A_403] : memref<5120x64xi32, #tpu.memory_space<hbm>> -> memref<1x64xi32, #tpu.memory_space<hbm>>
        %dma_wait3A_405 = tpu.memref_squeeze %dma_wait3A_404 : memref<1x64xi32, #tpu.memory_space<hbm>> -> memref<64xi32, #tpu.memory_space<hbm>>
        %dma_wait3A_406 = arith.constant 0 : i32
        %dma_wait3A_407 = tpu.memref_slice %arg8[%dma_wait3A_399, %dma_wait3A_406] : memref<5x64xi32, #tpu.memory_space<vmem>> -> memref<1x64xi32, #tpu.memory_space<vmem>>
        %dma_wait3A_408 = tpu.memref_squeeze %dma_wait3A_407 : memref<1x64xi32, #tpu.memory_space<vmem>> -> memref<64xi32, #tpu.memory_space<vmem>>
        %dma_wait3A_409 = arith.constant 0 : i32
        %dma_wait3A_410 = tpu.memref_slice %arg4[%dma_wait3A_398, %dma_wait3A_409] : memref<5120x64xi32, #tpu.memory_space<hbm>> -> memref<1x64xi32, #tpu.memory_space<hbm>>
        %dma_wait3A_411 = tpu.memref_squeeze %dma_wait3A_410 : memref<1x64xi32, #tpu.memory_space<hbm>> -> memref<64xi32, #tpu.memory_space<hbm>>
        tpu.wait_dma2 semaphore(%arg25 : memref<!tpu.dma_semaphore, #tpu.memory_space<semaphore_mem>>) src(%dma_wait3A_411 : memref<64xi32, #tpu.memory_space<hbm>>) dst(%dma_wait3A_408 : memref<64xi32, #tpu.memory_space<vmem>>)
      } else {
      }
      %dma_wait3A_208 = arith.constant 0 : i32
      %dma_wait3A_209 = arith.constant 0 : i32
      %dma_wait3A_210 = arith.constant 0 : i32
      %dma_wait3A_211 = arith.constant 0 : i32
      %dma_wait3A_212 = tpu.memref_slice %arg9[%dma_wait3A_209, %dma_wait3A_210, %dma_wait3A_211] : memref<5x64x128xf32, #tpu.memory_space<vmem>> -> memref<1x64x128xf32, #tpu.memory_space<vmem>>
      %dma_wait3A_213 = tpu.memref_squeeze %dma_wait3A_212 : memref<1x64x128xf32, #tpu.memory_space<vmem>> -> memref<64x128xf32, #tpu.memory_space<vmem>>
      %dma_wait3A_214 = arith.constant 0 : i32
      %dma_wait3A_215 = tpu.memref_slice %arg7[%dma_wait3A_208, %dma_wait3A_214] : memref<5x64xi32, #tpu.memory_space<vmem>> -> memref<1x64xi32, #tpu.memory_space<vmem>>
      %dma_wait3A_216 = tpu.memref_squeeze %dma_wait3A_215 : memref<1x64xi32, #tpu.memory_space<vmem>> -> memref<64xi32, #tpu.memory_space<vmem>>
      %dma_wait3A_217 = arith.constant 0 : i32
      %dma_wait3A_218 = arith.constant 0 : i32
      %dma_wait3A_219 = tpu.memref_slice %arg2[%dma_wait3A_217, %dma_wait3A_218] : memref<10112x128xf32, #tpu.memory_space<hbm>> -> memref<10112x128xf32, #tpu.memory_space<hbm>>
      tpu.wait_indirect_dma semaphore(%arg10 : memref<!tpu.dma_semaphore, #tpu.memory_space<semaphore_mem>>) src(%dma_wait3A_219 : memref<10112x128xf32, #tpu.memory_space<hbm>>) dst(%dma_wait3A_213 : memref<64x128xf32, #tpu.memory_space<vmem>>)
      %dma_start3A_220 = arith.constant 0 : i32
      %dma_start3A_221 = arith.constant 0 : i32
      %dma_start3A_222 = arith.constant 0 : i32
      %dma_start3A_223 = arith.constant 0 : i32
      %dma_start3A_224 = tpu.memref_slice %arg9[%dma_start3A_220, %dma_start3A_222, %dma_start3A_223] : memref<5x64x128xf32, #tpu.memory_space<vmem>> -> memref<1x64x128xf32, #tpu.memory_space<vmem>>
      %dma_start3A_225 = tpu.memref_squeeze %dma_start3A_224 : memref<1x64x128xf32, #tpu.memory_space<vmem>> -> memref<64x128xf32, #tpu.memory_space<vmem>>
      %dma_start3A_226 = arith.constant 0 : i32
      %dma_start3A_227 = tpu.memref_slice %arg8[%dma_start3A_221, %dma_start3A_226] : memref<5x64xi32, #tpu.memory_space<vmem>> -> memref<1x64xi32, #tpu.memory_space<vmem>>
      %dma_start3A_228 = tpu.memref_squeeze %dma_start3A_227 : memref<1x64xi32, #tpu.memory_space<vmem>> -> memref<64xi32, #tpu.memory_space<vmem>>
      %dma_start3A_229 = arith.constant 0 : i32
      %dma_start3A_230 = arith.constant 0 : i32
      %dma_start3A_231 = tpu.memref_slice %arg6[%dma_start3A_229, %dma_start3A_230] : memref<10112x128xf32, #tpu.memory_space<vmem_shared>> -> memref<10112x128xf32, #tpu.memory_space<vmem_shared>>
      tpu.enqueue_indirect_dma source(%dma_start3A_225 : memref<64x128xf32, #tpu.memory_space<vmem>>) target(%dma_start3A_231 : memref<10112x128xf32, #tpu.memory_space<vmem_shared>>) offsets(%dma_start3A_228 : memref<64xi32, #tpu.memory_space<vmem>>) semaphore(%arg15 : memref<!tpu.dma_semaphore, #tpu.memory_space<semaphore_mem>>) {add = true}
      %add3A_232 = arith.constant 1 : i32
      %add3A_233 = arith.addi %scan3A_200, %add3A_232 : i32
      %lt3A = arith.constant 32 : i32
      %lt3A_234 = arith.cmpi slt, %add3A_233, %lt3A : i32
      %convert_element_type3A_235 = arith.extui %lt3A_234 : i1 to i32
      %cond3A_236 = arith.constant 0 : i32
      %cond3A_237 = arith.cmpi ne, %convert_element_type3A_235, %cond3A_236 : i32
      scf.if %cond3A_237 {
        %add3A_398 = arith.addi %mul3A_2, %add3A_205 : i32
        %add3A_399 = arith.constant 5 : i32
        %add3A_400 = arith.addi %add3A_398, %add3A_399 : i32
        %dma_start3A_401 = arith.constant 0 : i32
        %dma_start3A_402 = arith.constant 0 : i32
        %dma_start3A_403 = tpu.memref_slice %arg7[%dma_start3A_401, %dma_start3A_402] : memref<5x64xi32, #tpu.memory_space<vmem>> -> memref<1x64xi32, #tpu.memory_space<vmem>>
        %dma_start3A_404 = tpu.memref_squeeze %dma_start3A_403 : memref<1x64xi32, #tpu.memory_space<vmem>> -> memref<64xi32, #tpu.memory_space<vmem>>
        %dma_start3A_405 = arith.constant 0 : i32
        %dma_start3A_406 = tpu.memref_slice %arg3[%add3A_400, %dma_start3A_405] : memref<5120x64xi32, #tpu.memory_space<hbm>> -> memref<1x64xi32, #tpu.memory_space<hbm>>
        %dma_start3A_407 = tpu.memref_squeeze %dma_start3A_406 : memref<1x64xi32, #tpu.memory_space<hbm>> -> memref<64xi32, #tpu.memory_space<hbm>>
        %dma_start3A_408 = arith.constant 0 : i32
        %dma_start3A_409 = tpu.memref_slice %arg7[%dma_start3A_401, %dma_start3A_408] : memref<5x64xi32, #tpu.memory_space<vmem>> -> memref<1x64xi32, #tpu.memory_space<vmem>>
        %dma_start3A_410 = tpu.memref_squeeze %dma_start3A_409 : memref<1x64xi32, #tpu.memory_space<vmem>> -> memref<64xi32, #tpu.memory_space<vmem>>
        %dma_start3A_411 = arith.constant 0 : i32
        %dma_start3A_412 = tpu.memref_slice %arg3[%add3A_400, %dma_start3A_411] : memref<5120x64xi32, #tpu.memory_space<hbm>> -> memref<1x64xi32, #tpu.memory_space<hbm>>
        %dma_start3A_413 = tpu.memref_squeeze %dma_start3A_412 : memref<1x64xi32, #tpu.memory_space<hbm>> -> memref<64xi32, #tpu.memory_space<hbm>>
        tpu.enqueue_dma source(%dma_start3A_413 : memref<64xi32, #tpu.memory_space<hbm>>) target(%dma_start3A_410 : memref<64xi32, #tpu.memory_space<vmem>>) target_semaphore(%arg20 : memref<!tpu.dma_semaphore, #tpu.memory_space<semaphore_mem>>)
      } else {
      }
      %add3A_238 = arith.constant 1 : i32
      %add3A_239 = arith.addi %mul3A_203, %add3A_238 : i32
      %gt3A_240 = arith.constant 0 : i32
      %gt3A_241 = arith.cmpi sgt, %scan3A_200, %gt3A_240 : i32
      %convert_element_type3A_242 = arith.extui %gt3A_241 : i1 to i32
      %cond3A_243 = arith.constant 0 : i32
      %cond3A_244 = arith.cmpi ne, %convert_element_type3A_242, %cond3A_243 : i32
      scf.if %cond3A_244 {
        %dma_wait3A_398 = arith.constant 0 : i32
        %dma_wait3A_399 = arith.constant 1 : i32
        %dma_wait3A_400 = arith.constant 0 : i32
        %dma_wait3A_401 = tpu.memref_slice %arg8[%dma_wait3A_399, %dma_wait3A_400] : memref<5x64xi32, #tpu.memory_space<vmem>> -> memref<1x64xi32, #tpu.memory_space<vmem>>
        %dma_wait3A_402 = tpu.memref_squeeze %dma_wait3A_401 : memref<1x64xi32, #tpu.memory_space<vmem>> -> memref<64xi32, #tpu.memory_space<vmem>>
        %dma_wait3A_403 = arith.constant 0 : i32
        %dma_wait3A_404 = tpu.memref_slice %arg4[%dma_wait3A_398, %dma_wait3A_403] : memref<5120x64xi32, #tpu.memory_space<hbm>> -> memref<1x64xi32, #tpu.memory_space<hbm>>
        %dma_wait3A_405 = tpu.memref_squeeze %dma_wait3A_404 : memref<1x64xi32, #tpu.memory_space<hbm>> -> memref<64xi32, #tpu.memory_space<hbm>>
        %dma_wait3A_406 = arith.constant 0 : i32
        %dma_wait3A_407 = tpu.memref_slice %arg8[%dma_wait3A_399, %dma_wait3A_406] : memref<5x64xi32, #tpu.memory_space<vmem>> -> memref<1x64xi32, #tpu.memory_space<vmem>>
        %dma_wait3A_408 = tpu.memref_squeeze %dma_wait3A_407 : memref<1x64xi32, #tpu.memory_space<vmem>> -> memref<64xi32, #tpu.memory_space<vmem>>
        %dma_wait3A_409 = arith.constant 0 : i32
        %dma_wait3A_410 = tpu.memref_slice %arg4[%dma_wait3A_398, %dma_wait3A_409] : memref<5120x64xi32, #tpu.memory_space<hbm>> -> memref<1x64xi32, #tpu.memory_space<hbm>>
        %dma_wait3A_411 = tpu.memref_squeeze %dma_wait3A_410 : memref<1x64xi32, #tpu.memory_space<hbm>> -> memref<64xi32, #tpu.memory_space<hbm>>
        tpu.wait_dma2 semaphore(%arg26 : memref<!tpu.dma_semaphore, #tpu.memory_space<semaphore_mem>>) src(%dma_wait3A_411 : memref<64xi32, #tpu.memory_space<hbm>>) dst(%dma_wait3A_408 : memref<64xi32, #tpu.memory_space<vmem>>)
      } else {
      }
      %dma_wait3A_245 = arith.constant 1 : i32
      %dma_wait3A_246 = arith.constant 1 : i32
      %dma_wait3A_247 = arith.constant 0 : i32
      %dma_wait3A_248 = arith.constant 0 : i32
      %dma_wait3A_249 = tpu.memref_slice %arg9[%dma_wait3A_246, %dma_wait3A_247, %dma_wait3A_248] : memref<5x64x128xf32, #tpu.memory_space<vmem>> -> memref<1x64x128xf32, #tpu.memory_space<vmem>>
      %dma_wait3A_250 = tpu.memref_squeeze %dma_wait3A_249 : memref<1x64x128xf32, #tpu.memory_space<vmem>> -> memref<64x128xf32, #tpu.memory_space<vmem>>
      %dma_wait3A_251 = arith.constant 0 : i32
      %dma_wait3A_252 = tpu.memref_slice %arg7[%dma_wait3A_245, %dma_wait3A_251] : memref<5x64xi32, #tpu.memory_space<vmem>> -> memref<1x64xi32, #tpu.memory_space<vmem>>
      %dma_wait3A_253 = tpu.memref_squeeze %dma_wait3A_252 : memref<1x64xi32, #tpu.memory_space<vmem>> -> memref<64xi32, #tpu.memory_space<vmem>>
      %dma_wait3A_254 = arith.constant 0 : i32
      %dma_wait3A_255 = arith.constant 0 : i32
      %dma_wait3A_256 = tpu.memref_slice %arg2[%dma_wait3A_254, %dma_wait3A_255] : memref<10112x128xf32, #tpu.memory_space<hbm>> -> memref<10112x128xf32, #tpu.memory_space<hbm>>
      tpu.wait_indirect_dma semaphore(%arg11 : memref<!tpu.dma_semaphore, #tpu.memory_space<semaphore_mem>>) src(%dma_wait3A_256 : memref<10112x128xf32, #tpu.memory_space<hbm>>) dst(%dma_wait3A_250 : memref<64x128xf32, #tpu.memory_space<vmem>>)
      %dma_start3A_257 = arith.constant 1 : i32
      %dma_start3A_258 = arith.constant 1 : i32
      %dma_start3A_259 = arith.constant 0 : i32
      %dma_start3A_260 = arith.constant 0 : i32
      %dma_start3A_261 = tpu.memref_slice %arg9[%dma_start3A_257, %dma_start3A_259, %dma_start3A_260] : memref<5x64x128xf32, #tpu.memory_space<vmem>> -> memref<1x64x128xf32, #tpu.memory_space<vmem>>
      %dma_start3A_262 = tpu.memref_squeeze %dma_start3A_261 : memref<1x64x128xf32, #tpu.memory_space<vmem>> -> memref<64x128xf32, #tpu.memory_space<vmem>>
      %dma_start3A_263 = arith.constant 0 : i32
      %dma_start3A_264 = tpu.memref_slice %arg8[%dma_start3A_258, %dma_start3A_263] : memref<5x64xi32, #tpu.memory_space<vmem>> -> memref<1x64xi32, #tpu.memory_space<vmem>>
      %dma_start3A_265 = tpu.memref_squeeze %dma_start3A_264 : memref<1x64xi32, #tpu.memory_space<vmem>> -> memref<64xi32, #tpu.memory_space<vmem>>
      %dma_start3A_266 = arith.constant 0 : i32
      %dma_start3A_267 = arith.constant 0 : i32
      %dma_start3A_268 = tpu.memref_slice %arg6[%dma_start3A_266, %dma_start3A_267] : memref<10112x128xf32, #tpu.memory_space<vmem_shared>> -> memref<10112x128xf32, #tpu.memory_space<vmem_shared>>
      tpu.enqueue_indirect_dma source(%dma_start3A_262 : memref<64x128xf32, #tpu.memory_space<vmem>>) target(%dma_start3A_268 : memref<10112x128xf32, #tpu.memory_space<vmem_shared>>) offsets(%dma_start3A_265 : memref<64xi32, #tpu.memory_space<vmem>>) semaphore(%arg16 : memref<!tpu.dma_semaphore, #tpu.memory_space<semaphore_mem>>) {add = true}
      %add3A_269 = arith.constant 1 : i32
      %add3A_270 = arith.addi %scan3A_200, %add3A_269 : i32
      %lt3A_271 = arith.constant 32 : i32
      %lt3A_272 = arith.cmpi slt, %add3A_270, %lt3A_271 : i32
      %convert_element_type3A_273 = arith.extui %lt3A_272 : i1 to i32
      %cond3A_274 = arith.constant 0 : i32
      %cond3A_275 = arith.cmpi ne, %convert_element_type3A_273, %cond3A_274 : i32
      scf.if %cond3A_275 {
        %add3A_398 = arith.addi %mul3A_2, %add3A_239 : i32
        %add3A_399 = arith.constant 5 : i32
        %add3A_400 = arith.addi %add3A_398, %add3A_399 : i32
        %dma_start3A_401 = arith.constant 1 : i32
        %dma_start3A_402 = arith.constant 0 : i32
        %dma_start3A_403 = tpu.memref_slice %arg7[%dma_start3A_401, %dma_start3A_402] : memref<5x64xi32, #tpu.memory_space<vmem>> -> memref<1x64xi32, #tpu.memory_space<vmem>>
        %dma_start3A_404 = tpu.memref_squeeze %dma_start3A_403 : memref<1x64xi32, #tpu.memory_space<vmem>> -> memref<64xi32, #tpu.memory_space<vmem>>
        %dma_start3A_405 = arith.constant 0 : i32
        %dma_start3A_406 = tpu.memref_slice %arg3[%add3A_400, %dma_start3A_405] : memref<5120x64xi32, #tpu.memory_space<hbm>> -> memref<1x64xi32, #tpu.memory_space<hbm>>
        %dma_start3A_407 = tpu.memref_squeeze %dma_start3A_406 : memref<1x64xi32, #tpu.memory_space<hbm>> -> memref<64xi32, #tpu.memory_space<hbm>>
        %dma_start3A_408 = arith.constant 0 : i32
        %dma_start3A_409 = tpu.memref_slice %arg7[%dma_start3A_401, %dma_start3A_408] : memref<5x64xi32, #tpu.memory_space<vmem>> -> memref<1x64xi32, #tpu.memory_space<vmem>>
        %dma_start3A_410 = tpu.memref_squeeze %dma_start3A_409 : memref<1x64xi32, #tpu.memory_space<vmem>> -> memref<64xi32, #tpu.memory_space<vmem>>
        %dma_start3A_411 = arith.constant 0 : i32
        %dma_start3A_412 = tpu.memref_slice %arg3[%add3A_400, %dma_start3A_411] : memref<5120x64xi32, #tpu.memory_space<hbm>> -> memref<1x64xi32, #tpu.memory_space<hbm>>
        %dma_start3A_413 = tpu.memref_squeeze %dma_start3A_412 : memref<1x64xi32, #tpu.memory_space<hbm>> -> memref<64xi32, #tpu.memory_space<hbm>>
        tpu.enqueue_dma source(%dma_start3A_413 : memref<64xi32, #tpu.memory_space<hbm>>) target(%dma_start3A_410 : memref<64xi32, #tpu.memory_space<vmem>>) target_semaphore(%arg21 : memref<!tpu.dma_semaphore, #tpu.memory_space<semaphore_mem>>)
      } else {
      }
      %add3A_276 = arith.constant 2 : i32
      %add3A_277 = arith.addi %mul3A_203, %add3A_276 : i32
      %gt3A_278 = arith.constant 0 : i32
      %gt3A_279 = arith.cmpi sgt, %scan3A_200, %gt3A_278 : i32
      %convert_element_type3A_280 = arith.extui %gt3A_279 : i1 to i32
      %cond3A_281 = arith.constant 0 : i32
      %cond3A_282 = arith.cmpi ne, %convert_element_type3A_280, %cond3A_281 : i32
      scf.if %cond3A_282 {
        %dma_wait3A_398 = arith.constant 0 : i32
        %dma_wait3A_399 = arith.constant 2 : i32
        %dma_wait3A_400 = arith.constant 0 : i32
        %dma_wait3A_401 = tpu.memref_slice %arg8[%dma_wait3A_399, %dma_wait3A_400] : memref<5x64xi32, #tpu.memory_space<vmem>> -> memref<1x64xi32, #tpu.memory_space<vmem>>
        %dma_wait3A_402 = tpu.memref_squeeze %dma_wait3A_401 : memref<1x64xi32, #tpu.memory_space<vmem>> -> memref<64xi32, #tpu.memory_space<vmem>>
        %dma_wait3A_403 = arith.constant 0 : i32
        %dma_wait3A_404 = tpu.memref_slice %arg4[%dma_wait3A_398, %dma_wait3A_403] : memref<5120x64xi32, #tpu.memory_space<hbm>> -> memref<1x64xi32, #tpu.memory_space<hbm>>
        %dma_wait3A_405 = tpu.memref_squeeze %dma_wait3A_404 : memref<1x64xi32, #tpu.memory_space<hbm>> -> memref<64xi32, #tpu.memory_space<hbm>>
        %dma_wait3A_406 = arith.constant 0 : i32
        %dma_wait3A_407 = tpu.memref_slice %arg8[%dma_wait3A_399, %dma_wait3A_406] : memref<5x64xi32, #tpu.memory_space<vmem>> -> memref<1x64xi32, #tpu.memory_space<vmem>>
        %dma_wait3A_408 = tpu.memref_squeeze %dma_wait3A_407 : memref<1x64xi32, #tpu.memory_space<vmem>> -> memref<64xi32, #tpu.memory_space<vmem>>
        %dma_wait3A_409 = arith.constant 0 : i32
        %dma_wait3A_410 = tpu.memref_slice %arg4[%dma_wait3A_398, %dma_wait3A_409] : memref<5120x64xi32, #tpu.memory_space<hbm>> -> memref<1x64xi32, #tpu.memory_space<hbm>>
        %dma_wait3A_411 = tpu.memref_squeeze %dma_wait3A_410 : memref<1x64xi32, #tpu.memory_space<hbm>> -> memref<64xi32, #tpu.memory_space<hbm>>
        tpu.wait_dma2 semaphore(%arg27 : memref<!tpu.dma_semaphore, #tpu.memory_space<semaphore_mem>>) src(%dma_wait3A_411 : memref<64xi32, #tpu.memory_space<hbm>>) dst(%dma_wait3A_408 : memref<64xi32, #tpu.memory_space<vmem>>)
      } else {
      }
      %dma_wait3A_283 = arith.constant 2 : i32
      %dma_wait3A_284 = arith.constant 2 : i32
      %dma_wait3A_285 = arith.constant 0 : i32
      %dma_wait3A_286 = arith.constant 0 : i32
      %dma_wait3A_287 = tpu.memref_slice %arg9[%dma_wait3A_284, %dma_wait3A_285, %dma_wait3A_286] : memref<5x64x128xf32, #tpu.memory_space<vmem>> -> memref<1x64x128xf32, #tpu.memory_space<vmem>>
      %dma_wait3A_288 = tpu.memref_squeeze %dma_wait3A_287 : memref<1x64x128xf32, #tpu.memory_space<vmem>> -> memref<64x128xf32, #tpu.memory_space<vmem>>
      %dma_wait3A_289 = arith.constant 0 : i32
      %dma_wait3A_290 = tpu.memref_slice %arg7[%dma_wait3A_283, %dma_wait3A_289] : memref<5x64xi32, #tpu.memory_space<vmem>> -> memref<1x64xi32, #tpu.memory_space<vmem>>
      %dma_wait3A_291 = tpu.memref_squeeze %dma_wait3A_290 : memref<1x64xi32, #tpu.memory_space<vmem>> -> memref<64xi32, #tpu.memory_space<vmem>>
      %dma_wait3A_292 = arith.constant 0 : i32
      %dma_wait3A_293 = arith.constant 0 : i32
      %dma_wait3A_294 = tpu.memref_slice %arg2[%dma_wait3A_292, %dma_wait3A_293] : memref<10112x128xf32, #tpu.memory_space<hbm>> -> memref<10112x128xf32, #tpu.memory_space<hbm>>
      tpu.wait_indirect_dma semaphore(%arg12 : memref<!tpu.dma_semaphore, #tpu.memory_space<semaphore_mem>>) src(%dma_wait3A_294 : memref<10112x128xf32, #tpu.memory_space<hbm>>) dst(%dma_wait3A_288 : memref<64x128xf32, #tpu.memory_space<vmem>>)
      %dma_start3A_295 = arith.constant 2 : i32
      %dma_start3A_296 = arith.constant 2 : i32
      %dma_start3A_297 = arith.constant 0 : i32
      %dma_start3A_298 = arith.constant 0 : i32
      %dma_start3A_299 = tpu.memref_slice %arg9[%dma_start3A_295, %dma_start3A_297, %dma_start3A_298] : memref<5x64x128xf32, #tpu.memory_space<vmem>> -> memref<1x64x128xf32, #tpu.memory_space<vmem>>
      %dma_start3A_300 = tpu.memref_squeeze %dma_start3A_299 : memref<1x64x128xf32, #tpu.memory_space<vmem>> -> memref<64x128xf32, #tpu.memory_space<vmem>>
      %dma_start3A_301 = arith.constant 0 : i32
      %dma_start3A_302 = tpu.memref_slice %arg8[%dma_start3A_296, %dma_start3A_301] : memref<5x64xi32, #tpu.memory_space<vmem>> -> memref<1x64xi32, #tpu.memory_space<vmem>>
      %dma_start3A_303 = tpu.memref_squeeze %dma_start3A_302 : memref<1x64xi32, #tpu.memory_space<vmem>> -> memref<64xi32, #tpu.memory_space<vmem>>
      %dma_start3A_304 = arith.constant 0 : i32
      %dma_start3A_305 = arith.constant 0 : i32
      %dma_start3A_306 = tpu.memref_slice %arg6[%dma_start3A_304, %dma_start3A_305] : memref<10112x128xf32, #tpu.memory_space<vmem_shared>> -> memref<10112x128xf32, #tpu.memory_space<vmem_shared>>
      tpu.enqueue_indirect_dma source(%dma_start3A_300 : memref<64x128xf32, #tpu.memory_space<vmem>>) target(%dma_start3A_306 : memref<10112x128xf32, #tpu.memory_space<vmem_shared>>) offsets(%dma_start3A_303 : memref<64xi32, #tpu.memory_space<vmem>>) semaphore(%arg17 : memref<!tpu.dma_semaphore, #tpu.memory_space<semaphore_mem>>) {add = true}
      %add3A_307 = arith.constant 1 : i32
      %add3A_308 = arith.addi %scan3A_200, %add3A_307 : i32
      %lt3A_309 = arith.constant 32 : i32
      %lt3A_310 = arith.cmpi slt, %add3A_308, %lt3A_309 : i32
      %convert_element_type3A_311 = arith.extui %lt3A_310 : i1 to i32
      %cond3A_312 = arith.constant 0 : i32
      %cond3A_313 = arith.cmpi ne, %convert_element_type3A_311, %cond3A_312 : i32
      scf.if %cond3A_313 {
        %add3A_398 = arith.addi %mul3A_2, %add3A_277 : i32
        %add3A_399 = arith.constant 5 : i32
        %add3A_400 = arith.addi %add3A_398, %add3A_399 : i32
        %dma_start3A_401 = arith.constant 2 : i32
        %dma_start3A_402 = arith.constant 0 : i32
        %dma_start3A_403 = tpu.memref_slice %arg7[%dma_start3A_401, %dma_start3A_402] : memref<5x64xi32, #tpu.memory_space<vmem>> -> memref<1x64xi32, #tpu.memory_space<vmem>>
        %dma_start3A_404 = tpu.memref_squeeze %dma_start3A_403 : memref<1x64xi32, #tpu.memory_space<vmem>> -> memref<64xi32, #tpu.memory_space<vmem>>
        %dma_start3A_405 = arith.constant 0 : i32
        %dma_start3A_406 = tpu.memref_slice %arg3[%add3A_400, %dma_start3A_405] : memref<5120x64xi32, #tpu.memory_space<hbm>> -> memref<1x64xi32, #tpu.memory_space<hbm>>
        %dma_start3A_407 = tpu.memref_squeeze %dma_start3A_406 : memref<1x64xi32, #tpu.memory_space<hbm>> -> memref<64xi32, #tpu.memory_space<hbm>>
        %dma_start3A_408 = arith.constant 0 : i32
        %dma_start3A_409 = tpu.memref_slice %arg7[%dma_start3A_401, %dma_start3A_408] : memref<5x64xi32, #tpu.memory_space<vmem>> -> memref<1x64xi32, #tpu.memory_space<vmem>>
        %dma_start3A_410 = tpu.memref_squeeze %dma_start3A_409 : memref<1x64xi32, #tpu.memory_space<vmem>> -> memref<64xi32, #tpu.memory_space<vmem>>
        %dma_start3A_411 = arith.constant 0 : i32
        %dma_start3A_412 = tpu.memref_slice %arg3[%add3A_400, %dma_start3A_411] : memref<5120x64xi32, #tpu.memory_space<hbm>> -> memref<1x64xi32, #tpu.memory_space<hbm>>
        %dma_start3A_413 = tpu.memref_squeeze %dma_start3A_412 : memref<1x64xi32, #tpu.memory_space<hbm>> -> memref<64xi32, #tpu.memory_space<hbm>>
        tpu.enqueue_dma source(%dma_start3A_413 : memref<64xi32, #tpu.memory_space<hbm>>) target(%dma_start3A_410 : memref<64xi32, #tpu.memory_space<vmem>>) target_semaphore(%arg22 : memref<!tpu.dma_semaphore, #tpu.memory_space<semaphore_mem>>)
      } else {
      }
      %add3A_314 = arith.constant 3 : i32
      %add3A_315 = arith.addi %mul3A_203, %add3A_314 : i32
      %gt3A_316 = arith.constant 0 : i32
      %gt3A_317 = arith.cmpi sgt, %scan3A_200, %gt3A_316 : i32
      %convert_element_type3A_318 = arith.extui %gt3A_317 : i1 to i32
      %cond3A_319 = arith.constant 0 : i32
      %cond3A_320 = arith.cmpi ne, %convert_element_type3A_318, %cond3A_319 : i32
      scf.if %cond3A_320 {
        %dma_wait3A_398 = arith.constant 0 : i32
        %dma_wait3A_399 = arith.constant 3 : i32
        %dma_wait3A_400 = arith.constant 0 : i32
        %dma_wait3A_401 = tpu.memref_slice %arg8[%dma_wait3A_399, %dma_wait3A_400] : memref<5x64xi32, #tpu.memory_space<vmem>> -> memref<1x64xi32, #tpu.memory_space<vmem>>
        %dma_wait3A_402 = tpu.memref_squeeze %dma_wait3A_401 : memref<1x64xi32, #tpu.memory_space<vmem>> -> memref<64xi32, #tpu.memory_space<vmem>>
        %dma_wait3A_403 = arith.constant 0 : i32
        %dma_wait3A_404 = tpu.memref_slice %arg4[%dma_wait3A_398, %dma_wait3A_403] : memref<5120x64xi32, #tpu.memory_space<hbm>> -> memref<1x64xi32, #tpu.memory_space<hbm>>
        %dma_wait3A_405 = tpu.memref_squeeze %dma_wait3A_404 : memref<1x64xi32, #tpu.memory_space<hbm>> -> memref<64xi32, #tpu.memory_space<hbm>>
        %dma_wait3A_406 = arith.constant 0 : i32
        %dma_wait3A_407 = tpu.memref_slice %arg8[%dma_wait3A_399, %dma_wait3A_406] : memref<5x64xi32, #tpu.memory_space<vmem>> -> memref<1x64xi32, #tpu.memory_space<vmem>>
        %dma_wait3A_408 = tpu.memref_squeeze %dma_wait3A_407 : memref<1x64xi32, #tpu.memory_space<vmem>> -> memref<64xi32, #tpu.memory_space<vmem>>
        %dma_wait3A_409 = arith.constant 0 : i32
        %dma_wait3A_410 = tpu.memref_slice %arg4[%dma_wait3A_398, %dma_wait3A_409] : memref<5120x64xi32, #tpu.memory_space<hbm>> -> memref<1x64xi32, #tpu.memory_space<hbm>>
        %dma_wait3A_411 = tpu.memref_squeeze %dma_wait3A_410 : memref<1x64xi32, #tpu.memory_space<hbm>> -> memref<64xi32, #tpu.memory_space<hbm>>
        tpu.wait_dma2 semaphore(%arg28 : memref<!tpu.dma_semaphore, #tpu.memory_space<semaphore_mem>>) src(%dma_wait3A_411 : memref<64xi32, #tpu.memory_space<hbm>>) dst(%dma_wait3A_408 : memref<64xi32, #tpu.memory_space<vmem>>)
      } else {
      }
      %dma_wait3A_321 = arith.constant 3 : i32
      %dma_wait3A_322 = arith.constant 3 : i32
      %dma_wait3A_323 = arith.constant 0 : i32
      %dma_wait3A_324 = arith.constant 0 : i32
      %dma_wait3A_325 = tpu.memref_slice %arg9[%dma_wait3A_322, %dma_wait3A_323, %dma_wait3A_324] : memref<5x64x128xf32, #tpu.memory_space<vmem>> -> memref<1x64x128xf32, #tpu.memory_space<vmem>>
      %dma_wait3A_326 = tpu.memref_squeeze %dma_wait3A_325 : memref<1x64x128xf32, #tpu.memory_space<vmem>> -> memref<64x128xf32, #tpu.memory_space<vmem>>
      %dma_wait3A_327 = arith.constant 0 : i32
      %dma_wait3A_328 = tpu.memref_slice %arg7[%dma_wait3A_321, %dma_wait3A_327] : memref<5x64xi32, #tpu.memory_space<vmem>> -> memref<1x64xi32, #tpu.memory_space<vmem>>
      %dma_wait3A_329 = tpu.memref_squeeze %dma_wait3A_328 : memref<1x64xi32, #tpu.memory_space<vmem>> -> memref<64xi32, #tpu.memory_space<vmem>>
      %dma_wait3A_330 = arith.constant 0 : i32
      %dma_wait3A_331 = arith.constant 0 : i32
      %dma_wait3A_332 = tpu.memref_slice %arg2[%dma_wait3A_330, %dma_wait3A_331] : memref<10112x128xf32, #tpu.memory_space<hbm>> -> memref<10112x128xf32, #tpu.memory_space<hbm>>
      tpu.wait_indirect_dma semaphore(%arg13 : memref<!tpu.dma_semaphore, #tpu.memory_space<semaphore_mem>>) src(%dma_wait3A_332 : memref<10112x128xf32, #tpu.memory_space<hbm>>) dst(%dma_wait3A_326 : memref<64x128xf32, #tpu.memory_space<vmem>>)
      %dma_start3A_333 = arith.constant 3 : i32
      %dma_start3A_334 = arith.constant 3 : i32
      %dma_start3A_335 = arith.constant 0 : i32
      %dma_start3A_336 = arith.constant 0 : i32
      %dma_start3A_337 = tpu.memref_slice %arg9[%dma_start3A_333, %dma_start3A_335, %dma_start3A_336] : memref<5x64x128xf32, #tpu.memory_space<vmem>> -> memref<1x64x128xf32, #tpu.memory_space<vmem>>
      %dma_start3A_338 = tpu.memref_squeeze %dma_start3A_337 : memref<1x64x128xf32, #tpu.memory_space<vmem>> -> memref<64x128xf32, #tpu.memory_space<vmem>>
      %dma_start3A_339 = arith.constant 0 : i32
      %dma_start3A_340 = tpu.memref_slice %arg8[%dma_start3A_334, %dma_start3A_339] : memref<5x64xi32, #tpu.memory_space<vmem>> -> memref<1x64xi32, #tpu.memory_space<vmem>>
      %dma_start3A_341 = tpu.memref_squeeze %dma_start3A_340 : memref<1x64xi32, #tpu.memory_space<vmem>> -> memref<64xi32, #tpu.memory_space<vmem>>
      %dma_start3A_342 = arith.constant 0 : i32
      %dma_start3A_343 = arith.constant 0 : i32
      %dma_start3A_344 = tpu.memref_slice %arg6[%dma_start3A_342, %dma_start3A_343] : memref<10112x128xf32, #tpu.memory_space<vmem_shared>> -> memref<10112x128xf32, #tpu.memory_space<vmem_shared>>
      tpu.enqueue_indirect_dma source(%dma_start3A_338 : memref<64x128xf32, #tpu.memory_space<vmem>>) target(%dma_start3A_344 : memref<10112x128xf32, #tpu.memory_space<vmem_shared>>) offsets(%dma_start3A_341 : memref<64xi32, #tpu.memory_space<vmem>>) semaphore(%arg18 : memref<!tpu.dma_semaphore, #tpu.memory_space<semaphore_mem>>) {add = true}
      %add3A_345 = arith.constant 1 : i32
      %add3A_346 = arith.addi %scan3A_200, %add3A_345 : i32
      %lt3A_347 = arith.constant 32 : i32
      %lt3A_348 = arith.cmpi slt, %add3A_346, %lt3A_347 : i32
      %convert_element_type3A_349 = arith.extui %lt3A_348 : i1 to i32
      %cond3A_350 = arith.constant 0 : i32
      %cond3A_351 = arith.cmpi ne, %convert_element_type3A_349, %cond3A_350 : i32
      scf.if %cond3A_351 {
        %add3A_398 = arith.addi %mul3A_2, %add3A_315 : i32
        %add3A_399 = arith.constant 5 : i32
        %add3A_400 = arith.addi %add3A_398, %add3A_399 : i32
        %dma_start3A_401 = arith.constant 3 : i32
        %dma_start3A_402 = arith.constant 0 : i32
        %dma_start3A_403 = tpu.memref_slice %arg7[%dma_start3A_401, %dma_start3A_402] : memref<5x64xi32, #tpu.memory_space<vmem>> -> memref<1x64xi32, #tpu.memory_space<vmem>>
        %dma_start3A_404 = tpu.memref_squeeze %dma_start3A_403 : memref<1x64xi32, #tpu.memory_space<vmem>> -> memref<64xi32, #tpu.memory_space<vmem>>
        %dma_start3A_405 = arith.constant 0 : i32
        %dma_start3A_406 = tpu.memref_slice %arg3[%add3A_400, %dma_start3A_405] : memref<5120x64xi32, #tpu.memory_space<hbm>> -> memref<1x64xi32, #tpu.memory_space<hbm>>
        %dma_start3A_407 = tpu.memref_squeeze %dma_start3A_406 : memref<1x64xi32, #tpu.memory_space<hbm>> -> memref<64xi32, #tpu.memory_space<hbm>>
        %dma_start3A_408 = arith.constant 0 : i32
        %dma_start3A_409 = tpu.memref_slice %arg7[%dma_start3A_401, %dma_start3A_408] : memref<5x64xi32, #tpu.memory_space<vmem>> -> memref<1x64xi32, #tpu.memory_space<vmem>>
        %dma_start3A_410 = tpu.memref_squeeze %dma_start3A_409 : memref<1x64xi32, #tpu.memory_space<vmem>> -> memref<64xi32, #tpu.memory_space<vmem>>
        %dma_start3A_411 = arith.constant 0 : i32
        %dma_start3A_412 = tpu.memref_slice %arg3[%add3A_400, %dma_start3A_411] : memref<5120x64xi32, #tpu.memory_space<hbm>> -> memref<1x64xi32, #tpu.memory_space<hbm>>
        %dma_start3A_413 = tpu.memref_squeeze %dma_start3A_412 : memref<1x64xi32, #tpu.memory_space<hbm>> -> memref<64xi32, #tpu.memory_space<hbm>>
        tpu.enqueue_dma source(%dma_start3A_413 : memref<64xi32, #tpu.memory_space<hbm>>) target(%dma_start3A_410 : memref<64xi32, #tpu.memory_space<vmem>>) target_semaphore(%arg23 : memref<!tpu.dma_semaphore, #tpu.memory_space<semaphore_mem>>)
      } else {
      }
      %add3A_352 = arith.constant 4 : i32
      %add3A_353 = arith.addi %mul3A_203, %add3A_352 : i32
      %gt3A_354 = arith.constant 0 : i32
      %gt3A_355 = arith.cmpi sgt, %scan3A_200, %gt3A_354 : i32
      %convert_element_type3A_356 = arith.extui %gt3A_355 : i1 to i32
      %cond3A_357 = arith.constant 0 : i32
      %cond3A_358 = arith.cmpi ne, %convert_element_type3A_356, %cond3A_357 : i32
      scf.if %cond3A_358 {
        %dma_wait3A_398 = arith.constant 0 : i32
        %dma_wait3A_399 = arith.constant 4 : i32
        %dma_wait3A_400 = arith.constant 0 : i32
        %dma_wait3A_401 = tpu.memref_slice %arg8[%dma_wait3A_399, %dma_wait3A_400] : memref<5x64xi32, #tpu.memory_space<vmem>> -> memref<1x64xi32, #tpu.memory_space<vmem>>
        %dma_wait3A_402 = tpu.memref_squeeze %dma_wait3A_401 : memref<1x64xi32, #tpu.memory_space<vmem>> -> memref<64xi32, #tpu.memory_space<vmem>>
        %dma_wait3A_403 = arith.constant 0 : i32
        %dma_wait3A_404 = tpu.memref_slice %arg4[%dma_wait3A_398, %dma_wait3A_403] : memref<5120x64xi32, #tpu.memory_space<hbm>> -> memref<1x64xi32, #tpu.memory_space<hbm>>
        %dma_wait3A_405 = tpu.memref_squeeze %dma_wait3A_404 : memref<1x64xi32, #tpu.memory_space<hbm>> -> memref<64xi32, #tpu.memory_space<hbm>>
        %dma_wait3A_406 = arith.constant 0 : i32
        %dma_wait3A_407 = tpu.memref_slice %arg8[%dma_wait3A_399, %dma_wait3A_406] : memref<5x64xi32, #tpu.memory_space<vmem>> -> memref<1x64xi32, #tpu.memory_space<vmem>>
        %dma_wait3A_408 = tpu.memref_squeeze %dma_wait3A_407 : memref<1x64xi32, #tpu.memory_space<vmem>> -> memref<64xi32, #tpu.memory_space<vmem>>
        %dma_wait3A_409 = arith.constant 0 : i32
        %dma_wait3A_410 = tpu.memref_slice %arg4[%dma_wait3A_398, %dma_wait3A_409] : memref<5120x64xi32, #tpu.memory_space<hbm>> -> memref<1x64xi32, #tpu.memory_space<hbm>>
        %dma_wait3A_411 = tpu.memref_squeeze %dma_wait3A_410 : memref<1x64xi32, #tpu.memory_space<hbm>> -> memref<64xi32, #tpu.memory_space<hbm>>
        tpu.wait_dma2 semaphore(%arg29 : memref<!tpu.dma_semaphore, #tpu.memory_space<semaphore_mem>>) src(%dma_wait3A_411 : memref<64xi32, #tpu.memory_space<hbm>>) dst(%dma_wait3A_408 : memref<64xi32, #tpu.memory_space<vmem>>)
      } else {
      }
      %dma_wait3A_359 = arith.constant 4 : i32
      %dma_wait3A_360 = arith.constant 4 : i32
      %dma_wait3A_361 = arith.constant 0 : i32
      %dma_wait3A_362 = arith.constant 0 : i32
      %dma_wait3A_363 = tpu.memref_slice %arg9[%dma_wait3A_360, %dma_wait3A_361, %dma_wait3A_362] : memref<5x64x128xf32, #tpu.memory_space<vmem>> -> memref<1x64x128xf32, #tpu.memory_space<vmem>>
      %dma_wait3A_364 = tpu.memref_squeeze %dma_wait3A_363 : memref<1x64x128xf32, #tpu.memory_space<vmem>> -> memref<64x128xf32, #tpu.memory_space<vmem>>
      %dma_wait3A_365 = arith.constant 0 : i32
      %dma_wait3A_366 = tpu.memref_slice %arg7[%dma_wait3A_359, %dma_wait3A_365] : memref<5x64xi32, #tpu.memory_space<vmem>> -> memref<1x64xi32, #tpu.memory_space<vmem>>
      %dma_wait3A_367 = tpu.memref_squeeze %dma_wait3A_366 : memref<1x64xi32, #tpu.memory_space<vmem>> -> memref<64xi32, #tpu.memory_space<vmem>>
      %dma_wait3A_368 = arith.constant 0 : i32
      %dma_wait3A_369 = arith.constant 0 : i32
      %dma_wait3A_370 = tpu.memref_slice %arg2[%dma_wait3A_368, %dma_wait3A_369] : memref<10112x128xf32, #tpu.memory_space<hbm>> -> memref<10112x128xf32, #tpu.memory_space<hbm>>
      tpu.wait_indirect_dma semaphore(%arg14 : memref<!tpu.dma_semaphore, #tpu.memory_space<semaphore_mem>>) src(%dma_wait3A_370 : memref<10112x128xf32, #tpu.memory_space<hbm>>) dst(%dma_wait3A_364 : memref<64x128xf32, #tpu.memory_space<vmem>>)
      %dma_start3A_371 = arith.constant 4 : i32
      %dma_start3A_372 = arith.constant 4 : i32
      %dma_start3A_373 = arith.constant 0 : i32
      %dma_start3A_374 = arith.constant 0 : i32
      %dma_start3A_375 = tpu.memref_slice %arg9[%dma_start3A_371, %dma_start3A_373, %dma_start3A_374] : memref<5x64x128xf32, #tpu.memory_space<vmem>> -> memref<1x64x128xf32, #tpu.memory_space<vmem>>
      %dma_start3A_376 = tpu.memref_squeeze %dma_start3A_375 : memref<1x64x128xf32, #tpu.memory_space<vmem>> -> memref<64x128xf32, #tpu.memory_space<vmem>>
      %dma_start3A_377 = arith.constant 0 : i32
      %dma_start3A_378 = tpu.memref_slice %arg8[%dma_start3A_372, %dma_start3A_377] : memref<5x64xi32, #tpu.memory_space<vmem>> -> memref<1x64xi32, #tpu.memory_space<vmem>>
      %dma_start3A_379 = tpu.memref_squeeze %dma_start3A_378 : memref<1x64xi32, #tpu.memory_space<vmem>> -> memref<64xi32, #tpu.memory_space<vmem>>
      %dma_start3A_380 = arith.constant 0 : i32
      %dma_start3A_381 = arith.constant 0 : i32
      %dma_start3A_382 = tpu.memref_slice %arg6[%dma_start3A_380, %dma_start3A_381] : memref<10112x128xf32, #tpu.memory_space<vmem_shared>> -> memref<10112x128xf32, #tpu.memory_space<vmem_shared>>
      tpu.enqueue_indirect_dma source(%dma_start3A_376 : memref<64x128xf32, #tpu.memory_space<vmem>>) target(%dma_start3A_382 : memref<10112x128xf32, #tpu.memory_space<vmem_shared>>) offsets(%dma_start3A_379 : memref<64xi32, #tpu.memory_space<vmem>>) semaphore(%arg19 : memref<!tpu.dma_semaphore, #tpu.memory_space<semaphore_mem>>) {add = true}
      %add3A_383 = arith.constant 1 : i32
      %add3A_384 = arith.addi %scan3A_200, %add3A_383 : i32
      %lt3A_385 = arith.constant 32 : i32
      %lt3A_386 = arith.cmpi slt, %add3A_384, %lt3A_385 : i32
      %convert_element_type3A_387 = arith.extui %lt3A_386 : i1 to i32
      %cond3A_388 = arith.constant 0 : i32
      %cond3A_389 = arith.cmpi ne, %convert_element_type3A_387, %cond3A_388 : i32
      scf.if %cond3A_389 {
        %add3A_398 = arith.addi %mul3A_2, %add3A_353 : i32
        %add3A_399 = arith.constant 5 : i32
        %add3A_400 = arith.addi %add3A_398, %add3A_399 : i32
        %dma_start3A_401 = arith.constant 4 : i32
        %dma_start3A_402 = arith.constant 0 : i32
        %dma_start3A_403 = tpu.memref_slice %arg7[%dma_start3A_401, %dma_start3A_402] : memref<5x64xi32, #tpu.memory_space<vmem>> -> memref<1x64xi32, #tpu.memory_space<vmem>>
        %dma_start3A_404 = tpu.memref_squeeze %dma_start3A_403 : memref<1x64xi32, #tpu.memory_space<vmem>> -> memref<64xi32, #tpu.memory_space<vmem>>
        %dma_start3A_405 = arith.constant 0 : i32
        %dma_start3A_406 = tpu.memref_slice %arg3[%add3A_400, %dma_start3A_405] : memref<5120x64xi32, #tpu.memory_space<hbm>> -> memref<1x64xi32, #tpu.memory_space<hbm>>
        %dma_start3A_407 = tpu.memref_squeeze %dma_start3A_406 : memref<1x64xi32, #tpu.memory_space<hbm>> -> memref<64xi32, #tpu.memory_space<hbm>>
        %dma_start3A_408 = arith.constant 0 : i32
        %dma_start3A_409 = tpu.memref_slice %arg7[%dma_start3A_401, %dma_start3A_408] : memref<5x64xi32, #tpu.memory_space<vmem>> -> memref<1x64xi32, #tpu.memory_space<vmem>>
        %dma_start3A_410 = tpu.memref_squeeze %dma_start3A_409 : memref<1x64xi32, #tpu.memory_space<vmem>> -> memref<64xi32, #tpu.memory_space<vmem>>
        %dma_start3A_411 = arith.constant 0 : i32
        %dma_start3A_412 = tpu.memref_slice %arg3[%add3A_400, %dma_start3A_411] : memref<5120x64xi32, #tpu.memory_space<hbm>> -> memref<1x64xi32, #tpu.memory_space<hbm>>
        %dma_start3A_413 = tpu.memref_squeeze %dma_start3A_412 : memref<1x64xi32, #tpu.memory_space<hbm>> -> memref<64xi32, #tpu.memory_space<hbm>>
        tpu.enqueue_dma source(%dma_start3A_413 : memref<64xi32, #tpu.memory_space<hbm>>) target(%dma_start3A_410 : memref<64xi32, #tpu.memory_space<vmem>>) target_semaphore(%arg24 : memref<!tpu.dma_semaphore, #tpu.memory_space<semaphore_mem>>)
      } else {
      }
      %add3A_390 = arith.constant 1 : i32
      %add3A_391 = arith.addi %scan3A_200, %add3A_390 : i32
      %lt3A_392 = arith.constant 32 : i32
      %lt3A_393 = arith.cmpi slt, %add3A_391, %lt3A_392 : i32
      %convert_element_type3A_394 = arith.extui %lt3A_393 : i1 to i32
      %cond3A_395 = arith.constant 0 : i32
      %cond3A_396 = arith.cmpi ne, %convert_element_type3A_394, %cond3A_395 : i32
      scf.if %cond3A_396 {
        %add3A_398 = arith.constant 0 : i32
        %add3A_399 = arith.addi %mul3A_203, %add3A_398 : i32
        %dma_wait3A_400 = arith.constant 0 : i32
        %dma_wait3A_401 = arith.constant 0 : i32
        %dma_wait3A_402 = arith.constant 0 : i32
        %dma_wait3A_403 = arith.constant 0 : i32
        %dma_wait3A_404 = tpu.memref_slice %arg9[%dma_wait3A_400, %dma_wait3A_402, %dma_wait3A_403] : memref<5x64x128xf32, #tpu.memory_space<vmem>> -> memref<1x64x128xf32, #tpu.memory_space<vmem>>
        %dma_wait3A_405 = tpu.memref_squeeze %dma_wait3A_404 : memref<1x64x128xf32, #tpu.memory_space<vmem>> -> memref<64x128xf32, #tpu.memory_space<vmem>>
        %dma_wait3A_406 = arith.constant 0 : i32
        %dma_wait3A_407 = tpu.memref_slice %arg8[%dma_wait3A_401, %dma_wait3A_406] : memref<5x64xi32, #tpu.memory_space<vmem>> -> memref<1x64xi32, #tpu.memory_space<vmem>>
        %dma_wait3A_408 = tpu.memref_squeeze %dma_wait3A_407 : memref<1x64xi32, #tpu.memory_space<vmem>> -> memref<64xi32, #tpu.memory_space<vmem>>
        %dma_wait3A_409 = arith.constant 0 : i32
        %dma_wait3A_410 = arith.constant 0 : i32
        %dma_wait3A_411 = tpu.memref_slice %arg6[%dma_wait3A_409, %dma_wait3A_410] : memref<10112x128xf32, #tpu.memory_space<vmem_shared>> -> memref<10112x128xf32, #tpu.memory_space<vmem_shared>>
        tpu.wait_indirect_dma semaphore(%arg15 : memref<!tpu.dma_semaphore, #tpu.memory_space<semaphore_mem>>) src(%dma_wait3A_405 : memref<64x128xf32, #tpu.memory_space<vmem>>) dst(%dma_wait3A_411 : memref<10112x128xf32, #tpu.memory_space<vmem_shared>>)
        %add3A_412 = arith.addi %mul3A_2, %add3A_399 : i32
        %add3A_413 = arith.constant 5 : i32
        %add3A_414 = arith.addi %add3A_412, %add3A_413 : i32
        %dma_start3A_415 = arith.constant 0 : i32
        %dma_start3A_416 = arith.constant 0 : i32
        %dma_start3A_417 = tpu.memref_slice %arg8[%dma_start3A_415, %dma_start3A_416] : memref<5x64xi32, #tpu.memory_space<vmem>> -> memref<1x64xi32, #tpu.memory_space<vmem>>
        %dma_start3A_418 = tpu.memref_squeeze %dma_start3A_417 : memref<1x64xi32, #tpu.memory_space<vmem>> -> memref<64xi32, #tpu.memory_space<vmem>>
        %dma_start3A_419 = arith.constant 0 : i32
        %dma_start3A_420 = tpu.memref_slice %arg4[%add3A_414, %dma_start3A_419] : memref<5120x64xi32, #tpu.memory_space<hbm>> -> memref<1x64xi32, #tpu.memory_space<hbm>>
        %dma_start3A_421 = tpu.memref_squeeze %dma_start3A_420 : memref<1x64xi32, #tpu.memory_space<hbm>> -> memref<64xi32, #tpu.memory_space<hbm>>
        %dma_start3A_422 = arith.constant 0 : i32
        %dma_start3A_423 = tpu.memref_slice %arg8[%dma_start3A_415, %dma_start3A_422] : memref<5x64xi32, #tpu.memory_space<vmem>> -> memref<1x64xi32, #tpu.memory_space<vmem>>
        %dma_start3A_424 = tpu.memref_squeeze %dma_start3A_423 : memref<1x64xi32, #tpu.memory_space<vmem>> -> memref<64xi32, #tpu.memory_space<vmem>>
        %dma_start3A_425 = arith.constant 0 : i32
        %dma_start3A_426 = tpu.memref_slice %arg4[%add3A_414, %dma_start3A_425] : memref<5120x64xi32, #tpu.memory_space<hbm>> -> memref<1x64xi32, #tpu.memory_space<hbm>>
        %dma_start3A_427 = tpu.memref_squeeze %dma_start3A_426 : memref<1x64xi32, #tpu.memory_space<hbm>> -> memref<64xi32, #tpu.memory_space<hbm>>
        tpu.enqueue_dma source(%dma_start3A_427 : memref<64xi32, #tpu.memory_space<hbm>>) target(%dma_start3A_424 : memref<64xi32, #tpu.memory_space<vmem>>) target_semaphore(%arg25 : memref<!tpu.dma_semaphore, #tpu.memory_space<semaphore_mem>>)
        %dma_wait3A_428 = arith.constant 0 : i32
        %dma_wait3A_429 = arith.constant 0 : i32
        %dma_wait3A_430 = arith.constant 0 : i32
        %dma_wait3A_431 = tpu.memref_slice %arg7[%dma_wait3A_429, %dma_wait3A_430] : memref<5x64xi32, #tpu.memory_space<vmem>> -> memref<1x64xi32, #tpu.memory_space<vmem>>
        %dma_wait3A_432 = tpu.memref_squeeze %dma_wait3A_431 : memref<1x64xi32, #tpu.memory_space<vmem>> -> memref<64xi32, #tpu.memory_space<vmem>>
        %dma_wait3A_433 = arith.constant 0 : i32
        %dma_wait3A_434 = tpu.memref_slice %arg3[%dma_wait3A_428, %dma_wait3A_433] : memref<5120x64xi32, #tpu.memory_space<hbm>> -> memref<1x64xi32, #tpu.memory_space<hbm>>
        %dma_wait3A_435 = tpu.memref_squeeze %dma_wait3A_434 : memref<1x64xi32, #tpu.memory_space<hbm>> -> memref<64xi32, #tpu.memory_space<hbm>>
        %dma_wait3A_436 = arith.constant 0 : i32
        %dma_wait3A_437 = tpu.memref_slice %arg7[%dma_wait3A_429, %dma_wait3A_436] : memref<5x64xi32, #tpu.memory_space<vmem>> -> memref<1x64xi32, #tpu.memory_space<vmem>>
        %dma_wait3A_438 = tpu.memref_squeeze %dma_wait3A_437 : memref<1x64xi32, #tpu.memory_space<vmem>> -> memref<64xi32, #tpu.memory_space<vmem>>
        %dma_wait3A_439 = arith.constant 0 : i32
        %dma_wait3A_440 = tpu.memref_slice %arg3[%dma_wait3A_428, %dma_wait3A_439] : memref<5120x64xi32, #tpu.memory_space<hbm>> -> memref<1x64xi32, #tpu.memory_space<hbm>>
        %dma_wait3A_441 = tpu.memref_squeeze %dma_wait3A_440 : memref<1x64xi32, #tpu.memory_space<hbm>> -> memref<64xi32, #tpu.memory_space<hbm>>
        tpu.wait_dma2 semaphore(%arg20 : memref<!tpu.dma_semaphore, #tpu.memory_space<semaphore_mem>>) src(%dma_wait3A_441 : memref<64xi32, #tpu.memory_space<hbm>>) dst(%dma_wait3A_438 : memref<64xi32, #tpu.memory_space<vmem>>)
        %dma_start3A_442 = arith.constant 0 : i32
        %dma_start3A_443 = arith.constant 0 : i32
        %dma_start3A_444 = arith.constant 0 : i32
        %dma_start3A_445 = arith.constant 0 : i32
        %dma_start3A_446 = tpu.memref_slice %arg9[%dma_start3A_443, %dma_start3A_444, %dma_start3A_445] : memref<5x64x128xf32, #tpu.memory_space<vmem>> -> memref<1x64x128xf32, #tpu.memory_space<vmem>>
        %dma_start3A_447 = tpu.memref_squeeze %dma_start3A_446 : memref<1x64x128xf32, #tpu.memory_space<vmem>> -> memref<64x128xf32, #tpu.memory_space<vmem>>
        %dma_start3A_448 = arith.constant 0 : i32
        %dma_start3A_449 = tpu.memref_slice %arg7[%dma_start3A_442, %dma_start3A_448] : memref<5x64xi32, #tpu.memory_space<vmem>> -> memref<1x64xi32, #tpu.memory_space<vmem>>
        %dma_start3A_450 = tpu.memref_squeeze %dma_start3A_449 : memref<1x64xi32, #tpu.memory_space<vmem>> -> memref<64xi32, #tpu.memory_space<vmem>>
        %dma_start3A_451 = arith.constant 0 : i32
        %dma_start3A_452 = arith.constant 0 : i32
        %dma_start3A_453 = tpu.memref_slice %arg2[%dma_start3A_451, %dma_start3A_452] : memref<10112x128xf32, #tpu.memory_space<hbm>> -> memref<10112x128xf32, #tpu.memory_space<hbm>>
        tpu.enqueue_indirect_dma source(%dma_start3A_453 : memref<10112x128xf32, #tpu.memory_space<hbm>>) target(%dma_start3A_447 : memref<64x128xf32, #tpu.memory_space<vmem>>) offsets(%dma_start3A_450 : memref<64xi32, #tpu.memory_space<vmem>>) semaphore(%arg10 : memref<!tpu.dma_semaphore, #tpu.memory_space<semaphore_mem>>)
        %add3A_454 = arith.constant 1 : i32
        %add3A_455 = arith.addi %mul3A_203, %add3A_454 : i32
        %dma_wait3A_456 = arith.constant 1 : i32
        %dma_wait3A_457 = arith.constant 1 : i32
        %dma_wait3A_458 = arith.constant 0 : i32
        %dma_wait3A_459 = arith.constant 0 : i32
        %dma_wait3A_460 = tpu.memref_slice %arg9[%dma_wait3A_456, %dma_wait3A_458, %dma_wait3A_459] : memref<5x64x128xf32, #tpu.memory_space<vmem>> -> memref<1x64x128xf32, #tpu.memory_space<vmem>>
        %dma_wait3A_461 = tpu.memref_squeeze %dma_wait3A_460 : memref<1x64x128xf32, #tpu.memory_space<vmem>> -> memref<64x128xf32, #tpu.memory_space<vmem>>
        %dma_wait3A_462 = arith.constant 0 : i32
        %dma_wait3A_463 = tpu.memref_slice %arg8[%dma_wait3A_457, %dma_wait3A_462] : memref<5x64xi32, #tpu.memory_space<vmem>> -> memref<1x64xi32, #tpu.memory_space<vmem>>
        %dma_wait3A_464 = tpu.memref_squeeze %dma_wait3A_463 : memref<1x64xi32, #tpu.memory_space<vmem>> -> memref<64xi32, #tpu.memory_space<vmem>>
        %dma_wait3A_465 = arith.constant 0 : i32
        %dma_wait3A_466 = arith.constant 0 : i32
        %dma_wait3A_467 = tpu.memref_slice %arg6[%dma_wait3A_465, %dma_wait3A_466] : memref<10112x128xf32, #tpu.memory_space<vmem_shared>> -> memref<10112x128xf32, #tpu.memory_space<vmem_shared>>
        tpu.wait_indirect_dma semaphore(%arg16 : memref<!tpu.dma_semaphore, #tpu.memory_space<semaphore_mem>>) src(%dma_wait3A_461 : memref<64x128xf32, #tpu.memory_space<vmem>>) dst(%dma_wait3A_467 : memref<10112x128xf32, #tpu.memory_space<vmem_shared>>)
        %add3A_468 = arith.addi %mul3A_2, %add3A_455 : i32
        %add3A_469 = arith.constant 5 : i32
        %add3A_470 = arith.addi %add3A_468, %add3A_469 : i32
        %dma_start3A_471 = arith.constant 1 : i32
        %dma_start3A_472 = arith.constant 0 : i32
        %dma_start3A_473 = tpu.memref_slice %arg8[%dma_start3A_471, %dma_start3A_472] : memref<5x64xi32, #tpu.memory_space<vmem>> -> memref<1x64xi32, #tpu.memory_space<vmem>>
        %dma_start3A_474 = tpu.memref_squeeze %dma_start3A_473 : memref<1x64xi32, #tpu.memory_space<vmem>> -> memref<64xi32, #tpu.memory_space<vmem>>
        %dma_start3A_475 = arith.constant 0 : i32
        %dma_start3A_476 = tpu.memref_slice %arg4[%add3A_470, %dma_start3A_475] : memref<5120x64xi32, #tpu.memory_space<hbm>> -> memref<1x64xi32, #tpu.memory_space<hbm>>
        %dma_start3A_477 = tpu.memref_squeeze %dma_start3A_476 : memref<1x64xi32, #tpu.memory_space<hbm>> -> memref<64xi32, #tpu.memory_space<hbm>>
        %dma_start3A_478 = arith.constant 0 : i32
        %dma_start3A_479 = tpu.memref_slice %arg8[%dma_start3A_471, %dma_start3A_478] : memref<5x64xi32, #tpu.memory_space<vmem>> -> memref<1x64xi32, #tpu.memory_space<vmem>>
        %dma_start3A_480 = tpu.memref_squeeze %dma_start3A_479 : memref<1x64xi32, #tpu.memory_space<vmem>> -> memref<64xi32, #tpu.memory_space<vmem>>
        %dma_start3A_481 = arith.constant 0 : i32
        %dma_start3A_482 = tpu.memref_slice %arg4[%add3A_470, %dma_start3A_481] : memref<5120x64xi32, #tpu.memory_space<hbm>> -> memref<1x64xi32, #tpu.memory_space<hbm>>
        %dma_start3A_483 = tpu.memref_squeeze %dma_start3A_482 : memref<1x64xi32, #tpu.memory_space<hbm>> -> memref<64xi32, #tpu.memory_space<hbm>>
        tpu.enqueue_dma source(%dma_start3A_483 : memref<64xi32, #tpu.memory_space<hbm>>) target(%dma_start3A_480 : memref<64xi32, #tpu.memory_space<vmem>>) target_semaphore(%arg26 : memref<!tpu.dma_semaphore, #tpu.memory_space<semaphore_mem>>)
        %dma_wait3A_484 = arith.constant 0 : i32
        %dma_wait3A_485 = arith.constant 1 : i32
        %dma_wait3A_486 = arith.constant 0 : i32
        %dma_wait3A_487 = tpu.memref_slice %arg7[%dma_wait3A_485, %dma_wait3A_486] : memref<5x64xi32, #tpu.memory_space<vmem>> -> memref<1x64xi32, #tpu.memory_space<vmem>>
        %dma_wait3A_488 = tpu.memref_squeeze %dma_wait3A_487 : memref<1x64xi32, #tpu.memory_space<vmem>> -> memref<64xi32, #tpu.memory_space<vmem>>
        %dma_wait3A_489 = arith.constant 0 : i32
        %dma_wait3A_490 = tpu.memref_slice %arg3[%dma_wait3A_484, %dma_wait3A_489] : memref<5120x64xi32, #tpu.memory_space<hbm>> -> memref<1x64xi32, #tpu.memory_space<hbm>>
        %dma_wait3A_491 = tpu.memref_squeeze %dma_wait3A_490 : memref<1x64xi32, #tpu.memory_space<hbm>> -> memref<64xi32, #tpu.memory_space<hbm>>
        %dma_wait3A_492 = arith.constant 0 : i32
        %dma_wait3A_493 = tpu.memref_slice %arg7[%dma_wait3A_485, %dma_wait3A_492] : memref<5x64xi32, #tpu.memory_space<vmem>> -> memref<1x64xi32, #tpu.memory_space<vmem>>
        %dma_wait3A_494 = tpu.memref_squeeze %dma_wait3A_493 : memref<1x64xi32, #tpu.memory_space<vmem>> -> memref<64xi32, #tpu.memory_space<vmem>>
        %dma_wait3A_495 = arith.constant 0 : i32
        %dma_wait3A_496 = tpu.memref_slice %arg3[%dma_wait3A_484, %dma_wait3A_495] : memref<5120x64xi32, #tpu.memory_space<hbm>> -> memref<1x64xi32, #tpu.memory_space<hbm>>
        %dma_wait3A_497 = tpu.memref_squeeze %dma_wait3A_496 : memref<1x64xi32, #tpu.memory_space<hbm>> -> memref<64xi32, #tpu.memory_space<hbm>>
        tpu.wait_dma2 semaphore(%arg21 : memref<!tpu.dma_semaphore, #tpu.memory_space<semaphore_mem>>) src(%dma_wait3A_497 : memref<64xi32, #tpu.memory_space<hbm>>) dst(%dma_wait3A_494 : memref<64xi32, #tpu.memory_space<vmem>>)
        %dma_start3A_498 = arith.constant 1 : i32
        %dma_start3A_499 = arith.constant 1 : i32
        %dma_start3A_500 = arith.constant 0 : i32
        %dma_start3A_501 = arith.constant 0 : i32
        %dma_start3A_502 = tpu.memref_slice %arg9[%dma_start3A_499, %dma_start3A_500, %dma_start3A_501] : memref<5x64x128xf32, #tpu.memory_space<vmem>> -> memref<1x64x128xf32, #tpu.memory_space<vmem>>
        %dma_start3A_503 = tpu.memref_squeeze %dma_start3A_502 : memref<1x64x128xf32, #tpu.memory_space<vmem>> -> memref<64x128xf32, #tpu.memory_space<vmem>>
        %dma_start3A_504 = arith.constant 0 : i32
        %dma_start3A_505 = tpu.memref_slice %arg7[%dma_start3A_498, %dma_start3A_504] : memref<5x64xi32, #tpu.memory_space<vmem>> -> memref<1x64xi32, #tpu.memory_space<vmem>>
        %dma_start3A_506 = tpu.memref_squeeze %dma_start3A_505 : memref<1x64xi32, #tpu.memory_space<vmem>> -> memref<64xi32, #tpu.memory_space<vmem>>
        %dma_start3A_507 = arith.constant 0 : i32
        %dma_start3A_508 = arith.constant 0 : i32
        %dma_start3A_509 = tpu.memref_slice %arg2[%dma_start3A_507, %dma_start3A_508] : memref<10112x128xf32, #tpu.memory_space<hbm>> -> memref<10112x128xf32, #tpu.memory_space<hbm>>
        tpu.enqueue_indirect_dma source(%dma_start3A_509 : memref<10112x128xf32, #tpu.memory_space<hbm>>) target(%dma_start3A_503 : memref<64x128xf32, #tpu.memory_space<vmem>>) offsets(%dma_start3A_506 : memref<64xi32, #tpu.memory_space<vmem>>) semaphore(%arg11 : memref<!tpu.dma_semaphore, #tpu.memory_space<semaphore_mem>>)
        %add3A_510 = arith.constant 2 : i32
        %add3A_511 = arith.addi %mul3A_203, %add3A_510 : i32
        %dma_wait3A_512 = arith.constant 2 : i32
        %dma_wait3A_513 = arith.constant 2 : i32
        %dma_wait3A_514 = arith.constant 0 : i32
        %dma_wait3A_515 = arith.constant 0 : i32
        %dma_wait3A_516 = tpu.memref_slice %arg9[%dma_wait3A_512, %dma_wait3A_514, %dma_wait3A_515] : memref<5x64x128xf32, #tpu.memory_space<vmem>> -> memref<1x64x128xf32, #tpu.memory_space<vmem>>
        %dma_wait3A_517 = tpu.memref_squeeze %dma_wait3A_516 : memref<1x64x128xf32, #tpu.memory_space<vmem>> -> memref<64x128xf32, #tpu.memory_space<vmem>>
        %dma_wait3A_518 = arith.constant 0 : i32
        %dma_wait3A_519 = tpu.memref_slice %arg8[%dma_wait3A_513, %dma_wait3A_518] : memref<5x64xi32, #tpu.memory_space<vmem>> -> memref<1x64xi32, #tpu.memory_space<vmem>>
        %dma_wait3A_520 = tpu.memref_squeeze %dma_wait3A_519 : memref<1x64xi32, #tpu.memory_space<vmem>> -> memref<64xi32, #tpu.memory_space<vmem>>
        %dma_wait3A_521 = arith.constant 0 : i32
        %dma_wait3A_522 = arith.constant 0 : i32
        %dma_wait3A_523 = tpu.memref_slice %arg6[%dma_wait3A_521, %dma_wait3A_522] : memref<10112x128xf32, #tpu.memory_space<vmem_shared>> -> memref<10112x128xf32, #tpu.memory_space<vmem_shared>>
        tpu.wait_indirect_dma semaphore(%arg17 : memref<!tpu.dma_semaphore, #tpu.memory_space<semaphore_mem>>) src(%dma_wait3A_517 : memref<64x128xf32, #tpu.memory_space<vmem>>) dst(%dma_wait3A_523 : memref<10112x128xf32, #tpu.memory_space<vmem_shared>>)
        %add3A_524 = arith.addi %mul3A_2, %add3A_511 : i32
        %add3A_525 = arith.constant 5 : i32
        %add3A_526 = arith.addi %add3A_524, %add3A_525 : i32
        %dma_start3A_527 = arith.constant 2 : i32
        %dma_start3A_528 = arith.constant 0 : i32
        %dma_start3A_529 = tpu.memref_slice %arg8[%dma_start3A_527, %dma_start3A_528] : memref<5x64xi32, #tpu.memory_space<vmem>> -> memref<1x64xi32, #tpu.memory_space<vmem>>
        %dma_start3A_530 = tpu.memref_squeeze %dma_start3A_529 : memref<1x64xi32, #tpu.memory_space<vmem>> -> memref<64xi32, #tpu.memory_space<vmem>>
        %dma_start3A_531 = arith.constant 0 : i32
        %dma_start3A_532 = tpu.memref_slice %arg4[%add3A_526, %dma_start3A_531] : memref<5120x64xi32, #tpu.memory_space<hbm>> -> memref<1x64xi32, #tpu.memory_space<hbm>>
        %dma_start3A_533 = tpu.memref_squeeze %dma_start3A_532 : memref<1x64xi32, #tpu.memory_space<hbm>> -> memref<64xi32, #tpu.memory_space<hbm>>
        %dma_start3A_534 = arith.constant 0 : i32
        %dma_start3A_535 = tpu.memref_slice %arg8[%dma_start3A_527, %dma_start3A_534] : memref<5x64xi32, #tpu.memory_space<vmem>> -> memref<1x64xi32, #tpu.memory_space<vmem>>
        %dma_start3A_536 = tpu.memref_squeeze %dma_start3A_535 : memref<1x64xi32, #tpu.memory_space<vmem>> -> memref<64xi32, #tpu.memory_space<vmem>>
        %dma_start3A_537 = arith.constant 0 : i32
        %dma_start3A_538 = tpu.memref_slice %arg4[%add3A_526, %dma_start3A_537] : memref<5120x64xi32, #tpu.memory_space<hbm>> -> memref<1x64xi32, #tpu.memory_space<hbm>>
        %dma_start3A_539 = tpu.memref_squeeze %dma_start3A_538 : memref<1x64xi32, #tpu.memory_space<hbm>> -> memref<64xi32, #tpu.memory_space<hbm>>
        tpu.enqueue_dma source(%dma_start3A_539 : memref<64xi32, #tpu.memory_space<hbm>>) target(%dma_start3A_536 : memref<64xi32, #tpu.memory_space<vmem>>) target_semaphore(%arg27 : memref<!tpu.dma_semaphore, #tpu.memory_space<semaphore_mem>>)
        %dma_wait3A_540 = arith.constant 0 : i32
        %dma_wait3A_541 = arith.constant 2 : i32
        %dma_wait3A_542 = arith.constant 0 : i32
        %dma_wait3A_543 = tpu.memref_slice %arg7[%dma_wait3A_541, %dma_wait3A_542] : memref<5x64xi32, #tpu.memory_space<vmem>> -> memref<1x64xi32, #tpu.memory_space<vmem>>
        %dma_wait3A_544 = tpu.memref_squeeze %dma_wait3A_543 : memref<1x64xi32, #tpu.memory_space<vmem>> -> memref<64xi32, #tpu.memory_space<vmem>>
        %dma_wait3A_545 = arith.constant 0 : i32
        %dma_wait3A_546 = tpu.memref_slice %arg3[%dma_wait3A_540, %dma_wait3A_545] : memref<5120x64xi32, #tpu.memory_space<hbm>> -> memref<1x64xi32, #tpu.memory_space<hbm>>
        %dma_wait3A_547 = tpu.memref_squeeze %dma_wait3A_546 : memref<1x64xi32, #tpu.memory_space<hbm>> -> memref<64xi32, #tpu.memory_space<hbm>>
        %dma_wait3A_548 = arith.constant 0 : i32
        %dma_wait3A_549 = tpu.memref_slice %arg7[%dma_wait3A_541, %dma_wait3A_548] : memref<5x64xi32, #tpu.memory_space<vmem>> -> memref<1x64xi32, #tpu.memory_space<vmem>>
        %dma_wait3A_550 = tpu.memref_squeeze %dma_wait3A_549 : memref<1x64xi32, #tpu.memory_space<vmem>> -> memref<64xi32, #tpu.memory_space<vmem>>
        %dma_wait3A_551 = arith.constant 0 : i32
        %dma_wait3A_552 = tpu.memref_slice %arg3[%dma_wait3A_540, %dma_wait3A_551] : memref<5120x64xi32, #tpu.memory_space<hbm>> -> memref<1x64xi32, #tpu.memory_space<hbm>>
        %dma_wait3A_553 = tpu.memref_squeeze %dma_wait3A_552 : memref<1x64xi32, #tpu.memory_space<hbm>> -> memref<64xi32, #tpu.memory_space<hbm>>
        tpu.wait_dma2 semaphore(%arg22 : memref<!tpu.dma_semaphore, #tpu.memory_space<semaphore_mem>>) src(%dma_wait3A_553 : memref<64xi32, #tpu.memory_space<hbm>>) dst(%dma_wait3A_550 : memref<64xi32, #tpu.memory_space<vmem>>)
        %dma_start3A_554 = arith.constant 2 : i32
        %dma_start3A_555 = arith.constant 2 : i32
        %dma_start3A_556 = arith.constant 0 : i32
        %dma_start3A_557 = arith.constant 0 : i32
        %dma_start3A_558 = tpu.memref_slice %arg9[%dma_start3A_555, %dma_start3A_556, %dma_start3A_557] : memref<5x64x128xf32, #tpu.memory_space<vmem>> -> memref<1x64x128xf32, #tpu.memory_space<vmem>>
        %dma_start3A_559 = tpu.memref_squeeze %dma_start3A_558 : memref<1x64x128xf32, #tpu.memory_space<vmem>> -> memref<64x128xf32, #tpu.memory_space<vmem>>
        %dma_start3A_560 = arith.constant 0 : i32
        %dma_start3A_561 = tpu.memref_slice %arg7[%dma_start3A_554, %dma_start3A_560] : memref<5x64xi32, #tpu.memory_space<vmem>> -> memref<1x64xi32, #tpu.memory_space<vmem>>
        %dma_start3A_562 = tpu.memref_squeeze %dma_start3A_561 : memref<1x64xi32, #tpu.memory_space<vmem>> -> memref<64xi32, #tpu.memory_space<vmem>>
        %dma_start3A_563 = arith.constant 0 : i32
        %dma_start3A_564 = arith.constant 0 : i32
        %dma_start3A_565 = tpu.memref_slice %arg2[%dma_start3A_563, %dma_start3A_564] : memref<10112x128xf32, #tpu.memory_space<hbm>> -> memref<10112x128xf32, #tpu.memory_space<hbm>>
        tpu.enqueue_indirect_dma source(%dma_start3A_565 : memref<10112x128xf32, #tpu.memory_space<hbm>>) target(%dma_start3A_559 : memref<64x128xf32, #tpu.memory_space<vmem>>) offsets(%dma_start3A_562 : memref<64xi32, #tpu.memory_space<vmem>>) semaphore(%arg12 : memref<!tpu.dma_semaphore, #tpu.memory_space<semaphore_mem>>)
        %add3A_566 = arith.constant 3 : i32
        %add3A_567 = arith.addi %mul3A_203, %add3A_566 : i32
        %dma_wait3A_568 = arith.constant 3 : i32
        %dma_wait3A_569 = arith.constant 3 : i32
        %dma_wait3A_570 = arith.constant 0 : i32
        %dma_wait3A_571 = arith.constant 0 : i32
        %dma_wait3A_572 = tpu.memref_slice %arg9[%dma_wait3A_568, %dma_wait3A_570, %dma_wait3A_571] : memref<5x64x128xf32, #tpu.memory_space<vmem>> -> memref<1x64x128xf32, #tpu.memory_space<vmem>>
        %dma_wait3A_573 = tpu.memref_squeeze %dma_wait3A_572 : memref<1x64x128xf32, #tpu.memory_space<vmem>> -> memref<64x128xf32, #tpu.memory_space<vmem>>
        %dma_wait3A_574 = arith.constant 0 : i32
        %dma_wait3A_575 = tpu.memref_slice %arg8[%dma_wait3A_569, %dma_wait3A_574] : memref<5x64xi32, #tpu.memory_space<vmem>> -> memref<1x64xi32, #tpu.memory_space<vmem>>
        %dma_wait3A_576 = tpu.memref_squeeze %dma_wait3A_575 : memref<1x64xi32, #tpu.memory_space<vmem>> -> memref<64xi32, #tpu.memory_space<vmem>>
        %dma_wait3A_577 = arith.constant 0 : i32
        %dma_wait3A_578 = arith.constant 0 : i32
        %dma_wait3A_579 = tpu.memref_slice %arg6[%dma_wait3A_577, %dma_wait3A_578] : memref<10112x128xf32, #tpu.memory_space<vmem_shared>> -> memref<10112x128xf32, #tpu.memory_space<vmem_shared>>
        tpu.wait_indirect_dma semaphore(%arg18 : memref<!tpu.dma_semaphore, #tpu.memory_space<semaphore_mem>>) src(%dma_wait3A_573 : memref<64x128xf32, #tpu.memory_space<vmem>>) dst(%dma_wait3A_579 : memref<10112x128xf32, #tpu.memory_space<vmem_shared>>)
        %add3A_580 = arith.addi %mul3A_2, %add3A_567 : i32
        %add3A_581 = arith.constant 5 : i32
        %add3A_582 = arith.addi %add3A_580, %add3A_581 : i32
        %dma_start3A_583 = arith.constant 3 : i32
        %dma_start3A_584 = arith.constant 0 : i32
        %dma_start3A_585 = tpu.memref_slice %arg8[%dma_start3A_583, %dma_start3A_584] : memref<5x64xi32, #tpu.memory_space<vmem>> -> memref<1x64xi32, #tpu.memory_space<vmem>>
        %dma_start3A_586 = tpu.memref_squeeze %dma_start3A_585 : memref<1x64xi32, #tpu.memory_space<vmem>> -> memref<64xi32, #tpu.memory_space<vmem>>
        %dma_start3A_587 = arith.constant 0 : i32
        %dma_start3A_588 = tpu.memref_slice %arg4[%add3A_582, %dma_start3A_587] : memref<5120x64xi32, #tpu.memory_space<hbm>> -> memref<1x64xi32, #tpu.memory_space<hbm>>
        %dma_start3A_589 = tpu.memref_squeeze %dma_start3A_588 : memref<1x64xi32, #tpu.memory_space<hbm>> -> memref<64xi32, #tpu.memory_space<hbm>>
        %dma_start3A_590 = arith.constant 0 : i32
        %dma_start3A_591 = tpu.memref_slice %arg8[%dma_start3A_583, %dma_start3A_590] : memref<5x64xi32, #tpu.memory_space<vmem>> -> memref<1x64xi32, #tpu.memory_space<vmem>>
        %dma_start3A_592 = tpu.memref_squeeze %dma_start3A_591 : memref<1x64xi32, #tpu.memory_space<vmem>> -> memref<64xi32, #tpu.memory_space<vmem>>
        %dma_start3A_593 = arith.constant 0 : i32
        %dma_start3A_594 = tpu.memref_slice %arg4[%add3A_582, %dma_start3A_593] : memref<5120x64xi32, #tpu.memory_space<hbm>> -> memref<1x64xi32, #tpu.memory_space<hbm>>
        %dma_start3A_595 = tpu.memref_squeeze %dma_start3A_594 : memref<1x64xi32, #tpu.memory_space<hbm>> -> memref<64xi32, #tpu.memory_space<hbm>>
        tpu.enqueue_dma source(%dma_start3A_595 : memref<64xi32, #tpu.memory_space<hbm>>) target(%dma_start3A_592 : memref<64xi32, #tpu.memory_space<vmem>>) target_semaphore(%arg28 : memref<!tpu.dma_semaphore, #tpu.memory_space<semaphore_mem>>)
        %dma_wait3A_596 = arith.constant 0 : i32
        %dma_wait3A_597 = arith.constant 3 : i32
        %dma_wait3A_598 = arith.constant 0 : i32
        %dma_wait3A_599 = tpu.memref_slice %arg7[%dma_wait3A_597, %dma_wait3A_598] : memref<5x64xi32, #tpu.memory_space<vmem>> -> memref<1x64xi32, #tpu.memory_space<vmem>>
        %dma_wait3A_600 = tpu.memref_squeeze %dma_wait3A_599 : memref<1x64xi32, #tpu.memory_space<vmem>> -> memref<64xi32, #tpu.memory_space<vmem>>
        %dma_wait3A_601 = arith.constant 0 : i32
        %dma_wait3A_602 = tpu.memref_slice %arg3[%dma_wait3A_596, %dma_wait3A_601] : memref<5120x64xi32, #tpu.memory_space<hbm>> -> memref<1x64xi32, #tpu.memory_space<hbm>>
        %dma_wait3A_603 = tpu.memref_squeeze %dma_wait3A_602 : memref<1x64xi32, #tpu.memory_space<hbm>> -> memref<64xi32, #tpu.memory_space<hbm>>
        %dma_wait3A_604 = arith.constant 0 : i32
        %dma_wait3A_605 = tpu.memref_slice %arg7[%dma_wait3A_597, %dma_wait3A_604] : memref<5x64xi32, #tpu.memory_space<vmem>> -> memref<1x64xi32, #tpu.memory_space<vmem>>
        %dma_wait3A_606 = tpu.memref_squeeze %dma_wait3A_605 : memref<1x64xi32, #tpu.memory_space<vmem>> -> memref<64xi32, #tpu.memory_space<vmem>>
        %dma_wait3A_607 = arith.constant 0 : i32
        %dma_wait3A_608 = tpu.memref_slice %arg3[%dma_wait3A_596, %dma_wait3A_607] : memref<5120x64xi32, #tpu.memory_space<hbm>> -> memref<1x64xi32, #tpu.memory_space<hbm>>
        %dma_wait3A_609 = tpu.memref_squeeze %dma_wait3A_608 : memref<1x64xi32, #tpu.memory_space<hbm>> -> memref<64xi32, #tpu.memory_space<hbm>>
        tpu.wait_dma2 semaphore(%arg23 : memref<!tpu.dma_semaphore, #tpu.memory_space<semaphore_mem>>) src(%dma_wait3A_609 : memref<64xi32, #tpu.memory_space<hbm>>) dst(%dma_wait3A_606 : memref<64xi32, #tpu.memory_space<vmem>>)
        %dma_start3A_610 = arith.constant 3 : i32
        %dma_start3A_611 = arith.constant 3 : i32
        %dma_start3A_612 = arith.constant 0 : i32
        %dma_start3A_613 = arith.constant 0 : i32
        %dma_start3A_614 = tpu.memref_slice %arg9[%dma_start3A_611, %dma_start3A_612, %dma_start3A_613] : memref<5x64x128xf32, #tpu.memory_space<vmem>> -> memref<1x64x128xf32, #tpu.memory_space<vmem>>
        %dma_start3A_615 = tpu.memref_squeeze %dma_start3A_614 : memref<1x64x128xf32, #tpu.memory_space<vmem>> -> memref<64x128xf32, #tpu.memory_space<vmem>>
        %dma_start3A_616 = arith.constant 0 : i32
        %dma_start3A_617 = tpu.memref_slice %arg7[%dma_start3A_610, %dma_start3A_616] : memref<5x64xi32, #tpu.memory_space<vmem>> -> memref<1x64xi32, #tpu.memory_space<vmem>>
        %dma_start3A_618 = tpu.memref_squeeze %dma_start3A_617 : memref<1x64xi32, #tpu.memory_space<vmem>> -> memref<64xi32, #tpu.memory_space<vmem>>
        %dma_start3A_619 = arith.constant 0 : i32
        %dma_start3A_620 = arith.constant 0 : i32
        %dma_start3A_621 = tpu.memref_slice %arg2[%dma_start3A_619, %dma_start3A_620] : memref<10112x128xf32, #tpu.memory_space<hbm>> -> memref<10112x128xf32, #tpu.memory_space<hbm>>
        tpu.enqueue_indirect_dma source(%dma_start3A_621 : memref<10112x128xf32, #tpu.memory_space<hbm>>) target(%dma_start3A_615 : memref<64x128xf32, #tpu.memory_space<vmem>>) offsets(%dma_start3A_618 : memref<64xi32, #tpu.memory_space<vmem>>) semaphore(%arg13 : memref<!tpu.dma_semaphore, #tpu.memory_space<semaphore_mem>>)
        %add3A_622 = arith.constant 4 : i32
        %add3A_623 = arith.addi %mul3A_203, %add3A_622 : i32
        %dma_wait3A_624 = arith.constant 4 : i32
        %dma_wait3A_625 = arith.constant 4 : i32
        %dma_wait3A_626 = arith.constant 0 : i32
        %dma_wait3A_627 = arith.constant 0 : i32
        %dma_wait3A_628 = tpu.memref_slice %arg9[%dma_wait3A_624, %dma_wait3A_626, %dma_wait3A_627] : memref<5x64x128xf32, #tpu.memory_space<vmem>> -> memref<1x64x128xf32, #tpu.memory_space<vmem>>
        %dma_wait3A_629 = tpu.memref_squeeze %dma_wait3A_628 : memref<1x64x128xf32, #tpu.memory_space<vmem>> -> memref<64x128xf32, #tpu.memory_space<vmem>>
        %dma_wait3A_630 = arith.constant 0 : i32
        %dma_wait3A_631 = tpu.memref_slice %arg8[%dma_wait3A_625, %dma_wait3A_630] : memref<5x64xi32, #tpu.memory_space<vmem>> -> memref<1x64xi32, #tpu.memory_space<vmem>>
        %dma_wait3A_632 = tpu.memref_squeeze %dma_wait3A_631 : memref<1x64xi32, #tpu.memory_space<vmem>> -> memref<64xi32, #tpu.memory_space<vmem>>
        %dma_wait3A_633 = arith.constant 0 : i32
        %dma_wait3A_634 = arith.constant 0 : i32
        %dma_wait3A_635 = tpu.memref_slice %arg6[%dma_wait3A_633, %dma_wait3A_634] : memref<10112x128xf32, #tpu.memory_space<vmem_shared>> -> memref<10112x128xf32, #tpu.memory_space<vmem_shared>>
        tpu.wait_indirect_dma semaphore(%arg19 : memref<!tpu.dma_semaphore, #tpu.memory_space<semaphore_mem>>) src(%dma_wait3A_629 : memref<64x128xf32, #tpu.memory_space<vmem>>) dst(%dma_wait3A_635 : memref<10112x128xf32, #tpu.memory_space<vmem_shared>>)
        %add3A_636 = arith.addi %mul3A_2, %add3A_623 : i32
        %add3A_637 = arith.constant 5 : i32
        %add3A_638 = arith.addi %add3A_636, %add3A_637 : i32
        %dma_start3A_639 = arith.constant 4 : i32
        %dma_start3A_640 = arith.constant 0 : i32
        %dma_start3A_641 = tpu.memref_slice %arg8[%dma_start3A_639, %dma_start3A_640] : memref<5x64xi32, #tpu.memory_space<vmem>> -> memref<1x64xi32, #tpu.memory_space<vmem>>
        %dma_start3A_642 = tpu.memref_squeeze %dma_start3A_641 : memref<1x64xi32, #tpu.memory_space<vmem>> -> memref<64xi32, #tpu.memory_space<vmem>>
        %dma_start3A_643 = arith.constant 0 : i32
        %dma_start3A_644 = tpu.memref_slice %arg4[%add3A_638, %dma_start3A_643] : memref<5120x64xi32, #tpu.memory_space<hbm>> -> memref<1x64xi32, #tpu.memory_space<hbm>>
        %dma_start3A_645 = tpu.memref_squeeze %dma_start3A_644 : memref<1x64xi32, #tpu.memory_space<hbm>> -> memref<64xi32, #tpu.memory_space<hbm>>
        %dma_start3A_646 = arith.constant 0 : i32
        %dma_start3A_647 = tpu.memref_slice %arg8[%dma_start3A_639, %dma_start3A_646] : memref<5x64xi32, #tpu.memory_space<vmem>> -> memref<1x64xi32, #tpu.memory_space<vmem>>
        %dma_start3A_648 = tpu.memref_squeeze %dma_start3A_647 : memref<1x64xi32, #tpu.memory_space<vmem>> -> memref<64xi32, #tpu.memory_space<vmem>>
        %dma_start3A_649 = arith.constant 0 : i32
        %dma_start3A_650 = tpu.memref_slice %arg4[%add3A_638, %dma_start3A_649] : memref<5120x64xi32, #tpu.memory_space<hbm>> -> memref<1x64xi32, #tpu.memory_space<hbm>>
        %dma_start3A_651 = tpu.memref_squeeze %dma_start3A_650 : memref<1x64xi32, #tpu.memory_space<hbm>> -> memref<64xi32, #tpu.memory_space<hbm>>
        tpu.enqueue_dma source(%dma_start3A_651 : memref<64xi32, #tpu.memory_space<hbm>>) target(%dma_start3A_648 : memref<64xi32, #tpu.memory_space<vmem>>) target_semaphore(%arg29 : memref<!tpu.dma_semaphore, #tpu.memory_space<semaphore_mem>>)
        %dma_wait3A_652 = arith.constant 0 : i32
        %dma_wait3A_653 = arith.constant 4 : i32
        %dma_wait3A_654 = arith.constant 0 : i32
        %dma_wait3A_655 = tpu.memref_slice %arg7[%dma_wait3A_653, %dma_wait3A_654] : memref<5x64xi32, #tpu.memory_space<vmem>> -> memref<1x64xi32, #tpu.memory_space<vmem>>
        %dma_wait3A_656 = tpu.memref_squeeze %dma_wait3A_655 : memref<1x64xi32, #tpu.memory_space<vmem>> -> memref<64xi32, #tpu.memory_space<vmem>>
        %dma_wait3A_657 = arith.constant 0 : i32
        %dma_wait3A_658 = tpu.memref_slice %arg3[%dma_wait3A_652, %dma_wait3A_657] : memref<5120x64xi32, #tpu.memory_space<hbm>> -> memref<1x64xi32, #tpu.memory_space<hbm>>
        %dma_wait3A_659 = tpu.memref_squeeze %dma_wait3A_658 : memref<1x64xi32, #tpu.memory_space<hbm>> -> memref<64xi32, #tpu.memory_space<hbm>>
        %dma_wait3A_660 = arith.constant 0 : i32
        %dma_wait3A_661 = tpu.memref_slice %arg7[%dma_wait3A_653, %dma_wait3A_660] : memref<5x64xi32, #tpu.memory_space<vmem>> -> memref<1x64xi32, #tpu.memory_space<vmem>>
        %dma_wait3A_662 = tpu.memref_squeeze %dma_wait3A_661 : memref<1x64xi32, #tpu.memory_space<vmem>> -> memref<64xi32, #tpu.memory_space<vmem>>
        %dma_wait3A_663 = arith.constant 0 : i32
        %dma_wait3A_664 = tpu.memref_slice %arg3[%dma_wait3A_652, %dma_wait3A_663] : memref<5120x64xi32, #tpu.memory_space<hbm>> -> memref<1x64xi32, #tpu.memory_space<hbm>>
        %dma_wait3A_665 = tpu.memref_squeeze %dma_wait3A_664 : memref<1x64xi32, #tpu.memory_space<hbm>> -> memref<64xi32, #tpu.memory_space<hbm>>
        tpu.wait_dma2 semaphore(%arg24 : memref<!tpu.dma_semaphore, #tpu.memory_space<semaphore_mem>>) src(%dma_wait3A_665 : memref<64xi32, #tpu.memory_space<hbm>>) dst(%dma_wait3A_662 : memref<64xi32, #tpu.memory_space<vmem>>)
        %dma_start3A_666 = arith.constant 4 : i32
        %dma_start3A_667 = arith.constant 4 : i32
        %dma_start3A_668 = arith.constant 0 : i32
        %dma_start3A_669 = arith.constant 0 : i32
        %dma_start3A_670 = tpu.memref_slice %arg9[%dma_start3A_667, %dma_start3A_668, %dma_start3A_669] : memref<5x64x128xf32, #tpu.memory_space<vmem>> -> memref<1x64x128xf32, #tpu.memory_space<vmem>>
        %dma_start3A_671 = tpu.memref_squeeze %dma_start3A_670 : memref<1x64x128xf32, #tpu.memory_space<vmem>> -> memref<64x128xf32, #tpu.memory_space<vmem>>
        %dma_start3A_672 = arith.constant 0 : i32
        %dma_start3A_673 = tpu.memref_slice %arg7[%dma_start3A_666, %dma_start3A_672] : memref<5x64xi32, #tpu.memory_space<vmem>> -> memref<1x64xi32, #tpu.memory_space<vmem>>
        %dma_start3A_674 = tpu.memref_squeeze %dma_start3A_673 : memref<1x64xi32, #tpu.memory_space<vmem>> -> memref<64xi32, #tpu.memory_space<vmem>>
        %dma_start3A_675 = arith.constant 0 : i32
        %dma_start3A_676 = arith.constant 0 : i32
        %dma_start3A_677 = tpu.memref_slice %arg2[%dma_start3A_675, %dma_start3A_676] : memref<10112x128xf32, #tpu.memory_space<hbm>> -> memref<10112x128xf32, #tpu.memory_space<hbm>>
        tpu.enqueue_indirect_dma source(%dma_start3A_677 : memref<10112x128xf32, #tpu.memory_space<hbm>>) target(%dma_start3A_671 : memref<64x128xf32, #tpu.memory_space<vmem>>) offsets(%dma_start3A_674 : memref<64xi32, #tpu.memory_space<vmem>>) semaphore(%arg14 : memref<!tpu.dma_semaphore, #tpu.memory_space<semaphore_mem>>)
      } else {
      }
      %scan3A_397 = arith.constant 0 : i32
      scf.yield %scan3A_397 : i32
    }
    %scan3A_137 = arith.constant 32 : i32
    %dma_wait3A = arith.constant 0 : i32
    %dma_wait3A_138 = arith.constant 0 : i32
    %dma_wait3A_139 = arith.constant 0 : i32
    %dma_wait3A_140 = arith.constant 0 : i32
    %dma_wait3A_141 = tpu.memref_slice %arg9[%dma_wait3A, %dma_wait3A_139, %dma_wait3A_140] : memref<5x64x128xf32, #tpu.memory_space<vmem>> -> memref<1x64x128xf32, #tpu.memory_space<vmem>>
    %dma_wait3A_142 = tpu.memref_squeeze %dma_wait3A_141 : memref<1x64x128xf32, #tpu.memory_space<vmem>> -> memref<64x128xf32, #tpu.memory_space<vmem>>
    %dma_wait3A_143 = arith.constant 0 : i32
    %dma_wait3A_144 = tpu.memref_slice %arg8[%dma_wait3A_138, %dma_wait3A_143] : memref<5x64xi32, #tpu.memory_space<vmem>> -> memref<1x64xi32, #tpu.memory_space<vmem>>
    %dma_wait3A_145 = tpu.memref_squeeze %dma_wait3A_144 : memref<1x64xi32, #tpu.memory_space<vmem>> -> memref<64xi32, #tpu.memory_space<vmem>>
    %dma_wait3A_146 = arith.constant 0 : i32
    %dma_wait3A_147 = arith.constant 0 : i32
    %dma_wait3A_148 = tpu.memref_slice %arg6[%dma_wait3A_146, %dma_wait3A_147] : memref<10112x128xf32, #tpu.memory_space<vmem_shared>> -> memref<10112x128xf32, #tpu.memory_space<vmem_shared>>
    tpu.wait_indirect_dma semaphore(%arg15 : memref<!tpu.dma_semaphore, #tpu.memory_space<semaphore_mem>>) src(%dma_wait3A_142 : memref<64x128xf32, #tpu.memory_space<vmem>>) dst(%dma_wait3A_148 : memref<10112x128xf32, #tpu.memory_space<vmem_shared>>)
    %dma_wait3A_149 = arith.constant 1 : i32
    %dma_wait3A_150 = arith.constant 1 : i32
    %dma_wait3A_151 = arith.constant 0 : i32
    %dma_wait3A_152 = arith.constant 0 : i32
    %dma_wait3A_153 = tpu.memref_slice %arg9[%dma_wait3A_149, %dma_wait3A_151, %dma_wait3A_152] : memref<5x64x128xf32, #tpu.memory_space<vmem>> -> memref<1x64x128xf32, #tpu.memory_space<vmem>>
    %dma_wait3A_154 = tpu.memref_squeeze %dma_wait3A_153 : memref<1x64x128xf32, #tpu.memory_space<vmem>> -> memref<64x128xf32, #tpu.memory_space<vmem>>
    %dma_wait3A_155 = arith.constant 0 : i32
    %dma_wait3A_156 = tpu.memref_slice %arg8[%dma_wait3A_150, %dma_wait3A_155] : memref<5x64xi32, #tpu.memory_space<vmem>> -> memref<1x64xi32, #tpu.memory_space<vmem>>
    %dma_wait3A_157 = tpu.memref_squeeze %dma_wait3A_156 : memref<1x64xi32, #tpu.memory_space<vmem>> -> memref<64xi32, #tpu.memory_space<vmem>>
    %dma_wait3A_158 = arith.constant 0 : i32
    %dma_wait3A_159 = arith.constant 0 : i32
    %dma_wait3A_160 = tpu.memref_slice %arg6[%dma_wait3A_158, %dma_wait3A_159] : memref<10112x128xf32, #tpu.memory_space<vmem_shared>> -> memref<10112x128xf32, #tpu.memory_space<vmem_shared>>
    tpu.wait_indirect_dma semaphore(%arg16 : memref<!tpu.dma_semaphore, #tpu.memory_space<semaphore_mem>>) src(%dma_wait3A_154 : memref<64x128xf32, #tpu.memory_space<vmem>>) dst(%dma_wait3A_160 : memref<10112x128xf32, #tpu.memory_space<vmem_shared>>)
    %dma_wait3A_161 = arith.constant 2 : i32
    %dma_wait3A_162 = arith.constant 2 : i32
    %dma_wait3A_163 = arith.constant 0 : i32
    %dma_wait3A_164 = arith.constant 0 : i32
    %dma_wait3A_165 = tpu.memref_slice %arg9[%dma_wait3A_161, %dma_wait3A_163, %dma_wait3A_164] : memref<5x64x128xf32, #tpu.memory_space<vmem>> -> memref<1x64x128xf32, #tpu.memory_space<vmem>>
    %dma_wait3A_166 = tpu.memref_squeeze %dma_wait3A_165 : memref<1x64x128xf32, #tpu.memory_space<vmem>> -> memref<64x128xf32, #tpu.memory_space<vmem>>
    %dma_wait3A_167 = arith.constant 0 : i32
    %dma_wait3A_168 = tpu.memref_slice %arg8[%dma_wait3A_162, %dma_wait3A_167] : memref<5x64xi32, #tpu.memory_space<vmem>> -> memref<1x64xi32, #tpu.memory_space<vmem>>
    %dma_wait3A_169 = tpu.memref_squeeze %dma_wait3A_168 : memref<1x64xi32, #tpu.memory_space<vmem>> -> memref<64xi32, #tpu.memory_space<vmem>>
    %dma_wait3A_170 = arith.constant 0 : i32
    %dma_wait3A_171 = arith.constant 0 : i32
    %dma_wait3A_172 = tpu.memref_slice %arg6[%dma_wait3A_170, %dma_wait3A_171] : memref<10112x128xf32, #tpu.memory_space<vmem_shared>> -> memref<10112x128xf32, #tpu.memory_space<vmem_shared>>
    tpu.wait_indirect_dma semaphore(%arg17 : memref<!tpu.dma_semaphore, #tpu.memory_space<semaphore_mem>>) src(%dma_wait3A_166 : memref<64x128xf32, #tpu.memory_space<vmem>>) dst(%dma_wait3A_172 : memref<10112x128xf32, #tpu.memory_space<vmem_shared>>)
    %dma_wait3A_173 = arith.constant 3 : i32
    %dma_wait3A_174 = arith.constant 3 : i32
    %dma_wait3A_175 = arith.constant 0 : i32
    %dma_wait3A_176 = arith.constant 0 : i32
    %dma_wait3A_177 = tpu.memref_slice %arg9[%dma_wait3A_173, %dma_wait3A_175, %dma_wait3A_176] : memref<5x64x128xf32, #tpu.memory_space<vmem>> -> memref<1x64x128xf32, #tpu.memory_space<vmem>>
    %dma_wait3A_178 = tpu.memref_squeeze %dma_wait3A_177 : memref<1x64x128xf32, #tpu.memory_space<vmem>> -> memref<64x128xf32, #tpu.memory_space<vmem>>
    %dma_wait3A_179 = arith.constant 0 : i32
    %dma_wait3A_180 = tpu.memref_slice %arg8[%dma_wait3A_174, %dma_wait3A_179] : memref<5x64xi32, #tpu.memory_space<vmem>> -> memref<1x64xi32, #tpu.memory_space<vmem>>
    %dma_wait3A_181 = tpu.memref_squeeze %dma_wait3A_180 : memref<1x64xi32, #tpu.memory_space<vmem>> -> memref<64xi32, #tpu.memory_space<vmem>>
    %dma_wait3A_182 = arith.constant 0 : i32
    %dma_wait3A_183 = arith.constant 0 : i32
    %dma_wait3A_184 = tpu.memref_slice %arg6[%dma_wait3A_182, %dma_wait3A_183] : memref<10112x128xf32, #tpu.memory_space<vmem_shared>> -> memref<10112x128xf32, #tpu.memory_space<vmem_shared>>
    tpu.wait_indirect_dma semaphore(%arg18 : memref<!tpu.dma_semaphore, #tpu.memory_space<semaphore_mem>>) src(%dma_wait3A_178 : memref<64x128xf32, #tpu.memory_space<vmem>>) dst(%dma_wait3A_184 : memref<10112x128xf32, #tpu.memory_space<vmem_shared>>)
    %dma_wait3A_185 = arith.constant 4 : i32
    %dma_wait3A_186 = arith.constant 4 : i32
    %dma_wait3A_187 = arith.constant 0 : i32
    %dma_wait3A_188 = arith.constant 0 : i32
    %dma_wait3A_189 = tpu.memref_slice %arg9[%dma_wait3A_185, %dma_wait3A_187, %dma_wait3A_188] : memref<5x64x128xf32, #tpu.memory_space<vmem>> -> memref<1x64x128xf32, #tpu.memory_space<vmem>>
    %dma_wait3A_190 = tpu.memref_squeeze %dma_wait3A_189 : memref<1x64x128xf32, #tpu.memory_space<vmem>> -> memref<64x128xf32, #tpu.memory_space<vmem>>
    %dma_wait3A_191 = arith.constant 0 : i32
    %dma_wait3A_192 = tpu.memref_slice %arg8[%dma_wait3A_186, %dma_wait3A_191] : memref<5x64xi32, #tpu.memory_space<vmem>> -> memref<1x64xi32, #tpu.memory_space<vmem>>
    %dma_wait3A_193 = tpu.memref_squeeze %dma_wait3A_192 : memref<1x64xi32, #tpu.memory_space<vmem>> -> memref<64xi32, #tpu.memory_space<vmem>>
    %dma_wait3A_194 = arith.constant 0 : i32
    %dma_wait3A_195 = arith.constant 0 : i32
    %dma_wait3A_196 = tpu.memref_slice %arg6[%dma_wait3A_194, %dma_wait3A_195] : memref<10112x128xf32, #tpu.memory_space<vmem_shared>> -> memref<10112x128xf32, #tpu.memory_space<vmem_shared>>
    tpu.wait_indirect_dma semaphore(%arg19 : memref<!tpu.dma_semaphore, #tpu.memory_space<semaphore_mem>>) src(%dma_wait3A_190 : memref<64x128xf32, #tpu.memory_space<vmem>>) dst(%dma_wait3A_196 : memref<10112x128xf32, #tpu.memory_space<vmem_shared>>)
    %barrier3A_197 = arith.constant 0 : index
    tpu.barrier barrier_id(%barrier3A_197)
    %mul3A_198 = arith.constant 632 : i32
    %mul3A_199 = arith.muli %arg1, %mul3A_198 : i32
    "tpu.region"() ({
      %run_scoped3A_200 = tpu.sem_alloc : memref<!tpu.dma_semaphore, #tpu.memory_space<semaphore_mem>>
      %dma_start3A_201 = arith.constant 0 : i32
      %dma_start3A_202 = tpu.memref_slice %arg5[%arg0, %mul3A_199, %dma_start3A_201] : memref<2x10112x128xf32, #tpu.memory_space<hbm>> -> memref<1x632x128xf32, #tpu.memory_space<hbm>>
      %dma_start3A_203 = tpu.memref_squeeze %dma_start3A_202 : memref<1x632x128xf32, #tpu.memory_space<hbm>> -> memref<632x128xf32, #tpu.memory_space<hbm>>
      %dma_start3A_204 = arith.constant 0 : i32
      %dma_start3A_205 = tpu.memref_slice %arg6[%mul3A_199, %dma_start3A_204] : memref<10112x128xf32, #tpu.memory_space<vmem_shared>> -> memref<632x128xf32, #tpu.memory_space<vmem_shared>>
      tpu.enqueue_dma source(%dma_start3A_205 : memref<632x128xf32, #tpu.memory_space<vmem_shared>>) target(%dma_start3A_203 : memref<632x128xf32, #tpu.memory_space<hbm>>) target_semaphore(%run_scoped3A_200 : memref<!tpu.dma_semaphore, #tpu.memory_space<semaphore_mem>>)
      %dma_wait3A_206 = arith.constant 0 : i32
      %dma_wait3A_207 = tpu.memref_slice %arg5[%arg0, %mul3A_199, %dma_wait3A_206] : memref<2x10112x128xf32, #tpu.memory_space<hbm>> -> memref<1x632x128xf32, #tpu.memory_space<hbm>>
      %dma_wait3A_208 = tpu.memref_squeeze %dma_wait3A_207 : memref<1x632x128xf32, #tpu.memory_space<hbm>> -> memref<632x128xf32, #tpu.memory_space<hbm>>
      %dma_wait3A_209 = arith.constant 0 : i32
      %dma_wait3A_210 = tpu.memref_slice %arg6[%mul3A_199, %dma_wait3A_209] : memref<10112x128xf32, #tpu.memory_space<vmem_shared>> -> memref<632x128xf32, #tpu.memory_space<vmem_shared>>
      tpu.wait_dma2 semaphore(%run_scoped3A_200 : memref<!tpu.dma_semaphore, #tpu.memory_space<semaphore_mem>>) src(%dma_wait3A_210 : memref<632x128xf32, #tpu.memory_space<vmem_shared>>) dst(%dma_wait3A_208 : memref<632x128xf32, #tpu.memory_space<hbm>>)
      tpu.yield
    }) : () -> ()
    return
  }
}

module attributes {stable_mosaic.version = 14 : i64} {
  func.func @_xs_body(%arg0: i32, %arg1: memref<32x1x1024xf32, #tpu.memory_space<vmem>>, %arg2: memref<1024x128xf32, #tpu.memory_space<vmem>>, %arg3: memref<1024x128xf32, #tpu.memory_space<vmem>>) attributes {dimension_semantics = [#tpu.dimension_semantics<arbitrary>], iteration_bounds = array<i64: 10>, scalar_prefetch = 0 : i64, scratch_operands = 0 : i64, tpu.core_type = #tpu.core_type<tc>, window_params = [{transform_indices = @transform_0, window_bounds = array<i64: 32, 1, 1024>}, {transform_indices = @transform_1, window_bounds = array<i64: 1024, 128>}, {transform_indices = @transform_2, window_bounds = array<i64: 1024, 128>}]} {
    %get3A = arith.constant 0 : index
    %get3A_0 = arith.constant 0 : index
    %get3A_1 = arith.constant 0 : index
    %get3A_2 = vector.load %arg1[%get3A, %get3A_0, %get3A_1] : memref<32x1x1024xf32, #tpu.memory_space<vmem>>, vector<32x1x1024xf32>
    %get3A_3 = vector.shape_cast %get3A_2 : vector<32x1x1024xf32> to vector<32x1024xf32>
    %broadcast_in_dim3A = arith.constant 1.000000e+00 : f32
    %broadcast_in_dim3A_4 = vector.broadcast %broadcast_in_dim3A : f32 to vector<32x1xf32>
    %dot_general3A = arith.constant dense<0.000000e+00> : vector<1024x1xf32>
    %dot_general3A_5 = tpu.matmul %get3A_3, %broadcast_in_dim3A_4, %dot_general3A {dimension_numbers = #tpu.dot_dimension_numbers<[0], [0], [1], [1], [0, 1, 1, 1], [], []>, transpose_lhs_hint = false} : vector<32x1024xf32>, vector<32x1xf32>, vector<1024x1xf32> -> vector<1024x1xf32>
    %gt3A = arith.constant 0.000000e+00 : f32
    %gt3A_6 = vector.broadcast %gt3A : f32 to vector<1024x1xf32>
    %gt3A_7 = arith.cmpf ogt, %dot_general3A_5, %gt3A_6 : vector<1024x1xf32>
    %rsqrt3A = math.rsqrt %dot_general3A_5 : vector<1024x1xf32>
    %jit3A = arith.constant 0.000000e+00 : f32
    %broadcast_in_dim3A_8 = vector.broadcast %jit3A : f32 to vector<1024x1xf32>
    %select_n3A = arith.select %gt3A_7, %rsqrt3A, %broadcast_in_dim3A_8 : vector<1024x1xi1>, vector<1024x1xf32>
    %gt3A_9 = arith.constant 0.000000e+00 : f32
    %gt3A_10 = vector.broadcast %gt3A_9 : f32 to vector<1024x1xf32>
    %gt3A_11 = arith.cmpf ogt, %dot_general3A_5, %gt3A_10 : vector<1024x1xf32>
    %get3A_12 = arith.constant 0 : index
    %get3A_13 = arith.constant 0 : index
    %get3A_14 = vector.load %arg2[%get3A_12, %get3A_13] : memref<1024x128xf32, #tpu.memory_space<vmem>>, vector<1024x128xf32>
    %mul3A = vector.broadcast %select_n3A : vector<1024x1xf32> to vector<1024x128xf32>
    %mul3A_15 = arith.mulf %mul3A, %get3A_14 : vector<1024x128xf32>
    %jit3A_16 = arith.constant 0.000000e+00 : f32
    %broadcast_in_dim3A_17 = vector.shape_cast %gt3A_11 : vector<1024x1xi1> to vector<1024x1xi1>
    %broadcast_in_dim3A_18 = vector.broadcast %broadcast_in_dim3A_17 : vector<1024x1xi1> to vector<1024x128xi1>
    %broadcast_in_dim3A_19 = vector.broadcast %jit3A_16 : f32 to vector<1024x128xf32>
    %select_n3A_20 = arith.select %broadcast_in_dim3A_18, %mul3A_15, %broadcast_in_dim3A_19 : vector<1024x128xi1>, vector<1024x128xf32>
    %swap3A = arith.constant 0 : index
    %swap3A_21 = arith.constant 0 : index
    %swap3A_22 = vector.load %arg3[%swap3A, %swap3A_21] : memref<1024x128xf32, #tpu.memory_space<vmem>>, vector<1024x128xf32>
    tpu.vector_store %arg3[%swap3A, %swap3A_21], %select_n3A_20 {strides = array<i32>} : memref<1024x128xf32, #tpu.memory_space<vmem>>, vector<1024x128xf32>,
    return
  }
  func.func @transform_0(%arg0: i32) -> (i32, i32, i32) {
    %c0_i32 = arith.constant 0 : i32
    %c0_i32_0 = arith.constant 0 : i32
    %c0_i32_1 = arith.constant 0 : i32
    return %c0_i32, %c0_i32_0, %arg0 : i32, i32, i32
  }
  func.func @transform_1(%arg0: i32) -> (i32, i32) {
    %c0_i32 = arith.constant 0 : i32
    %c0_i32_0 = arith.constant 0 : i32
    return %arg0, %c0_i32 : i32, i32
  }
  func.func @transform_2(%arg0: i32) -> (i32, i32) {
    %c0_i32 = arith.constant 0 : i32
    %c0_i32_0 = arith.constant 0 : i32
    return %arg0, %c0_i32 : i32, i32
  }
}

module attributes {stable_mosaic.version = 14 : i64} {
  func.func @_comb_body(%arg0: i32, %arg1: memref<32x1x1024xf32, #tpu.memory_space<vmem>>, %arg2: memref<2x1024x128xf32, #tpu.memory_space<vmem>>, %arg3: memref<1024x128xf32, #tpu.memory_space<vmem>>, %arg4: memref<1024x4xf32, #tpu.memory_space<vmem>>, %arg5: memref<256x512xf32, #tpu.memory_space<vmem>>, %arg6: memref<1024x128xf32, #tpu.memory_space<vmem>>) attributes {dimension_semantics = [#tpu.dimension_semantics<arbitrary>], iteration_bounds = array<i64: 10>, scalar_prefetch = 0 : i64, scratch_operands = 0 : i64, tpu.core_type = #tpu.core_type<tc>, window_params = [{transform_indices = @transform_0, window_bounds = array<i64: 32, 1, 1024>}, {transform_indices = @transform_1, window_bounds = array<i64: 2, 1024, 128>}, {transform_indices = @transform_2, window_bounds = array<i64: 1024, 128>}, {transform_indices = @transform_3, window_bounds = array<i64: 1024, 4>}, {pipeline_mode = #tpu.pipeline_mode<synchronous>, transform_indices = @transform_4, window_bounds = array<i64: 256, 512>}, {transform_indices = @transform_5, window_bounds = array<i64: 1024, 128>}]} {
    %get3A = arith.constant 0 : index
    %get3A_0 = arith.constant 0 : index
    %get3A_1 = arith.constant 0 : index
    %get3A_2 = vector.load %arg1[%get3A, %get3A_0, %get3A_1] : memref<32x1x1024xf32, #tpu.memory_space<vmem>>, vector<32x1x1024xf32>
    %get3A_3 = vector.shape_cast %get3A_2 : vector<32x1x1024xf32> to vector<32x1024xf32>
    %broadcast_in_dim3A = arith.constant 1.000000e+00 : f32
    %broadcast_in_dim3A_4 = vector.broadcast %broadcast_in_dim3A : f32 to vector<32x1xf32>
    %dot_general3A = arith.constant dense<0.000000e+00> : vector<1024x1xf32>
    %dot_general3A_5 = tpu.matmul %get3A_3, %broadcast_in_dim3A_4, %dot_general3A {dimension_numbers = #tpu.dot_dimension_numbers<[0], [0], [1], [1], [0, 1, 1, 1], [], []>, transpose_lhs_hint = false} : vector<32x1024xf32>, vector<32x1xf32>, vector<1024x1xf32> -> vector<1024x1xf32>
    %gt3A = arith.constant 0.000000e+00 : f32
    %gt3A_6 = vector.broadcast %gt3A : f32 to vector<1024x1xf32>
    %gt3A_7 = arith.cmpf ogt, %dot_general3A_5, %gt3A_6 : vector<1024x1xf32>
    %rsqrt3A = math.rsqrt %dot_general3A_5 : vector<1024x1xf32>
    %jit3A = arith.constant 0.000000e+00 : f32
    %broadcast_in_dim3A_8 = vector.broadcast %jit3A : f32 to vector<1024x1xf32>
    %select_n3A = arith.select %gt3A_7, %rsqrt3A, %broadcast_in_dim3A_8 : vector<1024x1xi1>, vector<1024x1xf32>
    %get3A_9 = arith.constant 0 : index
    %get3A_10 = arith.constant 0 : index
    %get3A_11 = arith.constant 0 : index
    %get3A_12 = vector.load %arg2[%get3A_9, %get3A_10, %get3A_11] : memref<2x1024x128xf32, #tpu.memory_space<vmem>>, vector<1x1024x128xf32>
    %get3A_13 = vector.shape_cast %get3A_12 : vector<1x1024x128xf32> to vector<1024x128xf32>
    %get3A_14 = arith.constant 1 : index
    %get3A_15 = arith.constant 0 : index
    %get3A_16 = arith.constant 0 : index
    %get3A_17 = vector.load %arg2[%get3A_14, %get3A_15, %get3A_16] : memref<2x1024x128xf32, #tpu.memory_space<vmem>>, vector<1x1024x128xf32>
    %get3A_18 = vector.shape_cast %get3A_17 : vector<1x1024x128xf32> to vector<1024x128xf32>
    %add3A = arith.addf %get3A_13, %get3A_18 : vector<1024x128xf32>
    %mul3A = vector.broadcast %select_n3A : vector<1024x1xf32> to vector<1024x128xf32>
    %mul3A_19 = arith.mulf %mul3A, %add3A : vector<1024x128xf32>
    %get3A_20 = arith.constant 0 : index
    %get3A_21 = arith.constant 0 : index
    %get3A_22 = vector.load %arg3[%get3A_20, %get3A_21] : memref<1024x128xf32, #tpu.memory_space<vmem>>, vector<1024x128xf32>
    %concatenate3A = tpu.concatenate %mul3A_19, %get3A_22 in 1 : vector<1024x128xf32>, vector<1024x128xf32> -> vector<1024x256xf32>
    %get3A_23 = arith.constant 0 : index
    %get3A_24 = arith.constant 0 : index
    %get3A_25 = vector.load %arg5[%get3A_23, %get3A_24] : memref<256x512xf32, #tpu.memory_space<vmem>>, vector<256x512xf32>
    %dot_general3A_26 = arith.constant dense<0.000000e+00> : vector<1024x512xf32>
    %dot_general3A_27 = tpu.matmul %concatenate3A, %get3A_25, %dot_general3A_26 {dimension_numbers = #tpu.dot_dimension_numbers<[1], [0], [0], [1], [0, 0, 1, 1], [], []>, transpose_lhs_hint = false} : vector<1024x256xf32>, vector<256x512xf32>, vector<1024x512xf32> -> vector<1024x512xf32>
    %get3A_28 = arith.constant 0 : index
    %get3A_29 = arith.constant 0 : index
    %get3A_30 = vector.load %arg4[%get3A_28, %get3A_29] : memref<1024x4xf32, #tpu.memory_space<vmem>>, vector<1024x4xf32>
    %slice3A = vector.extract_strided_slice %get3A_30 {offsets = [0, 0], sizes = [1024, 1], strides = [1, 1]} : vector<1024x4xf32> to vector<1024x1xf32>
    %squeeze3A = vector.shape_cast %slice3A : vector<1024x1xf32> to vector<1024xf32>
    %broadcast_in_dim3A_31 = vector.shape_cast %squeeze3A : vector<1024xf32> to vector<1024x1xf32>
    %slice3A_32 = vector.extract_strided_slice %dot_general3A_27 {offsets = [0, 0], sizes = [1024, 128], strides = [1, 1]} : vector<1024x512xf32> to vector<1024x128xf32>
    %mul3A_33 = vector.broadcast %broadcast_in_dim3A_31 : vector<1024x1xf32> to vector<1024x128xf32>
    %mul3A_34 = arith.mulf %mul3A_33, %slice3A_32 : vector<1024x128xf32>
    %add3A_35 = arith.addf %get3A_22, %mul3A_34 : vector<1024x128xf32>
    %slice3A_36 = vector.extract_strided_slice %get3A_30 {offsets = [0, 1], sizes = [1024, 1], strides = [1, 1]} : vector<1024x4xf32> to vector<1024x1xf32>
    %squeeze3A_37 = vector.shape_cast %slice3A_36 : vector<1024x1xf32> to vector<1024xf32>
    %broadcast_in_dim3A_38 = vector.shape_cast %squeeze3A_37 : vector<1024xf32> to vector<1024x1xf32>
    %slice3A_39 = vector.extract_strided_slice %dot_general3A_27 {offsets = [0, 128], sizes = [1024, 128], strides = [1, 1]} : vector<1024x512xf32> to vector<1024x128xf32>
    %mul3A_40 = vector.broadcast %broadcast_in_dim3A_38 : vector<1024x1xf32> to vector<1024x128xf32>
    %mul3A_41 = arith.mulf %mul3A_40, %slice3A_39 : vector<1024x128xf32>
    %add3A_42 = arith.addf %add3A_35, %mul3A_41 : vector<1024x128xf32>
    %slice3A_43 = vector.extract_strided_slice %get3A_30 {offsets = [0, 2], sizes = [1024, 1], strides = [1, 1]} : vector<1024x4xf32> to vector<1024x1xf32>
    %squeeze3A_44 = vector.shape_cast %slice3A_43 : vector<1024x1xf32> to vector<1024xf32>
    %broadcast_in_dim3A_45 = vector.shape_cast %squeeze3A_44 : vector<1024xf32> to vector<1024x1xf32>
    %slice3A_46 = vector.extract_strided_slice %dot_general3A_27 {offsets = [0, 256], sizes = [1024, 128], strides = [1, 1]} : vector<1024x512xf32> to vector<1024x128xf32>
    %mul3A_47 = vector.broadcast %broadcast_in_dim3A_45 : vector<1024x1xf32> to vector<1024x128xf32>
    %mul3A_48 = arith.mulf %mul3A_47, %slice3A_46 : vector<1024x128xf32>
    %add3A_49 = arith.addf %add3A_42, %mul3A_48 : vector<1024x128xf32>
    %slice3A_50 = vector.extract_strided_slice %get3A_30 {offsets = [0, 3], sizes = [1024, 1], strides = [1, 1]} : vector<1024x4xf32> to vector<1024x1xf32>
    %squeeze3A_51 = vector.shape_cast %slice3A_50 : vector<1024x1xf32> to vector<1024xf32>
    %broadcast_in_dim3A_52 = vector.shape_cast %squeeze3A_51 : vector<1024xf32> to vector<1024x1xf32>
    %slice3A_53 = vector.extract_strided_slice %dot_general3A_27 {offsets = [0, 384], sizes = [1024, 128], strides = [1, 1]} : vector<1024x512xf32> to vector<1024x128xf32>
    %mul3A_54 = vector.broadcast %broadcast_in_dim3A_52 : vector<1024x1xf32> to vector<1024x128xf32>
    %mul3A_55 = arith.mulf %mul3A_54, %slice3A_53 : vector<1024x128xf32>
    %add3A_56 = arith.addf %add3A_49, %mul3A_55 : vector<1024x128xf32>
    %swap3A = arith.constant 0 : index
    %swap3A_57 = arith.constant 0 : index
    %swap3A_58 = vector.load %arg6[%swap3A, %swap3A_57] : memref<1024x128xf32, #tpu.memory_space<vmem>>, vector<1024x128xf32>
    tpu.vector_store %arg6[%swap3A, %swap3A_57], %add3A_56 {strides = array<i32>} : memref<1024x128xf32, #tpu.memory_space<vmem>>, vector<1024x128xf32>,
    return
  }
  func.func @transform_0(%arg0: i32) -> (i32, i32, i32) {
    %c0_i32 = arith.constant 0 : i32
    %c0_i32_0 = arith.constant 0 : i32
    %c0_i32_1 = arith.constant 0 : i32
    return %c0_i32, %c0_i32_0, %arg0 : i32, i32, i32
  }
  func.func @transform_1(%arg0: i32) -> (i32, i32, i32) {
    %c0_i32 = arith.constant 0 : i32
    %c0_i32_0 = arith.constant 0 : i32
    %c0_i32_1 = arith.constant 0 : i32
    return %c0_i32, %arg0, %c0_i32_0 : i32, i32, i32
  }
  func.func @transform_2(%arg0: i32) -> (i32, i32) {
    %c0_i32 = arith.constant 0 : i32
    %c0_i32_0 = arith.constant 0 : i32
    return %arg0, %c0_i32 : i32, i32
  }
  func.func @transform_3(%arg0: i32) -> (i32, i32) {
    %c0_i32 = arith.constant 0 : i32
    %c0_i32_0 = arith.constant 0 : i32
    return %arg0, %c0_i32 : i32, i32
  }
  func.func @transform_4(%arg0: i32) -> (i32, i32) {
    %c0_i32 = arith.constant 0 : i32
    %c0_i32_0 = arith.constant 0 : i32
    %c0_i32_1 = arith.constant 0 : i32
    return %c0_i32, %c0_i32_0 : i32, i32
  }
  func.func @transform_5(%arg0: i32) -> (i32, i32) {
    %c0_i32 = arith.constant 0 : i32
    %c0_i32_0 = arith.constant 0 : i32
    return %arg0, %c0_i32 : i32, i32
  }
}

</mosaic_0001>

<sc_bundles>
// kernel: kernel.6.cloned.1.call-start
scs
__scs_entry_jumppad:
0x0: {  	(pc) =	sbr.rel $0x88, $3  }
0x1: {  	(tag) =	ssettag $0x0;
	lr =	simm.s32 $0x1  }
0x2: {  	[smem:$0x3F9D] =	sst lr;
	_ =	strace $0xD0000000  }
0x3: {  	_ = 	snop  }
0x4: {  	_ = 	snop  }
0x5: {  	_ = 	snop  }
0x6: {  	_ = 	snop  }
0x7: {  	_ = 	snop  }
__scs_overlays_trampoline_lowered:
0x8: {  	[smem:$0x3FAC] =	sst s0  }
0x9: {  	[smem:$0x3FAD] =	sst s1  }
0xa: {  	[smem:$0x3FAE] =	sst s2  }
0xb: {  	[smem:$0x3FAF] =	sst s3  }
0xc: {  	[smem:$0x3FB0] =	sst s4  }
0xd: {  	[smem:$0x3FB1] =	sst s5  }
0xe: {  	[smem:$0x3FB2] =	sst s6  }
0xf: {  	[smem:$0x3FB3] =	sst s7  }
0x10: {  	[smem:$0x3FB4] =	sst s8  }
0x11: {  	[smem:$0x3FB5] =	sst s9;
	s0 =	simm.s32 @!p0 $0x0  }
0x12: {  	s1 =	sld [smem:$0x3F9B];
	s0 =	simm.s32 @p0 $0x1  }
0x13: {  	[smem:$0x3FB6] =	sst s0;
	s0 =	simm.s32 @!p1 $0x0  }
0x14: {  	s2 =	sld [smem:$0x3F9A];
	s0 =	simm.s32 @p1 $0x1  }
0x15: {  	[smem:$0x3FB7] =	sst s0;
	s0 =	simm.s32 @!p2 $0x0  }
0x16: {  	s3 =	sld [smem:$0x3FDB];
	s0 =	simm.s32 @p2 $0x1  }
0x17: {  	s4 =	simm.s32 $0x1BF5;
	[smem:$0x3FB9] =	sst s0  }
0x18: {  	s0 =	sld [smem:$0x3F9C];
	_ =	swait.ge [sflag:s4], $0x0  }
0x19: {  	s7 =	sld [smem:$0x3F9D]  }
0x1a: {  	s8 =	sadd.s32 $0xFFFFE003, lr  }
0x1b: {  	s9 =	sadd.s32 $0xFFFFFEF7, lr;
	s5 =	simm.s32 $0xFFFFFFFF;
	p2 =	slt.u32 s8, $0xFFFFF086  }
0x1c: {  	p1 =	slt.u32 s9, $0xF7A;
	s5 =	simm.s32 @!p2 $0x0  }
0x1d: {  	s5 =	simm.s32 @p1 $0x1;
	p0 =	seq.s32 s7, s2  }
0x1e: {  	s7 =	smul.u32 @!p0 $0xF7A, s2;
	p2 =	seq.s32 @!p0 s5, $0x0  }
0x1f: {  	s9 =	smul.u32 $0xF7A, s1;
	s8 =	simm.s32 @!p0 $0x1BF5;
	p2 =	por !p2, p0  }
0x20: {  	[sflag:s8] =	ssyncset.s32 @!p0 $0xFFFFF086;
	s6 =	sadd.s32 @!p0 s3, s7;
	s7 =	simm.s32 @!p0 $0x108  }
0x21: {  	s3 =	sadd.s32 s3, s9;
	s6 =	sadd.s32 @!p0 $0x88, s6;
	s7 =	simm.s32 @p2 $0x1082  }
0x22: {  	[simem:s7], [sflag:s8] =	dma.local @!p0 [hbm:s6], $0xF7A  }
0x23: {  	s9 =	sor.u32 $0xD0000000, s2;
	s6 =	simm.s32 $0x108;
	_ =	swait.ge @!p0 [sflag:s8], $0x0  }
0x24: {  	s3 =	sadd.s32 $0x88, s3;
	s6 =	simm.s32 @!p1 $0x1082;
	[sflag:s4] =	ssyncset.s32 $0xFFFFF086  }
0x25: {  	[simem:s6], [sflag:s4] =	dma.local [hbm:s3], $0xF7A  }
0x26: {  	[smem:$0x3F9D] =	sst s1;
	(tag) =	ssettag s2;
	_ =	strace s9  }
0x27: {  	s1 =	sld [smem:$0x3FAD]  }
0x28: {  	s2 =	sld [smem:$0x3FAE]  }
0x29: {  	s4 =	sld [smem:$0x3FB0]  }
0x2a: {  	p0 =	seq.s32 s5, $0x0;
	s5 =	sld [smem:$0x3FB1]  }
0x2b: {  	s6 =	sld [smem:$0x3FB2]  }
0x2c: {  	s7 =	sld [smem:$0x3FB3]  }
0x2d: {  	s3 =	simm.s32 $0x108;
	s8 =	sld [smem:$0x3FB4]  }
0x2e: {  	s3 =	simm.s32 @!p0 $0x1082;
	s9 =	sld [smem:$0x3FB5]  }
0x2f: {  	lr =	sadd.s32 s0, s3;
	s0 =	sld [smem:$0x3FAC]  }
0x30: {  	s3 =	sld [smem:$0x3FAF]  }
0x31: {  	[smem:$0x3FB8] =	sst s10  }
0x32: {  	s10 =	sld [smem:$0x3FB6];
	_ =	sdelay $0x3  }
0x33: {  	p0 =	seq.s32 s10, $0x1;
	s10 =	sld [smem:$0x3FB8];
	_ =	sdelay $0x3  }
0x34: {  	[smem:$0x3FB8] =	sst s10  }
0x35: {  	s10 =	sld [smem:$0x3FB7];
	_ =	sdelay $0x3  }
0x36: {  	p1 =	seq.s32 s10, $0x1;
	s10 =	sld [smem:$0x3FB8];
	_ =	sdelay $0x3  }
0x37: {  	[smem:$0x3FB8] =	sst s10  }
0x38: {  	s10 =	sld [smem:$0x3FB9]  }
0x39: {  	_ = 	snop;
	(pc) =	sbr.ind lr, $3  }
0x3a: {  	_ = 	snop  }
0x3b: {  	_ = 	snop  }
0x3c: {  	p2 =	seq.s32 s10, $0x1;
	s10 =	sld [smem:$0x3FB8]  }
0x3d: {  	_ =	shalt  }
0x3e: {  	_ =	shalt  }
0x3f: {  	_ =	shalt  }
0x40: {  	_ =	shalt  }
0x41: {  	_ =	shalt  }
0x42: {  	_ =	shalt  }
0x43: {  	_ =	shalt  }
0x44: {  	_ =	shalt  }
0x45: {  	_ =	shalt  }
0x46: {  	_ =	shalt  }
0x47: {  	_ =	shalt  }
0x48: {  	_ =	shalt  }
0x49: {  	_ =	shalt  }
0x4a: {  	_ =	shalt  }
0x4b: {  	_ =	shalt  }
0x4c: {  	_ =	shalt  }
0x4d: {  	_ =	shalt  }
0x4e: {  	_ =	shalt  }
0x4f: {  	_ =	shalt  }
0x50: {  	_ =	shalt  }
0x51: {  	_ =	shalt  }
0x52: {  	_ =	shalt  }
0x53: {  	_ =	shalt  }
0x54: {  	_ =	shalt  }
0x55: {  	_ =	shalt  }
0x56: {  	_ =	shalt  }
0x57: {  	_ =	shalt  }
0x58: {  	_ =	shalt  }
0x59: {  	_ =	shalt  }
0x5a: {  	_ =	shalt  }
0x5b: {  	_ =	shalt  }
0x5c: {  	_ =	shalt  }
0x5d: {  	_ =	shalt  }
0x5e: {  	_ =	shalt  }
0x5f: {  	_ =	shalt  }
0x60: {  	_ =	shalt  }
0x61: {  	_ =	shalt  }
0x62: {  	_ =	shalt  }
0x63: {  	_ =	shalt  }
0x64: {  	_ =	shalt  }
0x65: {  	_ =	shalt  }
0x66: {  	_ =	shalt  }
0x67: {  	_ =	shalt  }
0x68: {  	_ =	shalt  }
0x69: {  	_ =	shalt  }
0x6a: {  	_ =	shalt  }
0x6b: {  	_ =	shalt  }
0x6c: {  	_ =	shalt  }
0x6d: {  	_ =	shalt  }
0x6e: {  	_ =	shalt  }
0x6f: {  	_ =	shalt  }
0x70: {  	_ =	shalt  }
0x71: {  	_ =	shalt  }
0x72: {  	_ =	shalt  }
0x73: {  	_ =	shalt  }
0x74: {  	_ =	shalt  }
0x75: {  	_ =	shalt  }
0x76: {  	_ =	shalt  }
0x77: {  	_ =	shalt  }
0x78: {  	_ =	shalt  }
0x79: {  	_ =	shalt  }
0x7a: {  	_ =	shalt  }
0x7b: {  	_ =	shalt  }
0x7c: {  	_ =	shalt  }
0x7d: {  	_ =	shalt  }
0x7e: {  	_ =	shalt  }
0x7f: {  	_ =	shalt  }
0x80: {  	_ =	shalt  }
0x81: {  	_ =	shalt  }
0x82: {  	_ =	shalt  }
0x83: {  	_ =	shalt  }
0x84: {  	_ =	shalt  }
0x85: {  	_ =	shalt  }
0x86: {  	_ =	shalt  }
0x87: {  	_ =	shalt  }
.Lfunc_end0:
.L_simem_size_0:
called_computation_lowered:
.L_overlay_start_0:
0x88: {  	s2 =	sld [smem:$0x3FD9]  }
0x89: {  	s3 =	sld [smem:$0x3FFE];
	_ =	sdelay $0x1  }
0x8a: {  	s1 =	srdreg.scid  }
0x8b: {  	s0 =	sand.u32 $0x1, s1  }
0x8c: {  	s16 =	sshll.u32 s0, $0xA;
	s2 =	sadd.s32 s3, s2  }
0x8d: {  	s2 =	sadd.s32 s2, s16  }
0x8e: {  	[smem:$0x3FC4] =	sst s2  }
0x8f: {  	_ = 	snop  }
0x90: {  	(tm) =	ssettm $0x1  }
0x91: {  	s17 =	sld [smem:$0x3FFB];
	_ =	sdelay $0x3  }
0x92: {  	_ =	strace s17  }
0x93: {  	s2 =	sld [smem:$0x3FFC];
	_ =	sdelay $0x3  }
0x94: {  	_ =	strace s2  }
0x95: {  	s2 =	sld [smem:$0x3FFD];
	_ =	sdelay $0x3  }
0x96: {  	_ =	strace s2  }
0x97: {  	_ =	strace $0x8FFFFFFF  }
0x98: {  	s18 =	sld [smem:$0x3FDB];
	_ =	sdelay $0x1  }
0x99: {  	s19 =	simm.s32 $_scs_section_size  }
0x9a: {  	s4 =	simm.s32 $_size__tile_overlayer_lowered;
	s5 =	simm.s32 $_tile_overlayer_lowered  }
0x9b: {  	s22 =	simm.s32 $0x1BFF;
	s21 =	sshll.u32 s5, $0x1;
	s2 =	sadd.s32 s19, s18  }
0x9c: {  	s6 =	simm.s32 $0x0;
	s20 =	sshll.u32 s4, $0x1;
	s4 =	sadd.s32 s21, s2  }
0x9d: {  	[timem:s6], [sflag:s22] =	dma.local [hbm:s4], s20  }
0x9e: {  	_ =	swait.ge [sflag:s22], s20  }
0x9f: {  	s3 =	ssub.s32 $0x0, s20;
	[sflag:s22] =	ssyncset.done $0x0  }
0xa0: {  	[sflag:s22] =	ssyncadd.s32 s3;
	_ =	sdelay $0x1  }
0xa1: {  	s23 =	simm.s32 $0x1B8B  }
0xa2: {  	_ =	swait.ge [sflag:s23], $0x1  }
0xa3: {  	[sflag:s23] =	ssyncset.done $0x0  }
0xa4: {  	s25 =	simm.s32 $0x1B8E;
	s24 =	sld [smem:$0x3FFE];
	[sflag:s23] =	ssyncadd.s32 $0xFFFFFFFF  }
0xa5: {  	s26 =	simm.s32 $execute0_lowered;
	[smem:$0x3FD2] =	sst s25  }
0xa6: {  	s4 =	sshll.u32 s26, $0x1;
	_ =	strace $0x80000046;
	[dreg:$0x1] =	wrdreg $0xFFFFFFFF  }
0xa7: {  	s28 =	simm.s32 $_size_execute0_lowered;
	s2 =	sadd.s32 s2, s4;
	[dreg:$0x0] =	wrdreg $0x0  }
0xa8: {  	s4 =	sshll.u32 s28, $0x1;
	[dreg:$0x2] =	wrdreg s2  }
0xa9: {  	[dreg:$0x3] =	wrdreg s4  }
0xaa: {  	[dreg:$0x4] =	wrdreg $0xC0  }
0xab: {  	_ =	task [dreg:s6], $0x5FFFF  }
0xac: {  	[dreg:$0x1] =	wrdreg $0xFFFFFFFF  }
0xad: {  	[dreg:$0x0] =	wrdreg $0x60  }
0xae: {  	[dreg:$0x2] =	wrdreg s24  }
0xaf: {  	[dreg:$0x3] =	wrdreg $0x9  }
0xb0: {  	_ =	task.clear_ibuf [dreg:s6], $0x4FFFF;
	_ =	strace $0x90000046  }
0xb1: {  	s29 =	simm.s32 $0x9;
	_ =	strace $0x80000048  }
0xb2: {  	_ =	swait.ge [sflag:s29], $0x1  }
0xb3: {  	[sflag:s29] =	ssyncadd.s32 $0xFFFFFFFF  }
0xb4: {  	_ =	strace $0x90000048  }
0xb5: {  	_ =	sfence  }
0xb6: {  	s30 =	sld [smem:$0x0];
	_ =	sdelay $0x2  }
0xb7: {  	s31 =	sshll.u32 s1, $0xD;
	s1 =	sshrl.u32 s1, $0x2  }
0xb8: {  	s3 =	sand.u32 $0x4000, s31;
	s1 =	sadd.s32 s1, s30  }
0xb9: {  	s0 =	sor.u32 s3, s0;
	s1 =	sshll.u32 s1, $0x11  }
0xba: {  	s0 =	sor.u32 s1, s0  }
0xbb: {  	s0 =	sadd.s32 $0x8F2B, s0  }
0xbc: {  	[sflag:s0] =	ssyncadd.remote.s32 $0x1  }
0xbd: {  	_ =	sfence.sel $0xFFFF  }
0xbe: {  	[dreg:$0x0] =	wrdreg $0xFFFFFFFF;
	(pc) =	sbr.abs _section_cstart, $3  }
0xbf: {  	[dreg:$0x1] =	wrdreg $0xFFFFFFFF  }
0xc0: {  	_ =	task.clear_ibuf [dreg:s6], $0x2FFFF;
	_ =	strace $0x9FFFFFFF  }
0xc1: {  	(tm) =	ssettm $0x7FFFFFFF  }
tec
execute0_lowered:
.L_overlay_start_1:
0x0: {  	(tag) =	ssettag $0x1  }
0x1: {  	s0 =	srdreg.scid  }
0x2: {  	s1 =	rddreg [dreg:$0x0];
	s4 =	stileid.u32  }
0x3: {  	s2 =	simm.s32 $0x0;
	s22 =	simm.s32 $0x2E80;
	s23 =	simm.s32 $0x2  }
0x4: {  	s24 =	simm.s32 $0x3;
	s25 =	simm.s32 $0x1;
	s26 =	simm.s32 $0x2800  }
0x5: {  	s28 =	simm.s32 $0x2900;
	s29 =	simm.s32 $0x2A00;
	s0 =	sand.u32 $0x1, s0  }
0x6: {  	s30 =	simm.s32 $0x2B00;
	s31 =	simm.s32 $0x2C00;
	s3 =	sshll.u32 s0, $0x4  }
0x7: {  	s15 =	simm.s32 $0x2F00;
	s16 =	simm.s32 $0x0;
	s3 =	sor.u32 s4, s3  }
0x8: {  	v1 =	vimm.s32 $0xEDCBA987;
	[smem:$0x7FF] =	sst s2;
	s0 =	ssub.s32 $0x2, s0;
	s5 =	smul.u32 $0x2800, s3  }
0x9: {  	v0 =	vimm.s32 $0x65432100;
	v1 =	vunpack.c.l.s4.s8 v1;
	_ =	strace $0x80000047;
	s6 =	sshrl.u32 s0, $0x1;
	s4 =	smul.u32 $0x4F0, s3  }
0xa: {  	v2 =	vimm.s32 $0xFFEDCBA9;
	v3 =	vimm.s32 $0x87654321;
	v0 =	vunpack.c.l.s4.s8 v0;
	s3 =	sadd.s32 $0x1600, s1;
	s0 =	ssub.s32 s0, s6;
	s7 =	sshrl.u32 s5, $0x3  }
.Ltmp0:
0xb: {  	v2 =	vunpack.c.l.s4.s8 v2;
	v3 =	vunpack.c.l.s4.s8 v3;
	v1 =	vunpack.c.0.s8.s32 v1;
	s1 =	sadd.s32 s4, s1;
	s5 =	sor.u32 $0x400, s5;
	(pc) =	sbr.rel .LBB2_1-.Ltmp0, $4  }
0xc: {  	vm0 =	vcmask $0x3F3C;
	v4 =	vunpack.c.0.s8.s32 v0;
	s4 =	sadd.s32 s3, s7;
	s6 =	sadd.s32 $0xB600, s1;
	s7 =	smax.u32 s0, $0x1  }
0xd: {  	v2 =	vunpack.c.0.s8.s32 v2;
	v3 =	vunpack.c.0.s8.s32 v3;
	v1 =	vand.u32 $0xF, v1;
	s0 =	simm.s32 $0x2D00;
	s1 =	simm.s32 $0x2E00;
	s8 =	sadd.s32 $0x10, s4  }
0xe: {  	v0 =	vimm.f32 $0.0e+00;
	v1 =	vcombine.low v4, v1;
	v4 =	vlaneseq.u32;
	s9 =	sadd.s32 $0x20, s4;
	s10 =	sadd.s32 $0x30, s4;
	s11 =	sadd.s32 $0x40, s4  }
0xf: {  	v2 =	vcombine.low v3, v2;
	v3 =	vor.u32 $0x80000000, v4;
	v4 =	vadd.s32 $0x1, v4;
	s12 =	sadd.s32 $0x50, s4;
	s13 =	sadd.s32 $0x70, s4;
	s14 =	sadd.s32 $0x60, s4  }
.LBB2_12:
0x10: {  	s16 =	sadd.s32 $0x1, s16  }
0x11: {  	p0 =	sne.s32 s16, s7  }
.Ltmp1:
0x12: {  	_ = 	snop;
	(pc) =	sbr.rel @!p0 .LBB2_13-.Ltmp1, $4  }
0x13: {  	[hbm4b:s6+s2] =	stream.linear.scatter [tilespmem:s2], [sflag:$0x3], $0x2780, $0x38;
	[tilespmem:$0x2F80] =	vst v63  }
0x14: {  	_ =	swait.ge [sflag:s24], $0x2780  }
0x15: {  	[sflag:s24] =	ssyncset.done $0x0  }
0x16: {  	[sflag:s24] =	ssyncadd.s32 $0xFFFFD880  }
.LBB2_1:
0x17: {  	s17 =	simm.s32 $0x40;
	s18 =	simm.s32 $0x0  }
.LBB2_2:
0x18: {  	p0 =	sne.s32 s17, $0x9DC0;
	[tilespmem:s18+$0x0] =	vst v0;
	s18 =	smov.u32 s17;
	s17 =	sadd.s32 $0x40, s17  }
.Ltmp2:
0x19: {  	(pc) =	sbr.rel @p0 .LBB2_2-.Ltmp2, $2  }
0x1a: {  	_ =	sdelay $0x2  }
0x1b: {  	s18 =	sshra.s32 s18, $0x2  }
0x1c: {  	[tilespmem:s18+$0x0] =	vst v0;
	s17 =	simm.s32 $0x0;
	s21 =	simm.s32 $0x2780  }
0x1d: {  	[tilespmem:s21], [sflag:$0x1] =	stream.linear.gather [hbm4b:s4+s17], $0x80, $0x38;
	[tilespmem:$0x2F80] =	vst v63  }
0x1e: {  	s19 =	simm.s32 $0x2880  }
0x1f: {  	[tilespmem:s19], [sflag:$0x1] =	stream.linear.gather [hbm4b:s8+s17], $0x80, $0x38;
	[tilespmem:$0x2F80] =	vst v63  }
0x20: {  	s20 =	simm.s32 $0x2980  }
0x21: {  	[tilespmem:s20], [sflag:$0x1] =	stream.linear.gather [hbm4b:s9+s17], $0x80, $0x38;
	[tilespmem:$0x2F80] =	vst v63  }
0x22: {  	s21 =	simm.s32 $0x2A80  }
0x23: {  	[tilespmem:s21], [sflag:$0x1] =	stream.linear.gather [hbm4b:s10+s17], $0x80, $0x38;
	[tilespmem:$0x2F80] =	vst v63  }
0x24: {  	s19 =	simm.s32 $0x2B80  }
0x25: {  	[tilespmem:s19], [sflag:$0x1] =	stream.linear.gather [hbm4b:s11+s17], $0x80, $0x38;
	[tilespmem:$0x2F80] =	vst v63  }
0x26: {  	s20 =	simm.s32 $0x2C80  }
0x27: {  	[tilespmem:s20], [sflag:$0x1] =	stream.linear.gather [hbm4b:s12+s17], $0x80, $0x38;
	[tilespmem:$0x2F80] =	vst v63  }
.Ltmp3:
0x28: {  	_ = 	snop;
	(pc) =	sbr.rel .LBB2_4-.Ltmp3, $4  }
0x29: {  	s21 =	simm.s32 $0x2D80  }
0x2a: {  	[tilespmem:s21], [sflag:$0x1] =	stream.linear.gather [hbm4b:s14+s17], $0x80, $0x38;
	[tilespmem:$0x2F80] =	vst v63  }
0x2b: {  	_ = 	snop  }
0x2c: {  	[tilespmem:s22], [sflag:$0x1] =	stream.linear.gather [hbm4b:s13+s17], $0x80, $0x38;
	[tilespmem:$0x2F80] =	vst v63  }
.LBB2_7:
0x2d: {  	_ =	sdelay $0x4  }
0x2e: {  	s18 =	sor.u32 s20, s21;
	[tilespmem:v5+s2+$0x0] =	vst.idx.msk vm1, v6  }
0x2f: {  	v5 =	vld [tilespmem:s18+$0x2780];
	_ =	sdelay $0x4  }
0x30: {  	(xrf1) =	vsort.ascd.msk.u32 $0xffff, v5, v5;
	_ =	sdelay $0xd  }
0x31: {  	v5, _, _ =	vpop (xrf1)  }
0x32: {  	v6 =	vperm.xlane v5, v1;
	_ =	sdelay $0x1  }
0x33: {  	vm1 =	veq.s32 v5, v6  }
0x34: {  	v6 =	vsel vm1, $0x80000000, v3  }
0x35: {  	(xrf0) =	vmax.scan.msk.u32 $0xffff, v6;
	_ =	sdelay $0x1  }
0x36: {  	v6 =	vperm.xlane v5, v2;
	_ =	sdelay $0x3  }
0x37: {  	v7 =	vld.idx.msk [tilespmem:v5+s2+$0x0], $0xffff;
	vm1 =	vne.s32 v5, v6;
	v6, _, _ =	vpop (xrf0)  }
0x38: {  	vm1 =	vmor vm1, vm0;
	v6 =	vxor.u32 $0x80000000, v6  }
0x39: {  	v6 =	vsub.s32 v4, v6  }
0x3a: {  	v6 =	vcvt.s32.f32 v6;
	_ =	sdelay $0x1  }
0x3b: {  	v6 =	vadd.f32 v6, v7;
	_ =	sdelay $0x1  }
0x3c: {  	[tilespmem:v5+s2+$0x0] =	vst.idx.msk vm1, v6  }
.LBB2_11:
0x3d: {  	s17 =	sadd.s32 $0x1, s17  }
0x3e: {  	p0 =	sne.s32 s17, $0xA  }
.Ltmp4:
0x3f: {  	_ = 	snop;
	(pc) =	sbr.rel @!p0 .LBB2_12-.Ltmp4, $1  }
0x40: {  	_ =	sdelay $0x3  }
.LBB2_4:
0x41: {  	s18 =	sand.u32 $0x1, s17  }
0x42: {  	p0 =	seq.s32 s18, $0x1  }
.Ltmp5:
0x43: {  	_ = 	snop;
	(pc) =	sbr.rel @!p0 .LBB2_5-.Ltmp5, $1  }
0x44: {  	_ =	sdelay $0x3  }
0x45: {  	p0 =	seq.s32 s17, $0x9  }
0x46: {  	s18 =	sshll.u32 @!p0 s17, $0xA  }
0x47: {  	_ =	swait.ge [sflag:s23], $0x400;
	s18 =	sadd.s32 @!p0 s18, s5  }
0x48: {  	[sflag:s23] =	ssyncset.done $0x0;
	s19 =	simm.s32 @!p0 $0x0;
	s18 =	sshrl.u32 @!p0 s18, $0x3  }
0x49: {  	s20 =	simm.s32 @!p0 $0x2780;
	[sflag:s23] =	ssyncadd.s32 $0xFFFFFC00;
	s18 =	sadd.s32 @!p0 s3, s18  }
0x4a: {  	[tilespmem:s20], [sflag:$0x1] =	stream.linear.gather @!p0 [hbm4b:s18+s19], $0x80, $0x38;
	[tilespmem:$0x2F80] =	vst v63  }
0x4b: {  	s21 =	simm.s32 @!p0 $0x2880;
	s20 =	sadd.s32 @!p0 $0x10, s18  }
0x4c: {  	[tilespmem:s21], [sflag:$0x1] =	stream.linear.gather @!p0 [hbm4b:s20+s19], $0x80, $0x38;
	[tilespmem:$0x2F80] =	vst v63  }
0x4d: {  	s20 =	sadd.s32 @!p0 $0x20, s18;
	s21 =	simm.s32 @!p0 $0x2980  }
0x4e: {  	[tilespmem:s21], [sflag:$0x1] =	stream.linear.gather @!p0 [hbm4b:s20+s19], $0x80, $0x38;
	[tilespmem:$0x2F80] =	vst v63  }
0x4f: {  	s20 =	sadd.s32 @!p0 $0x30, s18;
	s21 =	simm.s32 @!p0 $0x2A80  }
0x50: {  	[tilespmem:s21], [sflag:$0x1] =	stream.linear.gather @!p0 [hbm4b:s20+s19], $0x80, $0x38;
	[tilespmem:$0x2F80] =	vst v63  }
0x51: {  	s20 =	sadd.s32 @!p0 $0x40, s18;
	s21 =	simm.s32 @!p0 $0x2B80  }
0x52: {  	[tilespmem:s21], [sflag:$0x1] =	stream.linear.gather @!p0 [hbm4b:s20+s19], $0x80, $0x38;
	[tilespmem:$0x2F80] =	vst v63  }
0x53: {  	s20 =	sadd.s32 @!p0 $0x50, s18;
	s21 =	simm.s32 @!p0 $0x2C80  }
0x54: {  	[tilespmem:s21], [sflag:$0x1] =	stream.linear.gather @!p0 [hbm4b:s20+s19], $0x80, $0x38;
	[tilespmem:$0x2F80] =	vst v63  }
0x55: {  	s20 =	sadd.s32 @!p0 $0x60, s18;
	s21 =	simm.s32 @!p0 $0x2D80  }
0x56: {  	[tilespmem:s21], [sflag:$0x1] =	stream.linear.gather @!p0 [hbm4b:s20+s19], $0x80, $0x38;
	[tilespmem:$0x2F80] =	vst v63  }
0x57: {  	s18 =	sadd.s32 @!p0 $0x70, s18;
	s20 =	simm.s32 @!p0 $0x2E80  }
0x58: {  	[tilespmem:s20], [sflag:$0x1] =	stream.linear.gather @!p0 [hbm4b:s18+s19], $0x80, $0x38;
	[tilespmem:$0x2F80] =	vst v63  }
0x59: {  	s19 =	simm.s32 $0x0  }
0x5a: {  	s20 =	sand.u32 $0x70, s19;
	s18 =	sand.u32 $0x700, s19  }
0x5b: {  	s18 =	sor.u32 s20, s18  }
0x5c: {  	v5 =	vld [tilespmem:s18+$0x2800];
	_ =	sdelay $0x4  }
0x5d: {  	(xrf1) =	vsort.ascd.msk.u32 $0xffff, v5, v5;
	_ =	sdelay $0xd  }
0x5e: {  	v5, _, _ =	vpop (xrf1)  }
0x5f: {  	v6 =	vperm.xlane v5, v1;
	_ =	sdelay $0x1  }
0x60: {  	vm1 =	veq.s32 v5, v6  }
0x61: {  	v6 =	vsel vm1, $0x80000000, v3  }
0x62: {  	(xrf0) =	vmax.scan.msk.u32 $0xffff, v6;
	_ =	sdelay $0x3  }
0x63: {  	v8 =	vperm.xlane v5, v2;
	_ =	sdelay $0x1  }
0x64: {  	vm1 =	vne.s32 v5, v8;
	v6 =	vld.idx.msk [tilespmem:v5+s2+$0x0], $0xffff;
	v7, _, _ =	vpop (xrf0)  }
0x65: {  	vm1 =	vmor vm1, vm0;
	v7 =	vxor.u32 $0x80000000, v7  }
0x66: {  	v7 =	vsub.s32 v4, v7  }
0x67: {  	v7 =	vcvt.s32.f32 v7;
	_ =	sdelay $0x1  }
0x68: {  	s21 =	simm.s32 $0x10;
	s18 =	simm.s32 $0x20;
	v6 =	vadd.f32 v7, v6  }
0x69: {  	s19 =	simm.s32 $0x20;
	s20 =	sand.u32 $0x70, s21;
	s21 =	sand.u32 $0x700, s18  }
.LBB2_9:
0x6a: {  	p0 =	sne.s32 s19, $0x3F0;
	s20 =	sor.u32 s20, s21;
	[tilespmem:v5+s2+$0x0] =	vst.idx.msk vm1, v6  }
0x6b: {  	v5 =	vld [tilespmem:s20+$0x2800];
	_ =	sdelay $0x4  }
0x6c: {  	(xrf1) =	vsort.ascd.msk.u32 $0xffff, v5, v5;
	_ =	sdelay $0xd  }
0x6d: {  	v5, _, _ =	vpop (xrf1)  }
0x6e: {  	v6 =	vperm.xlane v5, v1;
	_ =	sdelay $0x1  }
0x6f: {  	vm1 =	veq.s32 v5, v6  }
0x70: {  	v6 =	vsel vm1, $0x80000000, v3  }
0x71: {  	(xrf0) =	vmax.scan.msk.u32 $0xffff, v6;
	_ =	sdelay $0x3  }
0x72: {  	v8 =	vperm.xlane v5, v2  }
0x73: {  	v7 =	vld.idx.msk [tilespmem:v5+s2+$0x0], $0xffff  }
0x74: {  	vm1 =	vne.s32 v5, v8;
	v6, _, _ =	vpop (xrf0)  }
0x75: {  	vm1 =	vmor vm1, vm0;
	v6 =	vxor.u32 $0x80000000, v6  }
.Ltmp6:
0x76: {  	v6 =	vsub.s32 v4, v6;
	(pc) =	sbr.rel @p0 .LBB2_9-.Ltmp6, $3  }
0x77: {  	v6 =	vcvt.s32.f32 v6;
	_ =	sdelay $0x1  }
0x78: {  	s18 =	sadd.s32 $0x20, s18;
	v6 =	vadd.f32 v6, v7  }
0x79: {  	s20 =	sand.u32 $0x70, s19;
	s21 =	sand.u32 $0x700, s18;
	s19 =	sadd.s32 $0x10, s19  }
0x7a: {  	_ =	sdelay $0x4  }
0x7b: {  	s18 =	sor.u32 s20, s21;
	[tilespmem:v5+s2+$0x0] =	vst.idx.msk vm1, v6  }
0x7c: {  	v5 =	vld [tilespmem:s18+$0x2800];
	_ =	sdelay $0x4  }
0x7d: {  	(xrf1) =	vsort.ascd.msk.u32 $0xffff, v5, v5;
	_ =	sdelay $0xd  }
0x7e: {  	v5, _, _ =	vpop (xrf1)  }
0x7f: {  	v6 =	vperm.xlane v5, v1;
	_ =	sdelay $0x1  }
0x80: {  	vm1 =	veq.s32 v5, v6  }
0x81: {  	v6 =	vsel vm1, $0x80000000, v3  }
0x82: {  	(xrf0) =	vmax.scan.msk.u32 $0xffff, v6;
	_ =	sdelay $0x1  }
0x83: {  	v6 =	vperm.xlane v5, v2;
	_ =	sdelay $0x3  }
0x84: {  	v7 =	vld.idx.msk [tilespmem:v5+s2+$0x0], $0xffff;
	vm1 =	vne.s32 v5, v6;
	v6, _, _ =	vpop (xrf0)  }
0x85: {  	vm1 =	vmor vm1, vm0;
	v6 =	vxor.u32 $0x80000000, v6  }
0x86: {  	v6 =	vsub.s32 v4, v6  }
.Ltmp7:
0x87: {  	v6 =	vcvt.s32.f32 v6;
	(pc) =	sbr.rel .LBB2_11-.Ltmp7, $3  }
0x88: {  	_ = 	snop  }
0x89: {  	v6 =	vadd.f32 v6, v7;
	_ =	sdelay $0x1  }
0x8a: {  	[tilespmem:v5+s2+$0x0] =	vst.idx.msk vm1, v6  }
.LBB2_5:
0x8b: {  	s18 =	sshll.u32 s17, $0xA  }
0x8c: {  	_ =	swait.ge [sflag:s25], $0x400;
	s18 =	sadd.s32 s18, s5  }
0x8d: {  	[sflag:s25] =	ssyncset.done $0x0;
	s18 =	sshrl.u32 s18, $0x3  }
0x8e: {  	s19 =	simm.s32 $0x0;
	[sflag:s25] =	ssyncadd.s32 $0xFFFFFC00;
	s18 =	sadd.s32 s3, s18  }
0x8f: {  	[tilespmem:s26], [sflag:$0x2] =	stream.linear.gather [hbm4b:s18+s19], $0x80, $0x38;
	[tilespmem:$0x2F80] =	vst v63  }
0x90: {  	s20 =	sadd.s32 $0x10, s18  }
0x91: {  	[tilespmem:s28], [sflag:$0x2] =	stream.linear.gather [hbm4b:s20+s19], $0x80, $0x38;
	[tilespmem:$0x2F80] =	vst v63  }
0x92: {  	s21 =	sadd.s32 $0x20, s18  }
0x93: {  	[tilespmem:s29], [sflag:$0x2] =	stream.linear.gather [hbm4b:s21+s19], $0x80, $0x38;
	[tilespmem:$0x2F80] =	vst v63  }
0x94: {  	s21 =	sadd.s32 $0x30, s18  }
0x95: {  	[tilespmem:s30], [sflag:$0x2] =	stream.linear.gather [hbm4b:s21+s19], $0x80, $0x38;
	[tilespmem:$0x2F80] =	vst v63  }
0x96: {  	s21 =	sadd.s32 $0x40, s18  }
0x97: {  	[tilespmem:s31], [sflag:$0x2] =	stream.linear.gather [hbm4b:s21+s19], $0x80, $0x38;
	[tilespmem:$0x2F80] =	vst v63  }
0x98: {  	s21 =	sadd.s32 $0x50, s18  }
0x99: {  	[tilespmem:s0], [sflag:$0x2] =	stream.linear.gather [hbm4b:s21+s19], $0x80, $0x38;
	[tilespmem:$0x2F80] =	vst v63  }
0x9a: {  	s21 =	sadd.s32 $0x60, s18  }
0x9b: {  	[tilespmem:s1], [sflag:$0x2] =	stream.linear.gather [hbm4b:s21+s19], $0x80, $0x38;
	[tilespmem:$0x2F80] =	vst v63  }
0x9c: {  	s18 =	sadd.s32 $0x70, s18  }
0x9d: {  	[tilespmem:s15], [sflag:$0x2] =	stream.linear.gather [hbm4b:s18+s19], $0x80, $0x38;
	[tilespmem:$0x2F80] =	vst v63  }
0x9e: {  	s20 =	sand.u32 $0x70, s19;
	s19 =	sand.u32 $0x700, s19  }
0x9f: {  	s18 =	sor.u32 s20, s19  }
0xa0: {  	v5 =	vld [tilespmem:s18+$0x2780];
	_ =	sdelay $0x4  }
0xa1: {  	(xrf1) =	vsort.ascd.msk.u32 $0xffff, v5, v5;
	_ =	sdelay $0xd  }
0xa2: {  	v5, _, _ =	vpop (xrf1)  }
0xa3: {  	v6 =	vperm.xlane v5, v1;
	_ =	sdelay $0x1  }
0xa4: {  	vm1 =	veq.s32 v5, v6  }
0xa5: {  	v6 =	vsel vm1, $0x80000000, v3  }
0xa6: {  	(xrf0) =	vmax.scan.msk.u32 $0xffff, v6;
	_ =	sdelay $0x3  }
0xa7: {  	v8 =	vperm.xlane v5, v2;
	_ =	sdelay $0x1  }
0xa8: {  	vm1 =	vne.s32 v5, v8;
	v6 =	vld.idx.msk [tilespmem:v5+s2+$0x0], $0xffff;
	v7, _, _ =	vpop (xrf0)  }
0xa9: {  	vm1 =	vmor vm1, vm0;
	v7 =	vxor.u32 $0x80000000, v7  }
0xaa: {  	v7 =	vsub.s32 v4, v7  }
0xab: {  	v7 =	vcvt.s32.f32 v7;
	_ =	sdelay $0x1  }
0xac: {  	s21 =	simm.s32 $0x10;
	s18 =	simm.s32 $0x20;
	v6 =	vadd.f32 v7, v6  }
0xad: {  	s20 =	sand.u32 $0x70, s21;
	s19 =	simm.s32 $0x20;
	s21 =	sand.u32 $0x700, s18  }
.LBB2_6:
0xae: {  	p0 =	seq.s32 s19, $0x3F0;
	s20 =	sor.u32 s20, s21;
	[tilespmem:v5+s2+$0x0] =	vst.idx.msk vm1, v6  }
0xaf: {  	v5 =	vld [tilespmem:s20+$0x2780];
	_ =	sdelay $0x4  }
0xb0: {  	(xrf1) =	vsort.ascd.msk.u32 $0xffff, v5, v5;
	_ =	sdelay $0xd  }
0xb1: {  	v5, _, _ =	vpop (xrf1)  }
0xb2: {  	v6 =	vperm.xlane v5, v1;
	_ =	sdelay $0x1  }
0xb3: {  	vm1 =	veq.s32 v5, v6  }
0xb4: {  	v6 =	vsel vm1, $0x80000000, v3  }
0xb5: {  	(xrf0) =	vmax.scan.msk.u32 $0xffff, v6;
	_ =	sdelay $0x3  }
0xb6: {  	v8 =	vperm.xlane v5, v2  }
0xb7: {  	v7 =	vld.idx.msk [tilespmem:v5+s2+$0x0], $0xffff  }
0xb8: {  	vm1 =	vne.s32 v5, v8;
	v6, _, _ =	vpop (xrf0)  }
0xb9: {  	vm1 =	vmor vm1, vm0;
	v6 =	vxor.u32 $0x80000000, v6  }
.Ltmp8:
0xba: {  	v6 =	vsub.s32 v4, v6;
	(pc) =	sbr.rel @!p0 .LBB2_6-.Ltmp8, $3  }
0xbb: {  	v6 =	vcvt.s32.f32 v6;
	_ =	sdelay $0x1  }
0xbc: {  	s18 =	sadd.s32 $0x20, s18;
	v6 =	vadd.f32 v6, v7  }
0xbd: {  	s20 =	sand.u32 $0x70, s19;
	s21 =	sand.u32 $0x700, s18;
	s19 =	sadd.s32 $0x10, s19  }
.Ltmp9:
0xbe: {  	_ = 	snop;
	(pc) =	sbr.rel .LBB2_7-.Ltmp9, $1  }
0xbf: {  	_ =	sdelay $0x3  }
.LBB2_13:
0xc0: {  	_ =	sfence.sel $0x180000  }
0xc1: {  	[bflag:$0x0] =	sbarrier.arrive $0xFFFF  }
0xc2: {  	_ =	strace $0x90000047  }
0xc3: {  	s0 =	stileid.u32;
	[bflag:$0x2] =	sbarrier.arrive $0xFFFF  }
0xc4: {  	p0 =	sne.s32 s0, $0x0;
	s0 =	rddreg [dreg:$0x1]  }
0xc5: {  	s0 =	sadd.s32 @!p0 $0x100000, s0  }
0xc6: {  	[sflag:s0] =	ssyncadd.tile.s32 @!p0 $0x1;
	_ =	shalt  }
.Lfunc_end2:
_tile_overlayer_lowered:
.L_overlay_start_2:
0xc7: {  	(tag) =	ssettag $0x2  }
0xc8: {  	s0 =	rddreg [dreg:$0x0];
	s2 =	stileid.u32  }
0xc9: {  	s1 =	rddreg [dreg:$0x1];
	p0 =	sne.s32 s2, $0x0  }
0xca: {  	s3 =	rddreg [dreg:$0x2];
	[bflag:$0x3] =	sbarrier.arrive $0xFFFF;
	s2 =	simm.s32 @!p0 $0x1C03  }
0xcb: {  	[timem:s3], [sflag:s2] =	dma.local @!p0 [hbm:s0], s1  }
0xcc: {  	s0 =	simm.s32 @!p0 $0x3  }
0xcd: {  	_ =	swait.ge @!p0 [sflag:s0], s1  }
0xce: {  	s1 =	ssub.s32 @!p0 $0x0, s1;
	[sflag:s0] =	ssyncset.done @!p0 $0x0  }
0xcf: {  	[sflag:s0] =	ssyncadd.s32 @!p0 s1  }
0xd0: {  	[bflag:$0x3] =	sbarrier.arrive $0xFFFF  }
0xd1: {  	_ =	shalt  }

// kernel: kernel.9.cloned.1.call-start
scs
__scs_entry_jumppad:
0x0: {  	(pc) =	sbr.rel $0x88, $3  }
0x1: {  	(tag) =	ssettag $0x0;
	lr =	simm.s32 $0x1  }
0x2: {  	[smem:$0x3F9D] =	sst lr;
	_ =	strace $0xD0000000  }
0x3: {  	_ = 	snop  }
0x4: {  	_ = 	snop  }
0x5: {  	_ = 	snop  }
0x6: {  	_ = 	snop  }
0x7: {  	_ = 	snop  }
__scs_overlays_trampoline_lowered:
0x8: {  	[smem:$0x3FAC] =	sst s0  }
0x9: {  	[smem:$0x3FAD] =	sst s1  }
0xa: {  	[smem:$0x3FAE] =	sst s2  }
0xb: {  	[smem:$0x3FAF] =	sst s3  }
0xc: {  	[smem:$0x3FB0] =	sst s4  }
0xd: {  	[smem:$0x3FB1] =	sst s5  }
0xe: {  	[smem:$0x3FB2] =	sst s6  }
0xf: {  	[smem:$0x3FB3] =	sst s7  }
0x10: {  	[smem:$0x3FB4] =	sst s8  }
0x11: {  	[smem:$0x3FB5] =	sst s9;
	s0 =	simm.s32 @!p0 $0x0  }
0x12: {  	s1 =	sld [smem:$0x3F9B];
	s0 =	simm.s32 @p0 $0x1  }
0x13: {  	[smem:$0x3FB6] =	sst s0;
	s0 =	simm.s32 @!p1 $0x0  }
0x14: {  	s2 =	sld [smem:$0x3F9A];
	s0 =	simm.s32 @p1 $0x1  }
0x15: {  	[smem:$0x3FB7] =	sst s0;
	s0 =	simm.s32 @!p2 $0x0  }
0x16: {  	s3 =	sld [smem:$0x3FDB];
	s0 =	simm.s32 @p2 $0x1  }
0x17: {  	s4 =	simm.s32 $0x1BF5;
	[smem:$0x3FB9] =	sst s0  }
0x18: {  	s0 =	sld [smem:$0x3F9C];
	_ =	swait.ge [sflag:s4], $0x0  }
0x19: {  	s7 =	sld [smem:$0x3F9D]  }
0x1a: {  	s8 =	sadd.s32 $0xFFFFE003, lr  }
0x1b: {  	s9 =	sadd.s32 $0xFFFFFEF7, lr;
	s5 =	simm.s32 $0xFFFFFFFF;
	p2 =	slt.u32 s8, $0xFFFFF086  }
0x1c: {  	p1 =	slt.u32 s9, $0xF7A;
	s5 =	simm.s32 @!p2 $0x0  }
0x1d: {  	s5 =	simm.s32 @p1 $0x1;
	p0 =	seq.s32 s7, s2  }
0x1e: {  	s7 =	smul.u32 @!p0 $0xF7A, s2;
	p2 =	seq.s32 @!p0 s5, $0x0  }
0x1f: {  	s9 =	smul.u32 $0xF7A, s1;
	s8 =	simm.s32 @!p0 $0x1BF5;
	p2 =	por !p2, p0  }
0x20: {  	[sflag:s8] =	ssyncset.s32 @!p0 $0xFFFFF086;
	s6 =	sadd.s32 @!p0 s3, s7;
	s7 =	simm.s32 @!p0 $0x108  }
0x21: {  	s3 =	sadd.s32 s3, s9;
	s6 =	sadd.s32 @!p0 $0x88, s6;
	s7 =	simm.s32 @p2 $0x1082  }
0x22: {  	[simem:s7], [sflag:s8] =	dma.local @!p0 [hbm:s6], $0xF7A  }
0x23: {  	s9 =	sor.u32 $0xD0000000, s2;
	s6 =	simm.s32 $0x108;
	_ =	swait.ge @!p0 [sflag:s8], $0x0  }
0x24: {  	s3 =	sadd.s32 $0x88, s3;
	s6 =	simm.s32 @!p1 $0x1082;
	[sflag:s4] =	ssyncset.s32 $0xFFFFF086  }
0x25: {  	[simem:s6], [sflag:s4] =	dma.local [hbm:s3], $0xF7A  }
0x26: {  	[smem:$0x3F9D] =	sst s1;
	(tag) =	ssettag s2;
	_ =	strace s9  }
0x27: {  	s1 =	sld [smem:$0x3FAD]  }
0x28: {  	s2 =	sld [smem:$0x3FAE]  }
0x29: {  	s4 =	sld [smem:$0x3FB0]  }
0x2a: {  	p0 =	seq.s32 s5, $0x0;
	s5 =	sld [smem:$0x3FB1]  }
0x2b: {  	s6 =	sld [smem:$0x3FB2]  }
0x2c: {  	s7 =	sld [smem:$0x3FB3]  }
0x2d: {  	s3 =	simm.s32 $0x108;
	s8 =	sld [smem:$0x3FB4]  }
0x2e: {  	s3 =	simm.s32 @!p0 $0x1082;
	s9 =	sld [smem:$0x3FB5]  }
0x2f: {  	lr =	sadd.s32 s0, s3;
	s0 =	sld [smem:$0x3FAC]  }
0x30: {  	s3 =	sld [smem:$0x3FAF]  }
0x31: {  	[smem:$0x3FB8] =	sst s10  }
0x32: {  	s10 =	sld [smem:$0x3FB6];
	_ =	sdelay $0x3  }
0x33: {  	p0 =	seq.s32 s10, $0x1;
	s10 =	sld [smem:$0x3FB8];
	_ =	sdelay $0x3  }
0x34: {  	[smem:$0x3FB8] =	sst s10  }
0x35: {  	s10 =	sld [smem:$0x3FB7];
	_ =	sdelay $0x3  }
0x36: {  	p1 =	seq.s32 s10, $0x1;
	s10 =	sld [smem:$0x3FB8];
	_ =	sdelay $0x3  }
0x37: {  	[smem:$0x3FB8] =	sst s10  }
0x38: {  	s10 =	sld [smem:$0x3FB9]  }
0x39: {  	_ = 	snop;
	(pc) =	sbr.ind lr, $3  }
0x3a: {  	_ = 	snop  }
0x3b: {  	_ = 	snop  }
0x3c: {  	p2 =	seq.s32 s10, $0x1;
	s10 =	sld [smem:$0x3FB8]  }
0x3d: {  	_ =	shalt  }
0x3e: {  	_ =	shalt  }
0x3f: {  	_ =	shalt  }
0x40: {  	_ =	shalt  }
0x41: {  	_ =	shalt  }
0x42: {  	_ =	shalt  }
0x43: {  	_ =	shalt  }
0x44: {  	_ =	shalt  }
0x45: {  	_ =	shalt  }
0x46: {  	_ =	shalt  }
0x47: {  	_ =	shalt  }
0x48: {  	_ =	shalt  }
0x49: {  	_ =	shalt  }
0x4a: {  	_ =	shalt  }
0x4b: {  	_ =	shalt  }
0x4c: {  	_ =	shalt  }
0x4d: {  	_ =	shalt  }
0x4e: {  	_ =	shalt  }
0x4f: {  	_ =	shalt  }
0x50: {  	_ =	shalt  }
0x51: {  	_ =	shalt  }
0x52: {  	_ =	shalt  }
0x53: {  	_ =	shalt  }
0x54: {  	_ =	shalt  }
0x55: {  	_ =	shalt  }
0x56: {  	_ =	shalt  }
0x57: {  	_ =	shalt  }
0x58: {  	_ =	shalt  }
0x59: {  	_ =	shalt  }
0x5a: {  	_ =	shalt  }
0x5b: {  	_ =	shalt  }
0x5c: {  	_ =	shalt  }
0x5d: {  	_ =	shalt  }
0x5e: {  	_ =	shalt  }
0x5f: {  	_ =	shalt  }
0x60: {  	_ =	shalt  }
0x61: {  	_ =	shalt  }
0x62: {  	_ =	shalt  }
0x63: {  	_ =	shalt  }
0x64: {  	_ =	shalt  }
0x65: {  	_ =	shalt  }
0x66: {  	_ =	shalt  }
0x67: {  	_ =	shalt  }
0x68: {  	_ =	shalt  }
0x69: {  	_ =	shalt  }
0x6a: {  	_ =	shalt  }
0x6b: {  	_ =	shalt  }
0x6c: {  	_ =	shalt  }
0x6d: {  	_ =	shalt  }
0x6e: {  	_ =	shalt  }
0x6f: {  	_ =	shalt  }
0x70: {  	_ =	shalt  }
0x71: {  	_ =	shalt  }
0x72: {  	_ =	shalt  }
0x73: {  	_ =	shalt  }
0x74: {  	_ =	shalt  }
0x75: {  	_ =	shalt  }
0x76: {  	_ =	shalt  }
0x77: {  	_ =	shalt  }
0x78: {  	_ =	shalt  }
0x79: {  	_ =	shalt  }
0x7a: {  	_ =	shalt  }
0x7b: {  	_ =	shalt  }
0x7c: {  	_ =	shalt  }
0x7d: {  	_ =	shalt  }
0x7e: {  	_ =	shalt  }
0x7f: {  	_ =	shalt  }
0x80: {  	_ =	shalt  }
0x81: {  	_ =	shalt  }
0x82: {  	_ =	shalt  }
0x83: {  	_ =	shalt  }
0x84: {  	_ =	shalt  }
0x85: {  	_ =	shalt  }
0x86: {  	_ =	shalt  }
0x87: {  	_ =	shalt  }
.Lfunc_end0:
.L_simem_size_0:
called_computation.1_lowered:
.L_overlay_start_0:
0x88: {  	s2 =	sld [smem:$0x3FD9]  }
0x89: {  	s3 =	sld [smem:$0x3FFE];
	_ =	sdelay $0x1  }
0x8a: {  	s1 =	srdreg.scid  }
0x8b: {  	s0 =	sand.u32 $0x1, s1  }
0x8c: {  	s17 =	sshll.u32 s0, $0xA;
	s2 =	sadd.s32 s3, s2  }
0x8d: {  	s2 =	sadd.s32 s2, s17  }
0x8e: {  	[smem:$0x3FC4] =	sst s2  }
0x8f: {  	_ = 	snop  }
0x90: {  	s2 =	sld [smem:$0x3FD0];
	(tm) =	ssettm $0x1  }
0x91: {  	s18 =	sld [smem:$0x3FFB];
	_ =	sdelay $0x3  }
0x92: {  	_ =	strace s18  }
0x93: {  	s3 =	sld [smem:$0x3FFC];
	_ =	sdelay $0x3  }
0x94: {  	_ =	strace s3  }
0x95: {  	s3 =	sld [smem:$0x3FFD];
	_ =	sdelay $0x3  }
0x96: {  	_ =	strace s3  }
0x97: {  	_ =	strace $0x8FFFFFFF  }
0x98: {  	s19 =	sld [smem:$0x3FDB];
	_ =	sdelay $0x1  }
0x99: {  	s4 =	simm.s32 $_scs_section_size  }
0x9a: {  	s5 =	simm.s32 $_size__tile_overlayer_lowered;
	s6 =	simm.s32 $_tile_overlayer_lowered  }
0x9b: {  	s22 =	simm.s32 $0x1BFF;
	s21 =	sshll.u32 s6, $0x1;
	s3 =	sadd.s32 s4, s19  }
0x9c: {  	s7 =	simm.s32 $0x0;
	s20 =	sshll.u32 s5, $0x1;
	s5 =	sadd.s32 s21, s3  }
0x9d: {  	[timem:s7], [sflag:s22] =	dma.local [hbm:s5], s20  }
0x9e: {  	_ =	swait.ge [sflag:s22], s20  }
0x9f: {  	s4 =	ssub.s32 $0x0, s20;
	[sflag:s22] =	ssyncset.done $0x0  }
0xa0: {  	[sflag:s22] =	ssyncadd.s32 s4;
	_ =	sdelay $0x1  }
0xa1: {  	s23 =	simm.s32 $0x1B8B  }
0xa2: {  	_ =	swait.ge [sflag:s23], $0x1  }
0xa3: {  	[sflag:s23] =	ssyncset.done $0x0  }
0xa4: {  	s25 =	simm.s32 $0x1B8E;
	s24 =	sld [smem:$0x3FFE];
	[sflag:s23] =	ssyncadd.s32 $0xFFFFFFFF  }
0xa5: {  	s26 =	simm.s32 $execute0_lowered;
	[smem:$0x3FD2] =	sst s25  }
0xa6: {  	s5 =	sshll.u32 s26, $0x1;
	_ =	strace $0x80000049;
	[dreg:$0x1] =	wrdreg $0xFFFFFFFF  }
0xa7: {  	s28 =	simm.s32 $_size_execute0_lowered;
	s3 =	sadd.s32 s3, s5;
	[dreg:$0x0] =	wrdreg $0x0  }
0xa8: {  	s5 =	sshll.u32 s28, $0x1;
	[dreg:$0x2] =	wrdreg s3  }
0xa9: {  	[dreg:$0x3] =	wrdreg s5  }
0xaa: {  	[dreg:$0x4] =	wrdreg $0xC0  }
0xab: {  	_ =	task [dreg:s7], $0x5FFFF  }
0xac: {  	[dreg:$0x1] =	wrdreg $0xFFFFFFFF  }
0xad: {  	[dreg:$0x0] =	wrdreg $0x60  }
0xae: {  	[dreg:$0x2] =	wrdreg s24  }
0xaf: {  	[dreg:$0x3] =	wrdreg s2  }
0xb0: {  	[dreg:$0x4] =	wrdreg $0x0  }
0xb1: {  	[dreg:$0x5] =	wrdreg $0x9  }
0xb2: {  	_ =	task.clear_ibuf [dreg:s7], $0x6FFFF;
	_ =	strace $0x90000049  }
0xb3: {  	s29 =	simm.s32 $0x9;
	_ =	strace $0x8000004B  }
0xb4: {  	_ =	swait.ge [sflag:s29], $0x1  }
0xb5: {  	[sflag:s29] =	ssyncadd.s32 $0xFFFFFFFF  }
0xb6: {  	_ =	strace $0x9000004B  }
0xb7: {  	_ =	sfence  }
0xb8: {  	s30 =	sld [smem:$0x0];
	_ =	sdelay $0x2  }
0xb9: {  	s31 =	sshll.u32 s1, $0xD;
	s1 =	sshrl.u32 s1, $0x2  }
0xba: {  	s3 =	sand.u32 $0x4000, s31;
	s1 =	sadd.s32 s1, s30  }
0xbb: {  	s0 =	sor.u32 s3, s0;
	s1 =	sshll.u32 s1, $0x11  }
0xbc: {  	s0 =	sor.u32 s1, s0  }
0xbd: {  	s0 =	sadd.s32 $0x8F2B, s0  }
0xbe: {  	[sflag:s0] =	ssyncadd.remote.s32 $0x1  }
0xbf: {  	_ =	sfence.sel $0xFFFF  }
0xc0: {  	[dreg:$0x0] =	wrdreg $0xFFFFFFFF;
	(pc) =	sbr.abs _section_cstart, $3  }
0xc1: {  	[dreg:$0x1] =	wrdreg $0xFFFFFFFF  }
0xc2: {  	_ =	task.clear_ibuf [dreg:s7], $0x2FFFF;
	_ =	strace $0x9FFFFFFF  }
0xc3: {  	(tm) =	ssettm $0x7FFFFFFF  }
tec
execute0_lowered:
.L_overlay_start_1:
0x0: {  	(tag) =	ssettag $0x1  }
0x1: {  	s0 =	rddreg [dreg:$0x0]  }
0x2: {  	s2 =	rddreg [dreg:$0x1];
	s1 =	srdreg.scid  }
0x3: {  	s3 =	rddreg [dreg:$0x2];
	s11 =	stileid.u32  }
0x4: {  	s5 =	simm.s32 $0x0;
	s28 =	simm.s32 $0x1;
	s29 =	simm.s32 $0x3  }
0x5: {  	s30 =	simm.s32 $0x12;
	s31 =	simm.s32 $0x11;
	s6 =	smul.u32 $0x13C00, s11  }
0x6: {  	s1 =	sand.u32 $0x1, s1;
	[smem:$0x7FF] =	sst s5;
	s7 =	smul.u32 $0x4F000, s11  }
0x7: {  	s5 =	sadd.s32 $0x29400, s0;
	s4 =	smul.u32 $0x13C000, s1;
	_ =	strace $0x8000004A  }
0x8: {  	s17 =	ssub.s32 $0x2, s1;
	s8 =	sshll.u32 s1, $0x4;
	s7 =	sshrl.u32 s7, $0x2  }
0x9: {  	s9 =	sshrl.u32 s17, $0x1;
	s8 =	sor.u32 s11, s8;
	s13 =	sadd.s32 s7, s3  }
0xa: {  	s4 =	sadd.s32 s6, s4;
	s19 =	sadd.s32 $0x2000, s13;
	[dreg:$0x4] =	wrdreg s13  }
0xb: {  	s18 =	smul.u32 $0xA00, s8;
	s20 =	sadd.s32 $0x4000, s13;
	[dreg:$0x5] =	wrdreg s19  }
0xc: {  	s6 =	sadd.s32 $0x15400, s0;
	s21 =	sadd.s32 $0x6000, s13;
	[dreg:$0x6] =	wrdreg s20  }
0xd: {  	s4 =	sshrl.u32 s4, $0x3;
	[dreg:$0x7] =	wrdreg s21;
	s22 =	sadd.s32 s2, s18  }
0xe: {  	s0 =	sadd.s32 s4, s0;
	s10 =	sadd.s32 s6, s18;
	[dreg:$0x8] =	wrdreg s22  }
0xf: {  	s23 =	sor.u32 $0x10, s18;
	s21 =	sadd.s32 $0x8000, s13;
	[dreg:$0x9] =	wrdreg s10  }
0x10: {  	s4 =	ssub.s32 s17, s9;
	s24 =	sadd.s32 s2, s23;
	[dreg:$0x16] =	wrdreg s21  }
0x11: {  	s25 =	sor.u32 $0x20, s18;
	s9 =	sadd.s32 s6, s23;
	[dreg:$0xa] =	wrdreg s24  }
0x12: {  	s1 =	smul.u32 $0xA000, s1;
	s26 =	sadd.s32 s2, s25;
	[dreg:$0xb] =	wrdreg s9  }
0x13: {  	s12 =	sor.u32 $0x30, s18;
	s10 =	sadd.s32 s6, s25;
	[dreg:$0xc] =	wrdreg s26  }
0x14: {  	s7 =	sor.u32 $0x40, s18;
	s15 =	sadd.s32 s2, s12;
	[dreg:$0xd] =	wrdreg s10  }
0x15: {  	s14 =	smul.u32 $0xA00, s11;
	s17 =	sadd.s32 s2, s7;
	[dreg:$0xe] =	wrdreg s15  }
0x16: {  	s16 =	sadd.s32 s1, s6;
	s7 =	sadd.s32 s6, s7;
	[dreg:$0x10] =	wrdreg s17  }
0x17: {  	s1 =	sadd.s32 s1, s2;
	s0 =	sadd.s32 $0x50C00, s0;
	[dreg:$0x11] =	wrdreg s7  }
0x18: {  	s1 =	sadd.s32 s14, s1;
	s18 =	smax.u32 s4, $0x1;
	[dreg:$0x12] =	wrdreg s0  }
0x19: {  	s8 =	smul.u32 $0xA0, s8;
	s20 =	sadd.s32 $0x50, s1;
	[dreg:$0x13] =	wrdreg s18  }
0x1a: {  	s22 =	sadd.s32 $0xA000, s13;
	s23 =	sadd.s32 $0xC000, s13;
	[dreg:$0x15] =	wrdreg s20  }
0x1b: {  	s25 =	sadd.s32 $0x10000, s13;
	s1 =	simm.s32 $0x14400;
	[dreg:$0x17] =	wrdreg s22  }
0x1c: {  	s4 =	simm.s32 $0x0;
	s9 =	sadd.s32 s6, s12;
	[dreg:$0x18] =	wrdreg s23  }
0x1d: {  	s24 =	sadd.s32 $0xE000, s13;
	[dreg:$0x1a] =	wrdreg s25;
	s26 =	sadd.s32 $0x12000, s13  }
.Ltmp0:
0x1e: {  	s12 =	simm.s32 $0x40;
	[dreg:$0xf] =	wrdreg s9;
	(pc) =	sbr.rel .LBB2_1-.Ltmp0, $4  }
0x1f: {  	s10 =	simm.s32 $0x4;
	s25 =	simm.s32 $0x5;
	[dreg:$0x19] =	wrdreg s24  }
0x20: {  	s22 =	simm.s32 $0x13;
	s9 =	sadd.s32 s14, s16;
	[dreg:$0x1b] =	wrdreg s26  }
0x21: {  	s26 =	simm.s32 $0x1C400;
	s24 =	simm.s32 $0x2;
	s19 =	sadd.s32 $0x50, s9  }
0x22: {  	v0 =	vimm.f32 $0.0e+00;
	s9 =	simm.s32 $0x15;
	[dreg:$0x14] =	wrdreg s19;
	s19 =	simm.s32 $0x14  }
.LBB2_13:
0x23: {  	s0 =	simm.s32 $0x6  }
0x24: {  	_ =	swait.ge [sflag:s0], $0x2000  }
0x25: {  	[sflag:s0] =	ssyncset.done $0x0  }
0x26: {  	s15 =	simm.s32 $0x7;
	[sflag:s0] =	ssyncadd.s32 $0xFFFFE000  }
0x27: {  	_ =	swait.ge [sflag:s15], $0x2000  }
0x28: {  	[sflag:s15] =	ssyncset.done $0x0  }
0x29: {  	s16 =	simm.s32 $0x8;
	[sflag:s15] =	ssyncadd.s32 $0xFFFFE000  }
0x2a: {  	_ =	swait.ge [sflag:s16], $0x2000  }
0x2b: {  	[sflag:s16] =	ssyncset.done $0x0  }
0x2c: {  	s17 =	simm.s32 $0x9;
	[sflag:s16] =	ssyncadd.s32 $0xFFFFE000  }
0x2d: {  	_ =	swait.ge [sflag:s17], $0x2000  }
0x2e: {  	[sflag:s17] =	ssyncset.done $0x0  }
0x2f: {  	s18 =	simm.s32 $0xA;
	[sflag:s17] =	ssyncadd.s32 $0xFFFFE000  }
0x30: {  	_ =	swait.ge [sflag:s18], $0x2000  }
0x31: {  	[sflag:s18] =	ssyncset.done $0x0  }
0x32: {  	[sflag:s18] =	ssyncadd.s32 $0xFFFFE000  }
0x33: {  	s20 =	stileid.u32;
	[bflag:$0x0] =	sbarrier.arrive $0xFFFF  }
0x34: {  	s0 =	sshll.u32 s20, $0x6;
	s13 =	rddreg [dreg:$0x4]  }
0x35: {  	s0 =	sor.u32 $0x1C15, s0;
	s7 =	rddreg [dreg:$0x12];
	s4 =	sshrl.u32 s13, $0x3  }
0x36: {  	[hbm:s7], [sflag:s0] =	dma.local [spmem:s4], $0x2780  }
0x37: {  	_ =	swait.ge [sflag:s9], $0x2780  }
0x38: {  	s21 =	rddreg [dreg:$0x1c]  }
0x39: {  	s23 =	rddreg [dreg:$0x13];
	s4 =	sadd.s32 $0x1, s21  }
0x3a: {  	p0 =	sne.s32 s4, s23  }
.Ltmp1:
0x3b: {  	_ = 	snop;
	(pc) =	sbr.rel @!p0 .LBB2_14-.Ltmp1, $3  }
0x3c: {  	_ =	sdelay $0x1  }
0x3d: {  	[sflag:s9] =	ssyncset.done $0x0  }
0x3e: {  	[sflag:s9] =	ssyncadd.s32 $0xFFFFD880  }
.LBB2_1:
0x3f: {  	[dreg:$0x1c] =	wrdreg s4;
	s0 =	simm.s32 $0x0;
	s4 =	simm.s32 $0x200  }
.LBB2_2:
0x40: {  	p0 =	sne.s32 s4, $0x7E00;
	[tilespmem:s0+$0x14470] =	vst v0  }
0x41: {  	[tilespmem:s0+$0x14400] =	vst v0  }
0x42: {  	[tilespmem:s0+$0x14410] =	vst v0  }
.Ltmp2:
0x43: {  	[tilespmem:s0+$0x14420] =	vst v0;
	(pc) =	sbr.rel @p0 .LBB2_2-.Ltmp2, $4  }
0x44: {  	[tilespmem:s0+$0x14430] =	vst v0  }
0x45: {  	[tilespmem:s0+$0x14440] =	vst v0  }
0x46: {  	[tilespmem:s0+$0x14450] =	vst v0  }
0x47: {  	[tilespmem:s0+$0x14460] =	vst v0;
	s0 =	sshra.s32 s4, $0x2;
	s4 =	sadd.s32 $0x200, s4  }
0x48: {  	[tilespmem:s0+$0x14470] =	vst v0  }
0x49: {  	[tilespmem:s0+$0x14400] =	vst v0  }
0x4a: {  	[tilespmem:s0+$0x14410] =	vst v0  }
0x4b: {  	[tilespmem:s0+$0x14420] =	vst v0  }
0x4c: {  	[tilespmem:s0+$0x14430] =	vst v0  }
0x4d: {  	[tilespmem:s0+$0x14440] =	vst v0  }
0x4e: {  	[tilespmem:s0+$0x14450] =	vst v0  }
0x4f: {  	[tilespmem:s0+$0x14460] =	vst v0  }
0x50: {  	[spmem:s13] =	stream.linear.scatter [tilespmem:s1], [sflag:$0x15], $0x2000, $0x38;
	[tilespmem:$0x1E400] =	vst v63  }
0x51: {  	_ =	swait.ge [sflag:s9], $0x2000  }
0x52: {  	[sflag:s9] =	ssyncset.done $0x0  }
0x53: {  	s11 =	rddreg [dreg:$0x5];
	[sflag:s9] =	ssyncadd.s32 $0xFFFFE000  }
0x54: {  	[spmem:s11] =	stream.linear.scatter [tilespmem:s1], [sflag:$0x15], $0x2000, $0x38;
	[tilespmem:$0x1E400] =	vst v63  }
0x55: {  	_ =	swait.ge [sflag:s9], $0x2000  }
0x56: {  	[sflag:s9] =	ssyncset.done $0x0  }
0x57: {  	s13 =	rddreg [dreg:$0x6];
	[sflag:s9] =	ssyncadd.s32 $0xFFFFE000  }
0x58: {  	[spmem:s13] =	stream.linear.scatter [tilespmem:s1], [sflag:$0x15], $0x2000, $0x38;
	[tilespmem:$0x1E400] =	vst v63  }
0x59: {  	_ =	swait.ge [sflag:s9], $0x2000  }
0x5a: {  	[sflag:s9] =	ssyncset.done $0x0  }
0x5b: {  	s14 =	rddreg [dreg:$0x7];
	[sflag:s9] =	ssyncadd.s32 $0xFFFFE000  }
0x5c: {  	[spmem:s14] =	stream.linear.scatter [tilespmem:s1], [sflag:$0x15], $0x2000, $0x38;
	[tilespmem:$0x1E400] =	vst v63  }
0x5d: {  	_ =	swait.ge [sflag:s9], $0x2000  }
0x5e: {  	[sflag:s9] =	ssyncset.done $0x0  }
0x5f: {  	s15 =	rddreg [dreg:$0x16];
	[sflag:s9] =	ssyncadd.s32 $0xFFFFE000  }
0x60: {  	[spmem:s15] =	stream.linear.scatter [tilespmem:s1], [sflag:$0x15], $0x2000, $0x38;
	[tilespmem:$0x1E400] =	vst v63  }
0x61: {  	_ =	swait.ge [sflag:s9], $0x2000  }
0x62: {  	[sflag:s9] =	ssyncset.done $0x0  }
0x63: {  	s16 =	rddreg [dreg:$0x17];
	[sflag:s9] =	ssyncadd.s32 $0xFFFFE000  }
0x64: {  	[spmem:s16] =	stream.linear.scatter [tilespmem:s1], [sflag:$0x15], $0x2000, $0x38;
	[tilespmem:$0x1E400] =	vst v63  }
0x65: {  	_ =	swait.ge [sflag:s9], $0x2000  }
0x66: {  	[sflag:s9] =	ssyncset.done $0x0  }
0x67: {  	s17 =	rddreg [dreg:$0x18];
	[sflag:s9] =	ssyncadd.s32 $0xFFFFE000  }
0x68: {  	[spmem:s17] =	stream.linear.scatter [tilespmem:s1], [sflag:$0x15], $0x2000, $0x38;
	[tilespmem:$0x1E400] =	vst v63  }
0x69: {  	_ =	swait.ge [sflag:s9], $0x2000  }
0x6a: {  	[sflag:s9] =	ssyncset.done $0x0  }
0x6b: {  	s18 =	rddreg [dreg:$0x19];
	[sflag:s9] =	ssyncadd.s32 $0xFFFFE000  }
0x6c: {  	[spmem:s18] =	stream.linear.scatter [tilespmem:s1], [sflag:$0x15], $0x2000, $0x38;
	[tilespmem:$0x1E400] =	vst v63  }
0x6d: {  	_ =	swait.ge [sflag:s9], $0x2000  }
0x6e: {  	[sflag:s9] =	ssyncset.done $0x0  }
0x6f: {  	s20 =	rddreg [dreg:$0x1a];
	[sflag:s9] =	ssyncadd.s32 $0xFFFFE000  }
0x70: {  	[spmem:s20] =	stream.linear.scatter [tilespmem:s1], [sflag:$0x15], $0x2000, $0x38;
	[tilespmem:$0x1E400] =	vst v63  }
0x71: {  	_ =	swait.ge [sflag:s9], $0x2000  }
0x72: {  	[sflag:s9] =	ssyncset.done $0x0  }
0x73: {  	s21 =	rddreg [dreg:$0x1b];
	[sflag:s9] =	ssyncadd.s32 $0xFFFFE000  }
0x74: {  	[spmem:s21] =	stream.linear.scatter [tilespmem:s1], [sflag:$0x15], $0x1C00, $0x38;
	[tilespmem:$0x1E400] =	vst v63  }
0x75: {  	_ =	swait.ge [sflag:s9], $0x1C00  }
0x76: {  	[sflag:s9] =	ssyncset.done $0x0  }
0x77: {  	[sflag:s9] =	ssyncadd.s32 $0xFFFFE400  }
0x78: {  	[bflag:$0x0] =	sbarrier.arrive $0xFFFF  }
0x79: {  	s0 =	simm.s32 $0x0;
	s7 =	simm.s32 $0x13C00;
	s4 =	rddreg [dreg:$0x8]  }
0x7a: {  	[tilespmem:s7], [sflag:$0x15] =	stream.linear.gather [hbm4b:s4+s0], $0x80, $0x38;
	[tilespmem:$0x1E400] =	vst v63  }
0x7b: {  	_ =	swait.ge [sflag:s9], $0x80  }
0x7c: {  	[sflag:s9] =	ssyncset.done $0x0  }
0x7d: {  	s11 =	simm.s32 $0x14000;
	s23 =	rddreg [dreg:$0x9];
	[sflag:s9] =	ssyncadd.s32 $0xFFFFFF80  }
0x7e: {  	[tilespmem:s11], [sflag:$0x15] =	stream.linear.gather [hbm4b:s23+s0], $0x80, $0x38;
	[tilespmem:$0x1E400] =	vst v63  }
0x7f: {  	_ =	swait.ge [sflag:s9], $0x80  }
0x80: {  	[sflag:s9] =	ssyncset.done $0x0  }
0x81: {  	[sflag:s9] =	ssyncadd.s32 $0xFFFFFF80  }
0x82: {  	[tilespmem:s1], [sflag:$0x1] =	stream.indirect.gather [hbm4b:s5+s12], $0x80, s7, s12, $0xb8;
	[tilespmem:$0x1E400] =	vst v63  }
0x83: {  	s14 =	simm.s32 $0x13C80;
	s13 =	rddreg [dreg:$0xa]  }
0x84: {  	[tilespmem:s14], [sflag:$0x15] =	stream.linear.gather [hbm4b:s13+s0], $0x80, $0x38;
	[tilespmem:$0x1E400] =	vst v63  }
0x85: {  	_ =	swait.ge [sflag:s9], $0x80  }
0x86: {  	[sflag:s9] =	ssyncset.done $0x0  }
0x87: {  	s16 =	simm.s32 $0x14080;
	s15 =	rddreg [dreg:$0xb];
	[sflag:s9] =	ssyncadd.s32 $0xFFFFFF80  }
0x88: {  	[tilespmem:s16], [sflag:$0x15] =	stream.linear.gather [hbm4b:s15+s0], $0x80, $0x38;
	[tilespmem:$0x1E400] =	vst v63  }
0x89: {  	_ =	swait.ge [sflag:s9], $0x80  }
0x8a: {  	[sflag:s9] =	ssyncset.done $0x0  }
0x8b: {  	s17 =	simm.s32 $0x16400;
	[sflag:s9] =	ssyncadd.s32 $0xFFFFFF80  }
0x8c: {  	[tilespmem:s17], [sflag:$0x2] =	stream.indirect.gather [hbm4b:s5+s12], $0x80, s14, s12, $0xb8;
	[tilespmem:$0x1E400] =	vst v63  }
0x8d: {  	s20 =	simm.s32 $0x13D00;
	s18 =	rddreg [dreg:$0xc]  }
0x8e: {  	[tilespmem:s20], [sflag:$0x15] =	stream.linear.gather [hbm4b:s18+s0], $0x80, $0x38;
	[tilespmem:$0x1E400] =	vst v63  }
0x8f: {  	_ =	swait.ge [sflag:s9], $0x80  }
0x90: {  	[sflag:s9] =	ssyncset.done $0x0  }
0x91: {  	s23 =	simm.s32 $0x14100;
	s21 =	rddreg [dreg:$0xd];
	[sflag:s9] =	ssyncadd.s32 $0xFFFFFF80  }
0x92: {  	[tilespmem:s23], [sflag:$0x15] =	stream.linear.gather [hbm4b:s21+s0], $0x80, $0x38;
	[tilespmem:$0x1E400] =	vst v63  }
0x93: {  	_ =	swait.ge [sflag:s9], $0x80  }
0x94: {  	[sflag:s9] =	ssyncset.done $0x0  }
0x95: {  	s11 =	simm.s32 $0x18400;
	[sflag:s9] =	ssyncadd.s32 $0xFFFFFF80  }
0x96: {  	[tilespmem:s11], [sflag:$0x3] =	stream.indirect.gather [hbm4b:s5+s12], $0x80, s20, s12, $0xb8;
	[tilespmem:$0x1E400] =	vst v63  }
0x97: {  	s14 =	simm.s32 $0x13D80;
	s13 =	rddreg [dreg:$0xe]  }
0x98: {  	[tilespmem:s14], [sflag:$0x15] =	stream.linear.gather [hbm4b:s13+s0], $0x80, $0x38;
	[tilespmem:$0x1E400] =	vst v63  }
0x99: {  	_ =	swait.ge [sflag:s9], $0x80  }
0x9a: {  	[sflag:s9] =	ssyncset.done $0x0  }
0x9b: {  	s16 =	simm.s32 $0x14180;
	s15 =	rddreg [dreg:$0xf];
	[sflag:s9] =	ssyncadd.s32 $0xFFFFFF80  }
0x9c: {  	[tilespmem:s16], [sflag:$0x15] =	stream.linear.gather [hbm4b:s15+s0], $0x80, $0x38;
	[tilespmem:$0x1E400] =	vst v63  }
0x9d: {  	_ =	swait.ge [sflag:s9], $0x80  }
0x9e: {  	[sflag:s9] =	ssyncset.done $0x0  }
0x9f: {  	s17 =	simm.s32 $0x1A400;
	[sflag:s9] =	ssyncadd.s32 $0xFFFFFF80  }
0xa0: {  	[tilespmem:s17], [sflag:$0x4] =	stream.indirect.gather [hbm4b:s5+s12], $0x80, s14, s12, $0xb8;
	[tilespmem:$0x1E400] =	vst v63  }
0xa1: {  	s20 =	simm.s32 $0x13E00;
	s18 =	rddreg [dreg:$0x10]  }
0xa2: {  	[tilespmem:s20], [sflag:$0x15] =	stream.linear.gather [hbm4b:s18+s0], $0x80, $0x38;
	[tilespmem:$0x1E400] =	vst v63  }
0xa3: {  	_ =	swait.ge [sflag:s9], $0x80  }
0xa4: {  	[sflag:s9] =	ssyncset.done $0x0  }
0xa5: {  	s23 =	simm.s32 $0x14200;
	s21 =	rddreg [dreg:$0x11];
	[sflag:s9] =	ssyncadd.s32 $0xFFFFFF80  }
0xa6: {  	[tilespmem:s23], [sflag:$0x15] =	stream.linear.gather [hbm4b:s21+s0], $0x80, $0x38;
	[tilespmem:$0x1E400] =	vst v63  }
.Ltmp3:
0xa7: {  	_ = 	snop;
	(pc) =	sbr.rel .LBB2_4-.Ltmp3, $4  }
0xa8: {  	_ =	swait.ge [sflag:s9], $0x80  }
0xa9: {  	[sflag:s9] =	ssyncset.done $0x0;
	s16 =	rddreg [dreg:$0x15]  }
0xaa: {  	s13 =	simm.s32 $0x4;
	s7 =	rddreg [dreg:$0x14];
	[sflag:s9] =	ssyncadd.s32 $0xFFFFFF80  }
0xab: {  	[tilespmem:s26], [sflag:$0x5] =	stream.indirect.gather [hbm4b:s5+s12], $0x80, s20, s12, $0xb8;
	[tilespmem:$0x1E400] =	vst v63  }
.LBB2_12:
0xac: {  	_ =	swait.ge [sflag:s25], $0x2000;
	s15 =	sadd.s32 @!p0 s8, s15  }
0xad: {  	[sflag:s25] =	ssyncset.done $0x0;
	s15 =	sshll.u32 @!p0 s15, $0x4  }
0xae: {  	s17 =	simm.s32 $0x14200;
	[sflag:s25] =	ssyncadd.s32 $0xFFFFE000;
	s15 =	sadd.s32 @!p0 $0x50, s15  }
0xaf: {  	[spmem:s3] =	stream.indirect.scatter.add.f32 [tilespmem:s26], [sflag:$0xA], $0x80, s17, s12, $0xb8;
	[tilespmem:$0x1E400] =	vst v63  }
0xb0: {  	s17 =	sand.u32 @!p0 $0xFFFFFF0, s15  }
0xb1: {  	s18 =	simm.s32 @!p0 $0x0;
	s15 =	simm.s32 @!p0 $0x13E00;
	s20 =	sadd.s32 @!p0 s2, s17  }
0xb2: {  	[tilespmem:s15], [sflag:$0xF] =	stream.linear.gather @!p0 [hbm4b:s20+s18], $0x80, $0x38;
	[tilespmem:$0x1E400] =	vst v63  }
0xb3: {  	s20 =	simm.s32 @!p0 $0x6  }
0xb4: {  	_ =	swait.ge @!p0 [sflag:s20], $0x2000  }
0xb5: {  	[sflag:s20] =	ssyncset.done @!p0 $0x0  }
0xb6: {  	[sflag:s20] =	ssyncadd.s32 @!p0 $0xFFFFE000;
	s20 =	simm.s32 @!p0 $0x14000  }
0xb7: {  	[tilespmem:s20], [sflag:$0x10] =	stream.linear.gather @!p0 [hbm4b:s7+s18], $0x80, $0x38;
	[tilespmem:$0x1E400] =	vst v63  }
0xb8: {  	s20 =	simm.s32 @!p0 $0xB  }
0xb9: {  	_ =	swait.ge @!p0 [sflag:s20], $0x80  }
0xba: {  	s21 =	simm.s32 @!p0 $0x13C00;
	[sflag:s20] =	ssyncset.done @!p0 $0x0  }
0xbb: {  	s23 =	simm.s32 @!p0 $0x14400;
	[sflag:s20] =	ssyncadd.s32 @!p0 $0xFFFFFF80;
	s20 =	simm.s32 @!p0 $0x40  }
0xbc: {  	[tilespmem:s23], [sflag:$0x1] =	stream.indirect.gather @!p0 [hbm4b:s5+s20], $0x80, s21, s20, $0xb8;
	[tilespmem:$0x1E400] =	vst v63  }
0xbd: {  	s21 =	simm.s32 @!p0 $0x7  }
0xbe: {  	_ =	swait.ge @!p0 [sflag:s21], $0x2000  }
0xbf: {  	[sflag:s21] =	ssyncset.done @!p0 $0x0  }
0xc0: {  	s4 =	sadd.s32 @!p0 s6, s4;
	[sflag:s21] =	ssyncadd.s32 @!p0 $0xFFFFE000;
	s21 =	simm.s32 @!p0 $0x14080  }
0xc1: {  	[tilespmem:s21], [sflag:$0x11] =	stream.linear.gather @!p0 [hbm4b:s4+s18], $0x80, $0x38;
	[tilespmem:$0x1E400] =	vst v63  }
0xc2: {  	s4 =	simm.s32 @!p0 $0xC  }
0xc3: {  	_ =	swait.ge @!p0 [sflag:s4], $0x80  }
0xc4: {  	[sflag:s4] =	ssyncset.done @!p0 $0x0  }
0xc5: {  	s21 =	simm.s32 @!p0 $0x16400;
	[sflag:s4] =	ssyncadd.s32 @!p0 $0xFFFFFF80;
	s4 =	simm.s32 @!p0 $0x13C80  }
0xc6: {  	[tilespmem:s21], [sflag:$0x2] =	stream.indirect.gather @!p0 [hbm4b:s5+s20], $0x80, s4, s20, $0xb8;
	[tilespmem:$0x1E400] =	vst v63  }
0xc7: {  	s4 =	simm.s32 @!p0 $0x8  }
0xc8: {  	_ =	swait.ge @!p0 [sflag:s4], $0x2000  }
0xc9: {  	[sflag:s4] =	ssyncset.done @!p0 $0x0  }
0xca: {  	s0 =	sadd.s32 @!p0 s6, s0;
	[sflag:s4] =	ssyncadd.s32 @!p0 $0xFFFFE000;
	s4 =	simm.s32 @!p0 $0x14100  }
0xcb: {  	[tilespmem:s4], [sflag:$0x12] =	stream.linear.gather @!p0 [hbm4b:s0+s18], $0x80, $0x38;
	[tilespmem:$0x1E400] =	vst v63  }
0xcc: {  	s0 =	simm.s32 @!p0 $0xD  }
0xcd: {  	_ =	swait.ge @!p0 [sflag:s0], $0x80  }
0xce: {  	[sflag:s0] =	ssyncset.done @!p0 $0x0  }
0xcf: {  	s4 =	simm.s32 @!p0 $0x18400;
	[sflag:s0] =	ssyncadd.s32 @!p0 $0xFFFFFF80;
	s0 =	simm.s32 @!p0 $0x13D00  }
0xd0: {  	[tilespmem:s4], [sflag:$0x3] =	stream.indirect.gather @!p0 [hbm4b:s5+s20], $0x80, s0, s20, $0xb8;
	[tilespmem:$0x1E400] =	vst v63  }
0xd1: {  	s0 =	simm.s32 @!p0 $0x9  }
0xd2: {  	_ =	swait.ge @!p0 [sflag:s0], $0x2000  }
0xd3: {  	[sflag:s0] =	ssyncset.done @!p0 $0x0  }
0xd4: {  	s4 =	simm.s32 @!p0 $0x14180;
	[sflag:s0] =	ssyncadd.s32 @!p0 $0xFFFFE000;
	s0 =	sadd.s32 @!p0 s6, s14  }
0xd5: {  	[tilespmem:s4], [sflag:$0x13] =	stream.linear.gather @!p0 [hbm4b:s0+s18], $0x80, $0x38;
	[tilespmem:$0x1E400] =	vst v63  }
0xd6: {  	s0 =	simm.s32 @!p0 $0xE  }
0xd7: {  	_ =	swait.ge @!p0 [sflag:s0], $0x80  }
0xd8: {  	[sflag:s0] =	ssyncset.done @!p0 $0x0  }
0xd9: {  	[sflag:s0] =	ssyncadd.s32 @!p0 $0xFFFFFF80;
	s0 =	simm.s32 @!p0 $0x1A400  }
0xda: {  	[tilespmem:s0], [sflag:$0x4] =	stream.indirect.gather @!p0 [hbm4b:s5+s20], $0x80, s11, s20, $0xb8;
	[tilespmem:$0x1E400] =	vst v63  }
0xdb: {  	s13 =	sadd.s32 @!p0 $0x5, s13;
	s0 =	simm.s32 @!p0 $0xA  }
0xdc: {  	p1 =	sne.s32 @!p0 s13, $0xA4;
	_ =	swait.ge @!p0 [sflag:s0], $0x2000  }
0xdd: {  	p1 =	por p0, !p1;
	[sflag:s0] =	ssyncset.done @!p0 $0x0  }
0xde: {  	s4 =	simm.s32 @!p0 $0x14200;
	[sflag:s0] =	ssyncadd.s32 @!p0 $0xFFFFE000;
	s0 =	sadd.s32 @!p0 s6, s17  }
0xdf: {  	[tilespmem:s4], [sflag:$0x14] =	stream.linear.gather @!p0 [hbm4b:s0+s18], $0x80, $0x38;
	[tilespmem:$0x1E400] =	vst v63  }
.Ltmp4:
0xe0: {  	s0 =	simm.s32 @!p0 $0xF;
	(pc) =	sbr.rel @p1 .LBB2_13-.Ltmp4, $4  }
0xe1: {  	_ =	swait.ge @!p0 [sflag:s0], $0x80  }
0xe2: {  	s16 =	sadd.s32 @!p0 $0x50, s16;
	[sflag:s0] =	ssyncset.done @!p0 $0x0  }
0xe3: {  	s7 =	sadd.s32 @!p0 $0x50, s7;
	[sflag:s0] =	ssyncadd.s32 @!p0 $0xFFFFFF80;
	s0 =	simm.s32 @!p0 $0x1C400  }
0xe4: {  	[tilespmem:s0], [sflag:$0x5] =	stream.indirect.gather @!p0 [hbm4b:s5+s20], $0x80, s15, s20, $0xb8;
	[tilespmem:$0x1E400] =	vst v63  }
.LBB2_4:
0xe5: {  	p0 =	seq.s32 s13, $0x4  }
0xe6: {  	s0 =	simm.s32 @!p0 $0x10  }
0xe7: {  	_ =	swait.ge @!p0 [sflag:s0], $0x80  }
0xe8: {  	[sflag:s0] =	ssyncset.done @!p0 $0x0  }
0xe9: {  	[sflag:s0] =	ssyncadd.s32 @!p0 $0xFFFFFF80;
	p0 =	seq.s32 s13, $0x9F  }
0xea: {  	_ =	swait.ge [sflag:s28], $0x2000;
	p1 =	seq.s32 @!p0 s13, $0x4  }
0xeb: {  	[sflag:s28] =	ssyncset.done $0x0;
	p1 =	por p0, !p1  }
.Ltmp5:
0xec: {  	s23 =	simm.s32 $0x14000;
	[sflag:s28] =	ssyncadd.s32 $0xFFFFE000;
	(pc) =	sbr.rel @!p1 .LBB2_6-.Ltmp5, $4  }
0xed: {  	[spmem:s3] =	stream.indirect.scatter.add.f32 [tilespmem:s1], [sflag:$0x6], $0x80, s23, s12, $0xb8;
	[tilespmem:$0x1E400] =	vst v63  }
0xee: {  	s0 =	simm.s32 @!p0 $0x0;
	s4 =	simm.s32 @!p0 $0x13C00  }
0xef: {  	[tilespmem:s4], [sflag:$0xB] =	stream.linear.gather @!p0 [hbm4b:s16+s0], $0x80, $0x38;
	[tilespmem:$0x1E400] =	vst v63  }
0xf0: {  	s4 =	sadd.s32 @!p0 $0xFFFFFFFD, s13  }
0xf1: {  	_ =	swait.ge [sflag:s31], $0x80  }
0xf2: {  	[sflag:s31] =	ssyncset.done $0x0  }
0xf3: {  	s4 =	simm.s32 @p0 $0x9C;
	[sflag:s31] =	ssyncadd.s32 $0xFFFFFF80  }
.LBB2_6:
0xf4: {  	_ =	swait.ge [sflag:s24], $0x2000  }
0xf5: {  	s11 =	simm.s32 $0x14080;
	s4 =	sadd.s32 @!p0 s8, s4;
	[sflag:s24] =	ssyncset.done $0x0  }
0xf6: {  	s14 =	simm.s32 $0x16400;
	s4 =	sshll.u32 @!p0 s4, $0x4;
	[sflag:s24] =	ssyncadd.s32 $0xFFFFE000  }
0xf7: {  	[spmem:s3] =	stream.indirect.scatter.add.f32 [tilespmem:s14], [sflag:$0x7], $0x80, s11, s12, $0xb8;
	[tilespmem:$0x1E400] =	vst v63  }
.Ltmp6:
0xf8: {  	s4 =	sadd.s32 @!p0 $0x50, s4;
	(pc) =	sbr.rel @!p1 .LBB2_8-.Ltmp6, $4  }
0xf9: {  	s4 =	sand.u32 @!p0 $0xFFFFFF0, s4  }
0xfa: {  	s14 =	simm.s32 @!p0 $0x13C80;
	s11 =	sadd.s32 @!p0 s2, s4  }
0xfb: {  	[tilespmem:s14], [sflag:$0xC] =	stream.linear.gather @!p0 [hbm4b:s11+s0], $0x80, $0x38;
	[tilespmem:$0x1E400] =	vst v63  }
0xfc: {  	s0 =	sadd.s32 @!p0 $0xFFFFFFFE, s13  }
0xfd: {  	_ =	swait.ge [sflag:s30], $0x80  }
0xfe: {  	[sflag:s30] =	ssyncset.done $0x0  }
0xff: {  	s0 =	simm.s32 @p0 $0x9D;
	[sflag:s30] =	ssyncadd.s32 $0xFFFFFF80  }
.LBB2_8:
0x100: {  	_ =	swait.ge [sflag:s29], $0x2000  }
0x101: {  	s11 =	simm.s32 $0x14100;
	s0 =	sadd.s32 @!p0 s8, s0;
	[sflag:s29] =	ssyncset.done $0x0  }
0x102: {  	s14 =	simm.s32 $0x18400;
	s0 =	sshll.u32 @!p0 s0, $0x4;
	[sflag:s29] =	ssyncadd.s32 $0xFFFFE000  }
0x103: {  	[spmem:s3] =	stream.indirect.scatter.add.f32 [tilespmem:s14], [sflag:$0x8], $0x80, s11, s12, $0xb8;
	[tilespmem:$0x1E400] =	vst v63  }
.Ltmp7:
0x104: {  	s0 =	sadd.s32 @!p0 $0x50, s0;
	(pc) =	sbr.rel @!p1 .LBB2_10-.Ltmp7, $4  }
0x105: {  	s0 =	sand.u32 @!p0 $0xFFFFFF0, s0  }
0x106: {  	s15 =	simm.s32 @!p0 $0x0;
	s14 =	simm.s32 @!p0 $0x13D00;
	s11 =	sadd.s32 @!p0 s2, s0  }
0x107: {  	[tilespmem:s14], [sflag:$0xD] =	stream.linear.gather @!p0 [hbm4b:s11+s15], $0x80, $0x38;
	[tilespmem:$0x1E400] =	vst v63  }
0x108: {  	s11 =	sadd.s32 @!p0 $0xFFFFFFFF, s13  }
0x109: {  	_ =	swait.ge [sflag:s22], $0x80  }
0x10a: {  	[sflag:s22] =	ssyncset.done $0x0  }
0x10b: {  	s11 =	simm.s32 @p0 $0x9E;
	[sflag:s22] =	ssyncadd.s32 $0xFFFFFF80  }
.LBB2_10:
0x10c: {  	_ =	swait.ge [sflag:s10], $0x2000  }
0x10d: {  	s14 =	simm.s32 $0x14180;
	s11 =	sadd.s32 @!p0 s8, s11;
	[sflag:s10] =	ssyncset.done $0x0  }
0x10e: {  	s17 =	simm.s32 $0x1A400;
	s11 =	sshll.u32 @!p0 s11, $0x4;
	[sflag:s10] =	ssyncadd.s32 $0xFFFFE000  }
0x10f: {  	[spmem:s3] =	stream.indirect.scatter.add.f32 [tilespmem:s17], [sflag:$0x9], $0x80, s14, s12, $0xb8;
	[tilespmem:$0x1E400] =	vst v63  }
.Ltmp8:
0x110: {  	s11 =	sadd.s32 @!p0 $0x50, s11;
	(pc) =	sbr.rel @!p1 .LBB2_12-.Ltmp8, $4  }
0x111: {  	s14 =	sand.u32 @!p0 $0xFFFFFF0, s11  }
0x112: {  	s11 =	simm.s32 @!p0 $0x13D80;
	s17 =	sadd.s32 @!p0 s2, s14  }
0x113: {  	[tilespmem:s11], [sflag:$0xE] =	stream.linear.gather @!p0 [hbm4b:s17+s15], $0x80, $0x38;
	[tilespmem:$0x1E400] =	vst v63  }
0x114: {  	s15 =	smov.u32 s13  }
.Ltmp9:
0x115: {  	(pc) =	sbr.rel .LBB2_12-.Ltmp9, $4  }
0x116: {  	_ = 	snop  }
0x117: {  	_ =	swait.ge [sflag:s19], $0x80  }
0x118: {  	s15 =	smov.u32 s13;
	[sflag:s19] =	ssyncset.done $0x0  }
0x119: {  	s15 =	simm.s32 @p0 $0x9F;
	[sflag:s19] =	ssyncadd.s32 $0xFFFFFF80  }
.LBB2_14:
0x11a: {  	_ =	sfence.sel $0x180000  }
0x11b: {  	[bflag:$0x0] =	sbarrier.arrive $0xFFFF  }
0x11c: {  	_ =	strace $0x9000004A  }
0x11d: {  	s0 =	stileid.u32;
	[bflag:$0x2] =	sbarrier.arrive $0xFFFF  }
0x11e: {  	p0 =	sne.s32 s0, $0x0;
	s0 =	rddreg [dreg:$0x3]  }
0x11f: {  	s0 =	sadd.s32 @!p0 $0x100000, s0  }
0x120: {  	[sflag:s0] =	ssyncadd.tile.s32 @!p0 $0x1;
	_ =	shalt  }
.Lfunc_end2:
_tile_overlayer_lowered:
.L_overlay_start_2:
0x121: {  	(tag) =	ssettag $0x2  }
0x122: {  	s0 =	rddreg [dreg:$0x0];
	s2 =	stileid.u32  }
0x123: {  	s1 =	rddreg [dreg:$0x1];
	p0 =	sne.s32 s2, $0x0  }
0x124: {  	s3 =	rddreg [dreg:$0x2];
	[bflag:$0x3] =	sbarrier.arrive $0xFFFF;
	s2 =	simm.s32 @!p0 $0x1C15  }
0x125: {  	[timem:s3], [sflag:s2] =	dma.local @!p0 [hbm:s0], s1  }
0x126: {  	s0 =	simm.s32 @!p0 $0x15  }
0x127: {  	_ =	swait.ge @!p0 [sflag:s0], s1  }
0x128: {  	s1 =	ssub.s32 @!p0 $0x0, s1;
	[sflag:s0] =	ssyncset.done @!p0 $0x0  }
0x129: {  	[sflag:s0] =	ssyncadd.s32 @!p0 s1  }
0x12a: {  	[bflag:$0x3] =	sbarrier.arrive $0xFFFF  }
0x12b: {  	_ =	shalt  }

</sc_bundles>
